<compile_context>
chip_gen: v7x
topology: tpu7x:2x2x1
jax: 0.10.2.dev20260603
libtpu: 0.0.44.dev20260713+nightly
codegen_flags: <defaults>
</compile_context>

<pallas_src>
import functools

import jax
import jax.numpy as jnp
from jax import lax
from jax.experimental import pallas as pl
from jax.experimental.pallas import tpu as pltpu
from jax.experimental.pallas import tpu_sc as plsc

N = 10000
E = 160000
IN_DIM = 256
H1 = 256
H2 = 128

NC = 2
NS = 16
NW = NC * NS

F32 = jnp.float32


_DEG_EPT = E // NW
_DEG_FULL = _DEG_EPT // 16
_DEG_REM = _DEG_EPT - _DEG_FULL * 16

@functools.cache
def _make_sc_degrees():
    mesh = plsc.VectorSubcoreMesh(core_axis_name="c", subcore_axis_name="s",
                                  num_cores=NC, num_subcores=NS)
    return pl.kernel(
        _sc_degrees_body,
        out_type=jax.ShapeDtypeStruct((NW, 2, N), F32),
        mesh=mesh,
        compiler_params=pltpu.CompilerParams(needs_layout_passes=False),
        scratch_types=[
            pltpu.VMEM((_DEG_EPT + 16,), jnp.int32),
            pltpu.VMEM((_DEG_EPT + 16,), jnp.int32),
            pltpu.VMEM((N,), F32),
            pltpu.VMEM((N,), F32),
        ],
    )


def _sc_degrees_body(src_hbm, dst_hbm, out_hbm, src_v, dst_v, acc_o, acc_i):
    c = lax.axis_index("c")
    s = lax.axis_index("s")
    wid = s * NC + c
    base = wid * _DEG_EPT

    zeros16 = jnp.zeros((16,), F32)

    def zero_body(i, _):
        acc_o[pl.ds(i * 16, 16)] = zeros16
        acc_i[pl.ds(i * 16, 16)] = zeros16
        return 0

    lax.fori_loop(0, N // 16, zero_body, 0)

    pltpu.sync_copy(src_hbm.at[pl.ds(base, _DEG_EPT)],
                    src_v.at[pl.ds(0, _DEG_EPT)])
    pltpu.sync_copy(dst_hbm.at[pl.ds(base, _DEG_EPT)],
                    dst_v.at[pl.ds(0, _DEG_EPT)])

    ones16 = jnp.ones((16,), F32)

    def body(i, _):
        sv = src_v[pl.ds(i * 16, 16)]
        dv = dst_v[pl.ds(i * 16, 16)]
        plsc.addupdate_scatter(acc_o, [sv], ones16)
        plsc.addupdate_scatter(acc_i, [dv], ones16)
        return 0

    lax.fori_loop(0, _DEG_FULL, body, 0)

    if _DEG_REM:
        mask = lax.iota(jnp.int32, 16) < _DEG_REM
        sv = src_v[pl.ds(_DEG_FULL * 16, 16)]
        dv = dst_v[pl.ds(_DEG_FULL * 16, 16)]
        plsc.addupdate_scatter(acc_o, [sv], ones16, mask=mask)
        plsc.addupdate_scatter(acc_i, [dv], ones16, mask=mask)

    pltpu.sync_copy(acc_o, out_hbm.at[wid, 0])
    pltpu.sync_copy(acc_i, out_hbm.at[wid, 1])



_EPT = E // NS
_CH = 96
_FULL = _EPT // _CH
_TAIL = _EPT - _FULL * _CH
_NBUF = 4

_RPT = 624
_RPT_REM = N - NS * _RPT


@functools.cache
def _make_sc_propagate():
    mesh = plsc.VectorSubcoreMesh(core_axis_name="c", subcore_axis_name="s",
                                  num_cores=NC, num_subcores=NS)
    return pl.kernel(
        _sc_propagate_body,
        out_type=jax.ShapeDtypeStruct((NC, N, H2), F32),
        mesh=mesh,
        compiler_params=pltpu.CompilerParams(needs_layout_passes=False),
        scratch_types=(
            [pltpu.VMEM((_CH,), jnp.int32)] * _NBUF
            + [pltpu.VMEM((_CH,), jnp.int32)] * _NBUF
            + [pltpu.VMEM((_CH, H2), F32)] * _NBUF
            + [
                pltpu.VMEM((_TAIL,), jnp.int32),
                pltpu.VMEM((_TAIL,), jnp.int32),
                pltpu.VMEM_SHARED((N, H2), F32),
            ]
            + [pltpu.SemaphoreType.DMA] * (3 * _NBUF)
        ),
    )


def _sc_propagate_body(ha_hbm, hb_hbm, src_hbm, dst_hbm, zero_hbm, out_hbm,
                       *refs):
    src_bufs = refs[0:_NBUF]
    dst_bufs = refs[_NBUF:2 * _NBUF]
    row_bufs = refs[2 * _NBUF:3 * _NBUF]
    src_t, dst_t, acc = refs[3 * _NBUF:3 * _NBUF + 3]
    sems = refs[3 * _NBUF + 3:]
    isems = sems[0:_NBUF]
    gsems = sems[_NBUF:2 * _NBUF]
    ssems = sems[2 * _NBUF:3 * _NBUF]

    c = lax.axis_index("c")
    s = lax.axis_index("s")

    pltpu.sync_copy(zero_hbm.at[pl.ds(s * _RPT, _RPT)],
                    acc.at[pl.ds(s * _RPT, _RPT)])

    @pl.when(s == NS - 1)
    def _():
        pltpu.sync_copy(zero_hbm.at[pl.ds(NS * _RPT, _RPT_REM)],
                        acc.at[pl.ds(NS * _RPT, _RPT_REM)])

    plsc.subcore_barrier()

    base0 = s * _EPT

    def h_ref_op(sv, rv, sem, wait):
        @pl.when(c == 0)
        def _():
            cp = pltpu.make_async_copy(ha_hbm.at[sv], rv, sem)
            cp.wait() if wait else cp.start()

        @pl.when(c == 1)
        def _():
            cp = pltpu.make_async_copy(hb_hbm.at[sv], rv, sem)
            cp.wait() if wait else cp.start()

    def body(k, _):
        for i in range(_NBUF):
            j = _NBUF * k + i
            sv, dv, rv = src_bufs[i], dst_bufs[i], row_bufs[i]

            @pl.when(k > 0)
            def _():
                pltpu.make_async_copy(rv, acc.at[dv], ssems[i]).wait()

            pltpu.async_copy(src_hbm.at[pl.ds(base0 + j * _CH, _CH)], sv,
                             isems[i])
            pltpu.async_copy(dst_hbm.at[pl.ds(base0 + j * _CH, _CH)], dv,
                             isems[i])
        for i in range(_NBUF):
            j = _NBUF * k + i
            sv, dv, rv = src_bufs[i], dst_bufs[i], row_bufs[i]
            pltpu.make_async_copy(src_hbm.at[pl.ds(base0 + j * _CH, _CH)], sv,
                                  isems[i]).wait()
            pltpu.make_async_copy(dst_hbm.at[pl.ds(base0 + j * _CH, _CH)], dv,
                                  isems[i]).wait()
            h_ref_op(sv, rv, gsems[i], wait=False)
        for i in range(_NBUF):
            sv, dv, rv = src_bufs[i], dst_bufs[i], row_bufs[i]
            h_ref_op(sv, rv, gsems[i], wait=True)
            pltpu.async_copy(rv, acc.at[dv], ssems[i], add=True)
        return 0

    lax.fori_loop(0, _FULL // _NBUF, body, 0)
    for i in range(_NBUF):
        pltpu.make_async_copy(row_bufs[i], acc.at[dst_bufs[i]],
                              ssems[i]).wait()

    if _TAIL:
        base = base0 + _FULL * _CH
        rows_t = row_bufs[0].at[pl.ds(0, _TAIL)]
        pltpu.sync_copy(src_hbm.at[pl.ds(base, _TAIL)], src_t)
        pltpu.sync_copy(dst_hbm.at[pl.ds(base, _TAIL)], dst_t)
        h_ref_op(src_t, rows_t, gsems[0], wait=False)
        h_ref_op(src_t, rows_t, gsems[0], wait=True)
        pltpu.sync_copy(rows_t, acc.at[dst_t], add=True)

    plsc.subcore_barrier()
    pltpu.sync_copy(acc.at[pl.ds(s * _RPT, _RPT)],
                    out_hbm.at[c].at[pl.ds(s * _RPT, _RPT)])

    @pl.when(s == NS - 1)
    def _():
        pltpu.sync_copy(acc.at[pl.ds(NS * _RPT, _RPT_REM)],
                        out_hbm.at[c].at[pl.ds(NS * _RPT, _RPT_REM)])



_BM = 1000


def _norms_body(degp_ref, out_ref):
    deg = jnp.sum(degp_ref[...], axis=0)
    out_ref[...] = lax.rsqrt(jnp.maximum(deg, 1.0))


def _tc_norms(degp):
    return pl.pallas_call(
        _norms_body,
        out_shape=jax.ShapeDtypeStruct((2, N), F32),
    )(degp)


def _scale_body(f_ref, on_ref, a_ref, b_ref):
    xs = f_ref[...] * on_ref[...]
    a_ref[...] = xs[:, :H2]
    b_ref[...] = xs[:, H2:]


def _tc_scale(features, onorm):
    grid = (N // _BM,)
    return pl.pallas_call(
        _scale_body,
        grid=grid,
        in_specs=[
            pl.BlockSpec((_BM, IN_DIM), lambda i: (i, 0)),
            pl.BlockSpec((_BM, 1), lambda i: (i, 0)),
        ],
        out_specs=[
            pl.BlockSpec((_BM, H2), lambda i: (i, 0)),
            pl.BlockSpec((_BM, H2), lambda i: (i, 0)),
        ],
        out_shape=[
            jax.ShapeDtypeStruct((N, H2), F32),
            jax.ShapeDtypeStruct((N, H2), F32),
        ],
        compiler_params=pltpu.CompilerParams(
            dimension_semantics=("parallel",)),
    )(features, onorm)


def _layer1_body(a0_ref, a1_ref, w_ref, b_ref, in_ref, on_ref, ha_ref, hb_ref):
    w = w_ref[...]
    t = jnp.dot(a0_ref[0], w[:H2, :], preferred_element_type=F32)
    t += jnp.dot(a1_ref[0], w[H2:, :], preferred_element_type=F32)
    t = t * in_ref[...] + b_ref[...]
    t = jnp.maximum(t, 0.0) * on_ref[...]
    ha_ref[...] = t[:, :H2]
    hb_ref[...] = t[:, H2:]


def _tc_layer1(agg, W1, b1r, inorm, onorm):
    grid = (N // _BM,)
    return pl.pallas_call(
        _layer1_body,
        grid=grid,
        in_specs=[
            pl.BlockSpec((1, _BM, H2), lambda i: (0, i, 0)),
            pl.BlockSpec((1, _BM, H2), lambda i: (1, i, 0)),
            pl.BlockSpec((IN_DIM, H1), lambda i: (0, 0)),
            pl.BlockSpec((1, H1), lambda i: (0, 0)),
            pl.BlockSpec((_BM, 1), lambda i: (i, 0)),
            pl.BlockSpec((_BM, 1), lambda i: (i, 0)),
        ],
        out_specs=[
            pl.BlockSpec((_BM, H2), lambda i: (i, 0)),
            pl.BlockSpec((_BM, H2), lambda i: (i, 0)),
        ],
        out_shape=[
            jax.ShapeDtypeStruct((N, H2), F32),
            jax.ShapeDtypeStruct((N, H2), F32),
        ],
        compiler_params=pltpu.CompilerParams(
            dimension_semantics=("parallel",)),
    )(agg, agg, W1, b1r, inorm, onorm)


def _z_body(a0_ref, a1_ref, w_ref, b_ref, in_ref, nz_ref, z_ref):
    w = w_ref[...]
    t = jnp.dot(a0_ref[0], w[:H2, :], preferred_element_type=F32)
    t += jnp.dot(a1_ref[0], w[H2:, :], preferred_element_type=F32)
    t = t * in_ref[...] + b_ref[...]
    z_ref[...] = t[:, :H2] + nz_ref[...] * jnp.exp(t[:, H2:])


def _tc_z(aggh, W23, b23r, inorm, noise):
    grid = (N // _BM,)
    return pl.pallas_call(
        _z_body,
        grid=grid,
        in_specs=[
            pl.BlockSpec((1, _BM, H2), lambda i: (0, i, 0)),
            pl.BlockSpec((1, _BM, H2), lambda i: (1, i, 0)),
            pl.BlockSpec((H1, 2 * H2), lambda i: (0, 0)),
            pl.BlockSpec((1, 2 * H2), lambda i: (0, 0)),
            pl.BlockSpec((_BM, 1), lambda i: (i, 0)),
            pl.BlockSpec((_BM, H2), lambda i: (i, 0)),
        ],
        out_specs=pl.BlockSpec((_BM, H2), lambda i: (i, 0)),
        out_shape=jax.ShapeDtypeStruct((N, H2), F32),
        compiler_params=pltpu.CompilerParams(
            dimension_semantics=("parallel",)),
    )(aggh, aggh, W23, b23r, inorm, noise)


_DBM = 256


def _dec_body(zr_ref, zc_ref, out_ref):
    acc = lax.dot_general(zr_ref[...], zc_ref[...],
                          (((1,), (1,)), ((), ())),
                          preferred_element_type=F32)
    out_ref[...] = jax.nn.sigmoid(acc)


def _tc_decoder(z):
    grid = (pl.cdiv(N, _DBM),)
    return pl.pallas_call(
        _dec_body,
        grid=grid,
        in_specs=[
            pl.BlockSpec((_DBM, H2), lambda i: (i, 0)),
            pl.BlockSpec((N, H2), lambda i: (0, 0)),
        ],
        out_specs=pl.BlockSpec((_DBM, N), lambda i: (i, 0)),
        out_shape=jax.ShapeDtypeStruct((N, N), F32),
        compiler_params=pltpu.CompilerParams(
            dimension_semantics=("parallel",)),
    )(z, z)



@functools.cache
def _noise_const():
    return jax.random.normal(jax.random.key(42), (N, H2), dtype=F32)


def kernel(features, edge_index, W1, b1, W2, b2, W3, b3):
    src = edge_index[0]
    dst = edge_index[1]

    degp = _make_sc_degrees()(src, dst)
    norms = _tc_norms(degp)
    onorm = norms[0].reshape(N, 1)
    inorm = norms[1].reshape(N, 1)

    xsA, xsB = _tc_scale(features, onorm)
    zeros = jnp.zeros((N, H2), F32)
    propagate = _make_sc_propagate()
    agg = propagate(xsA, xsB, src, dst, zeros)
    hA, hB = _tc_layer1(agg, W1, b1.reshape(1, H1), inorm, onorm)
    aggh = propagate(hA, hB, src, dst, zeros)

    W23 = jnp.concatenate([W2, W3], axis=1)
    b23 = jnp.concatenate([b2, b3]).reshape(1, 2 * H2)
    z = _tc_z(aggh, W23, b23, inorm, _noise_const())

    return _tc_decoder(z)

# --- scband reference (transcript-rebuilt; emitter-appended) ---
"""Pipeline reference for scband-gcnmodel-vae-32100585570937 (READ-ONLY COPY).

The authoritative reference and input builder live on the scoring server;
editing this copy changes nothing except your own understanding.
"""

import jax, jax.numpy as jnp
import numpy as np

N = 10000
E = 160000
IN_DIM = 256
H1 = 256
H2 = 128


def setup_inputs(seed: int = 0) -> dict:
    key = jax.random.key(seed)
    ks = jax.random.split(key, 9)
    features = jax.random.normal(ks[0], (N, IN_DIM), dtype=jnp.float32)
    edge_index = jax.random.randint(ks[1], (2, E), 0, N, dtype=jnp.int32)
    # GraphConv weights (glorot-like init)
    W1 = jax.random.normal(ks[2], (IN_DIM, H1), dtype=jnp.float32) * (1.0 / np.sqrt(IN_DIM))
    b1 = jnp.zeros((H1,), dtype=jnp.float32)
    W2 = jax.random.normal(ks[3], (H1, H2), dtype=jnp.float32) * (1.0 / np.sqrt(H1))
    b2 = jnp.zeros((H2,), dtype=jnp.float32)
    W3 = jax.random.normal(ks[4], (H1, H2), dtype=jnp.float32) * (1.0 / np.sqrt(H1))
    b3 = jnp.zeros((H2,), dtype=jnp.float32)
    return {"features": features, "edge_index": edge_index,
            "W1": W1, "b1": b1, "W2": W2, "b2": b2, "W3": W3, "b3": b3}


def _gcn_layer(x, src, dst, out_norm, in_norm, W, b, act):
    # DGL GraphConv, norm='both': D_out^{-1/2} A^T D_in^{-1/2} X W + b
    h = x * out_norm[:, None]
    h = h @ W
    agg = jax.ops.segment_sum(h[src], dst, num_segments=N)
    h = agg * in_norm[:, None] + b
    return act(h)


def reference(features, edge_index, W1, b1, W2, b2, W3, b3):
    src = edge_index[0]
    dst = edge_index[1]
    ones = jnp.ones((E,), dtype=jnp.float32)
    out_deg = jnp.clip(jax.ops.segment_sum(ones, src, num_segments=N), 1.0)
    in_deg = jnp.clip(jax.ops.segment_sum(ones, dst, num_segments=N), 1.0)
    out_norm = out_deg ** -0.5
    in_norm = in_deg ** -0.5
    # encoder (dropout p=0.0 -> identity)
    h = _gcn_layer(features, src, dst, out_norm, in_norm, W1, b1, jax.nn.relu)
    mean = _gcn_layer(h, src, dst, out_norm, in_norm, W2, b2, lambda t: t)
    log_std = _gcn_layer(h, src, dst, out_norm, in_norm, W3, b3, lambda t: t)
    # reparameterization: fixed-key gaussian noise (torch.randn in original)
    noise = jax.random.normal(jax.random.key(42), (N, H2), dtype=jnp.float32)
    z = mean + noise * jnp.exp(log_std)
    # decoder: inner-product reconstruction
    adj_rec = jax.nn.sigmoid(z @ z.T)
    return adj_rec

if __name__ == "__main__":
    import jax
    _d = setup_inputs()
    print(jax.jit(kernel)(*tuple(_d.values())))

</pallas_src>

<mosaic_0001>
#map = affine_map<(d0, d1) -> (0)>
#map1 = affine_map<(d0, d1) -> (0, 0, 0)>
module attributes {stable_mosaic.version = 14 : i64} {
  func.func @_sc_degrees_body(%arg0: i32, %arg1: i32, %arg2: memref<160000xi32, #tpu.memory_space<hbm>>, %arg3: memref<160000xi32, #tpu.memory_space<hbm>>, %arg4: memref<32x2x10000xf32, #tpu.memory_space<hbm>>, %arg5: memref<5016xi32, #tpu.memory_space<vmem>>, %arg6: memref<5016xi32, #tpu.memory_space<vmem>>, %arg7: memref<10000xf32, #tpu.memory_space<vmem>>, %arg8: memref<10000xf32, #tpu.memory_space<vmem>>) attributes {dimension_semantics = [#tpu.dimension_semantics<core_parallel>, #tpu.dimension_semantics<subcore_parallel>], iteration_bounds = array<i64: 2, 16>, scalar_prefetch = 0 : i64, scratch_operands = 4 : i64, tpu.core_type = #tpu.core_type<sc_vector_subcore>, window_params = [{transform_indices = #map}, {transform_indices = #map}, {transform_indices = #map1}]} {
    %mul3A = arith.constant 2 : i32
    %mul3A_0 = arith.muli %arg1, %mul3A : i32
    %add3A = arith.addi %mul3A_0, %arg0 : i32
    %mul3A_1 = arith.constant 5000 : i32
    %mul3A_2 = arith.muli %add3A, %mul3A_1 : i32
    %broadcast_in_dim3A = arith.constant 0.000000e+00 : f32
    %broadcast_in_dim3A_3 = vector.broadcast %broadcast_in_dim3A : f32 to vector<16xf32>
    %scan3A = arith.constant 0 : i32
    %scan3A_4 = arith.constant 0 : i32
    %scan3A_5 = arith.constant 625 : i32
    %scan3A_6 = arith.addi %scan3A_4, %scan3A_5 : i32
    %scan3A_7 = arith.constant 1 : i32
    %scan3A_8 = scf.for %scan3A_25 = %scan3A_4 to %scan3A_6 step %scan3A_7 iter_args(%scan3A_26 = %scan3A) -> (i32)  : i32 {
      %mul3A_27 = arith.constant 16 : i32
      %mul3A_28 = arith.muli %scan3A_25, %mul3A_27 : i32
      %swap3A = arith.index_cast %mul3A_28 : i32 to index
      %swap3A_29 = tpu.vector_load %arg7[%swap3A] {strides = array<i32>} : memref<10000xf32, #tpu.memory_space<vmem>>, vector<16xf32>,
      tpu.vector_store %arg7[%swap3A], %broadcast_in_dim3A_3 {strides = array<i32>} : memref<10000xf32, #tpu.memory_space<vmem>>, vector<16xf32>,
      %mul3A_30 = arith.constant 16 : i32
      %mul3A_31 = arith.muli %scan3A_25, %mul3A_30 : i32
      %swap3A_32 = arith.index_cast %mul3A_31 : i32 to index
      %swap3A_33 = tpu.vector_load %arg8[%swap3A_32] {strides = array<i32>} : memref<10000xf32, #tpu.memory_space<vmem>>, vector<16xf32>,
      tpu.vector_store %arg8[%swap3A_32], %broadcast_in_dim3A_3 {strides = array<i32>} : memref<10000xf32, #tpu.memory_space<vmem>>, vector<16xf32>,
      %scan3A_34 = arith.constant 0 : i32
      scf.yield %scan3A_34 : i32
    }
    %scan3A_9 = arith.constant 625 : i32
    "tpu.region"() ({
      %run_scoped3A_25 = tpu.sem_alloc : memref<!tpu.dma_semaphore, #tpu.memory_space<semaphore_mem>>
      %dma_start3A = arith.constant 0 : i32
      %dma_start3A_26 = tpu.memref_slice %arg5[%dma_start3A] : memref<5016xi32, #tpu.memory_space<vmem>> -> memref<5000xi32, #tpu.memory_space<vmem>>
      %dma_start3A_27 = tpu.memref_slice %arg2[%mul3A_2] : memref<160000xi32, #tpu.memory_space<hbm>> -> memref<5000xi32, #tpu.memory_space<hbm>>
      %dma_start3A_28 = arith.constant 0 : i32
      %dma_start3A_29 = tpu.memref_slice %arg5[%dma_start3A_28] : memref<5016xi32, #tpu.memory_space<vmem>> -> memref<5000xi32, #tpu.memory_space<vmem>>
      %dma_start3A_30 = tpu.memref_slice %arg2[%mul3A_2] : memref<160000xi32, #tpu.memory_space<hbm>> -> memref<5000xi32, #tpu.memory_space<hbm>>
      tpu.enqueue_dma source(%dma_start3A_30 : memref<5000xi32, #tpu.memory_space<hbm>>) target(%dma_start3A_29 : memref<5000xi32, #tpu.memory_space<vmem>>) target_semaphore(%run_scoped3A_25 : memref<!tpu.dma_semaphore, #tpu.memory_space<semaphore_mem>>)
      %dma_wait3A = arith.constant 0 : i32
      %dma_wait3A_31 = tpu.memref_slice %arg5[%dma_wait3A] : memref<5016xi32, #tpu.memory_space<vmem>> -> memref<5000xi32, #tpu.memory_space<vmem>>
      %dma_wait3A_32 = tpu.memref_slice %arg2[%mul3A_2] : memref<160000xi32, #tpu.memory_space<hbm>> -> memref<5000xi32, #tpu.memory_space<hbm>>
      %dma_wait3A_33 = arith.constant 0 : i32
      %dma_wait3A_34 = tpu.memref_slice %arg5[%dma_wait3A_33] : memref<5016xi32, #tpu.memory_space<vmem>> -> memref<5000xi32, #tpu.memory_space<vmem>>
      %dma_wait3A_35 = tpu.memref_slice %arg2[%mul3A_2] : memref<160000xi32, #tpu.memory_space<hbm>> -> memref<5000xi32, #tpu.memory_space<hbm>>
      tpu.wait_dma2 semaphore(%run_scoped3A_25 : memref<!tpu.dma_semaphore, #tpu.memory_space<semaphore_mem>>) src(%dma_wait3A_35 : memref<5000xi32, #tpu.memory_space<hbm>>) dst(%dma_wait3A_34 : memref<5000xi32, #tpu.memory_space<vmem>>)
      tpu.yield
    }) : () -> ()
    "tpu.region"() ({
      %run_scoped3A_25 = tpu.sem_alloc : memref<!tpu.dma_semaphore, #tpu.memory_space<semaphore_mem>>
      %dma_start3A = arith.constant 0 : i32
      %dma_start3A_26 = tpu.memref_slice %arg6[%dma_start3A] : memref<5016xi32, #tpu.memory_space<vmem>> -> memref<5000xi32, #tpu.memory_space<vmem>>
      %dma_start3A_27 = tpu.memref_slice %arg3[%mul3A_2] : memref<160000xi32, #tpu.memory_space<hbm>> -> memref<5000xi32, #tpu.memory_space<hbm>>
      %dma_start3A_28 = arith.constant 0 : i32
      %dma_start3A_29 = tpu.memref_slice %arg6[%dma_start3A_28] : memref<5016xi32, #tpu.memory_space<vmem>> -> memref<5000xi32, #tpu.memory_space<vmem>>
      %dma_start3A_30 = tpu.memref_slice %arg3[%mul3A_2] : memref<160000xi32, #tpu.memory_space<hbm>> -> memref<5000xi32, #tpu.memory_space<hbm>>
      tpu.enqueue_dma source(%dma_start3A_30 : memref<5000xi32, #tpu.memory_space<hbm>>) target(%dma_start3A_29 : memref<5000xi32, #tpu.memory_space<vmem>>) target_semaphore(%run_scoped3A_25 : memref<!tpu.dma_semaphore, #tpu.memory_space<semaphore_mem>>)
      %dma_wait3A = arith.constant 0 : i32
      %dma_wait3A_31 = tpu.memref_slice %arg6[%dma_wait3A] : memref<5016xi32, #tpu.memory_space<vmem>> -> memref<5000xi32, #tpu.memory_space<vmem>>
      %dma_wait3A_32 = tpu.memref_slice %arg3[%mul3A_2] : memref<160000xi32, #tpu.memory_space<hbm>> -> memref<5000xi32, #tpu.memory_space<hbm>>
      %dma_wait3A_33 = arith.constant 0 : i32
      %dma_wait3A_34 = tpu.memref_slice %arg6[%dma_wait3A_33] : memref<5016xi32, #tpu.memory_space<vmem>> -> memref<5000xi32, #tpu.memory_space<vmem>>
      %dma_wait3A_35 = tpu.memref_slice %arg3[%mul3A_2] : memref<160000xi32, #tpu.memory_space<hbm>> -> memref<5000xi32, #tpu.memory_space<hbm>>
      tpu.wait_dma2 semaphore(%run_scoped3A_25 : memref<!tpu.dma_semaphore, #tpu.memory_space<semaphore_mem>>) src(%dma_wait3A_35 : memref<5000xi32, #tpu.memory_space<hbm>>) dst(%dma_wait3A_34 : memref<5000xi32, #tpu.memory_space<vmem>>)
      tpu.yield
    }) : () -> ()
    %broadcast_in_dim3A_10 = arith.constant 1.000000e+00 : f32
    %broadcast_in_dim3A_11 = vector.broadcast %broadcast_in_dim3A_10 : f32 to vector<16xf32>
    %scan3A_12 = arith.constant 0 : i32
    %scan3A_13 = arith.constant 0 : i32
    %scan3A_14 = arith.constant 312 : i32
    %scan3A_15 = arith.addi %scan3A_13, %scan3A_14 : i32
    %scan3A_16 = arith.constant 1 : i32
    %scan3A_17 = scf.for %scan3A_25 = %scan3A_13 to %scan3A_15 step %scan3A_16 iter_args(%scan3A_26 = %scan3A_12) -> (i32)  : i32 {
      %mul3A_27 = arith.constant 16 : i32
      %mul3A_28 = arith.muli %scan3A_25, %mul3A_27 : i32
      %get3A_29 = arith.index_cast %mul3A_28 : i32 to index
      %get3A_30 = tpu.vector_load %arg5[%get3A_29] {strides = array<i32>} : memref<5016xi32, #tpu.memory_space<vmem>>, vector<16xi32>,
      %mul3A_31 = arith.constant 16 : i32
      %mul3A_32 = arith.muli %scan3A_25, %mul3A_31 : i32
      %get3A_33 = arith.index_cast %mul3A_32 : i32 to index
      %get3A_34 = tpu.vector_load %arg6[%get3A_33] {strides = array<i32>} : memref<5016xi32, #tpu.memory_space<vmem>>, vector<16xi32>,
      tpu.vector_store_idx %arg7[%get3A_30], %broadcast_in_dim3A_11 {add = true} : memref<10000xf32, #tpu.memory_space<vmem>>[vector<16xi32>], vector<16xf32>,
      tpu.vector_store_idx %arg8[%get3A_34], %broadcast_in_dim3A_11 {add = true} : memref<10000xf32, #tpu.memory_space<vmem>>[vector<16xi32>], vector<16xf32>,
      %scan3A_35 = arith.constant 0 : i32
      scf.yield %scan3A_35 : i32
    }
    %scan3A_18 = arith.constant 312 : i32
    %iota3A = tpu.iota {dimensions = array<i32: 0>} : vector<16xi32>
    %lt3A = arith.constant 8 : i32
    %lt3A_19 = vector.broadcast %lt3A : i32 to vector<16xi32>
    %lt3A_20 = arith.cmpi slt, %iota3A, %lt3A_19 : vector<16xi32>
    %get3A = arith.constant 4992 : index
    %get3A_21 = tpu.vector_load %arg5[%get3A] {strides = array<i32>} : memref<5016xi32, #tpu.memory_space<vmem>>, vector<16xi32>,
    %get3A_22 = arith.constant 4992 : index
    %get3A_23 = tpu.vector_load %arg6[%get3A_22] {strides = array<i32>} : memref<5016xi32, #tpu.memory_space<vmem>>, vector<16xi32>,
    tpu.vector_store_idx %arg7[%get3A_21], %broadcast_in_dim3A_11 masked %lt3A_20 {add = true} : memref<10000xf32, #tpu.memory_space<vmem>>[vector<16xi32>], vector<16xf32>, vector<16xi1>
    tpu.vector_store_idx %arg8[%get3A_23], %broadcast_in_dim3A_11 masked %lt3A_20 {add = true} : memref<10000xf32, #tpu.memory_space<vmem>>[vector<16xi32>], vector<16xf32>, vector<16xi1>
    %run_scoped3A = arith.constant 0 : i32
    "tpu.region"() ({
      %run_scoped3A_25 = tpu.sem_alloc : memref<!tpu.dma_semaphore, #tpu.memory_space<semaphore_mem>>
      %dma_start3A = arith.constant 0 : i32
      %dma_start3A_26 = tpu.memref_slice %arg4[%add3A, %run_scoped3A, %dma_start3A] : memref<32x2x10000xf32, #tpu.memory_space<hbm>> -> memref<1x1x10000xf32, #tpu.memory_space<hbm>>
      %dma_start3A_27 = tpu.memref_squeeze %dma_start3A_26 : memref<1x1x10000xf32, #tpu.memory_space<hbm>> -> memref<10000xf32, #tpu.memory_space<hbm>>
      %dma_start3A_28 = arith.constant 0 : i32
      %dma_start3A_29 = tpu.memref_slice %arg4[%add3A, %run_scoped3A, %dma_start3A_28] : memref<32x2x10000xf32, #tpu.memory_space<hbm>> -> memref<1x1x10000xf32, #tpu.memory_space<hbm>>
      %dma_start3A_30 = tpu.memref_squeeze %dma_start3A_29 : memref<1x1x10000xf32, #tpu.memory_space<hbm>> -> memref<10000xf32, #tpu.memory_space<hbm>>
      tpu.enqueue_dma source(%arg7 : memref<10000xf32, #tpu.memory_space<vmem>>) target(%dma_start3A_30 : memref<10000xf32, #tpu.memory_space<hbm>>) target_semaphore(%run_scoped3A_25 : memref<!tpu.dma_semaphore, #tpu.memory_space<semaphore_mem>>)
      %dma_wait3A = arith.constant 0 : i32
      %dma_wait3A_31 = tpu.memref_slice %arg4[%add3A, %run_scoped3A, %dma_wait3A] : memref<32x2x10000xf32, #tpu.memory_space<hbm>> -> memref<1x1x10000xf32, #tpu.memory_space<hbm>>
      %dma_wait3A_32 = tpu.memref_squeeze %dma_wait3A_31 : memref<1x1x10000xf32, #tpu.memory_space<hbm>> -> memref<10000xf32, #tpu.memory_space<hbm>>
      %dma_wait3A_33 = arith.constant 0 : i32
      %dma_wait3A_34 = tpu.memref_slice %arg4[%add3A, %run_scoped3A, %dma_wait3A_33] : memref<32x2x10000xf32, #tpu.memory_space<hbm>> -> memref<1x1x10000xf32, #tpu.memory_space<hbm>>
      %dma_wait3A_35 = tpu.memref_squeeze %dma_wait3A_34 : memref<1x1x10000xf32, #tpu.memory_space<hbm>> -> memref<10000xf32, #tpu.memory_space<hbm>>
      tpu.wait_dma2 semaphore(%run_scoped3A_25 : memref<!tpu.dma_semaphore, #tpu.memory_space<semaphore_mem>>) src(%arg7 : memref<10000xf32, #tpu.memory_space<vmem>>) dst(%dma_wait3A_35 : memref<10000xf32, #tpu.memory_space<hbm>>)
      tpu.yield
    }) : () -> ()
    %run_scoped3A_24 = arith.constant 1 : i32
    "tpu.region"() ({
      %run_scoped3A_25 = tpu.sem_alloc : memref<!tpu.dma_semaphore, #tpu.memory_space<semaphore_mem>>
      %dma_start3A = arith.constant 0 : i32
      %dma_start3A_26 = tpu.memref_slice %arg4[%add3A, %run_scoped3A_24, %dma_start3A] : memref<32x2x10000xf32, #tpu.memory_space<hbm>> -> memref<1x1x10000xf32, #tpu.memory_space<hbm>>
      %dma_start3A_27 = tpu.memref_squeeze %dma_start3A_26 : memref<1x1x10000xf32, #tpu.memory_space<hbm>> -> memref<10000xf32, #tpu.memory_space<hbm>>
      %dma_start3A_28 = arith.constant 0 : i32
      %dma_start3A_29 = tpu.memref_slice %arg4[%add3A, %run_scoped3A_24, %dma_start3A_28] : memref<32x2x10000xf32, #tpu.memory_space<hbm>> -> memref<1x1x10000xf32, #tpu.memory_space<hbm>>
      %dma_start3A_30 = tpu.memref_squeeze %dma_start3A_29 : memref<1x1x10000xf32, #tpu.memory_space<hbm>> -> memref<10000xf32, #tpu.memory_space<hbm>>
      tpu.enqueue_dma source(%arg8 : memref<10000xf32, #tpu.memory_space<vmem>>) target(%dma_start3A_30 : memref<10000xf32, #tpu.memory_space<hbm>>) target_semaphore(%run_scoped3A_25 : memref<!tpu.dma_semaphore, #tpu.memory_space<semaphore_mem>>)
      %dma_wait3A = arith.constant 0 : i32
      %dma_wait3A_31 = tpu.memref_slice %arg4[%add3A, %run_scoped3A_24, %dma_wait3A] : memref<32x2x10000xf32, #tpu.memory_space<hbm>> -> memref<1x1x10000xf32, #tpu.memory_space<hbm>>
      %dma_wait3A_32 = tpu.memref_squeeze %dma_wait3A_31 : memref<1x1x10000xf32, #tpu.memory_space<hbm>> -> memref<10000xf32, #tpu.memory_space<hbm>>
      %dma_wait3A_33 = arith.constant 0 : i32
      %dma_wait3A_34 = tpu.memref_slice %arg4[%add3A, %run_scoped3A_24, %dma_wait3A_33] : memref<32x2x10000xf32, #tpu.memory_space<hbm>> -> memref<1x1x10000xf32, #tpu.memory_space<hbm>>
      %dma_wait3A_35 = tpu.memref_squeeze %dma_wait3A_34 : memref<1x1x10000xf32, #tpu.memory_space<hbm>> -> memref<10000xf32, #tpu.memory_space<hbm>>
      tpu.wait_dma2 semaphore(%run_scoped3A_25 : memref<!tpu.dma_semaphore, #tpu.memory_space<semaphore_mem>>) src(%arg8 : memref<10000xf32, #tpu.memory_space<vmem>>) dst(%dma_wait3A_35 : memref<10000xf32, #tpu.memory_space<hbm>>)
      tpu.yield
    }) : () -> ()
    return
  }
}

#map = affine_map<(d0, d1) -> (0, 0)>
#map1 = affine_map<(d0, d1) -> (0)>
#map2 = affine_map<(d0, d1) -> (0, 0, 0)>
module attributes {stable_mosaic.version = 14 : i64} {
  func.func @_sc_propagate_body(%arg0: i32, %arg1: i32, %arg2: memref<10000x128xf32, #tpu.memory_space<hbm>>, %arg3: memref<10000x128xf32, #tpu.memory_space<hbm>>, %arg4: memref<160000xi32, #tpu.memory_space<hbm>>, %arg5: memref<160000xi32, #tpu.memory_space<hbm>>, %arg6: memref<10000x128xf32, #tpu.memory_space<hbm>>, %arg7: memref<2x10000x128xf32, #tpu.memory_space<hbm>>, %arg8: memref<96xi32, #tpu.memory_space<vmem>>, %arg9: memref<96xi32, #tpu.memory_space<vmem>>, %arg10: memref<96xi32, #tpu.memory_space<vmem>>, %arg11: memref<96xi32, #tpu.memory_space<vmem>>, %arg12: memref<96xi32, #tpu.memory_space<vmem>>, %arg13: memref<96xi32, #tpu.memory_space<vmem>>, %arg14: memref<96xi32, #tpu.memory_space<vmem>>, %arg15: memref<96xi32, #tpu.memory_space<vmem>>, %arg16: memref<96x128xf32, #tpu.memory_space<vmem>>, %arg17: memref<96x128xf32, #tpu.memory_space<vmem>>, %arg18: memref<96x128xf32, #tpu.memory_space<vmem>>, %arg19: memref<96x128xf32, #tpu.memory_space<vmem>>, %arg20: memref<16xi32, #tpu.memory_space<vmem>>, %arg21: memref<16xi32, #tpu.memory_space<vmem>>, %arg22: memref<10000x128xf32, #tpu.memory_space<vmem_shared>>, %arg23: memref<!tpu.dma_semaphore, #tpu.memory_space<semaphore_mem>>, %arg24: memref<!tpu.dma_semaphore, #tpu.memory_space<semaphore_mem>>, %arg25: memref<!tpu.dma_semaphore, #tpu.memory_space<semaphore_mem>>, %arg26: memref<!tpu.dma_semaphore, #tpu.memory_space<semaphore_mem>>, %arg27: memref<!tpu.dma_semaphore, #tpu.memory_space<semaphore_mem>>, %arg28: memref<!tpu.dma_semaphore, #tpu.memory_space<semaphore_mem>>, %arg29: memref<!tpu.dma_semaphore, #tpu.memory_space<semaphore_mem>>, %arg30: memref<!tpu.dma_semaphore, #tpu.memory_space<semaphore_mem>>, %arg31: memref<!tpu.dma_semaphore, #tpu.memory_space<semaphore_mem>>, %arg32: memref<!tpu.dma_semaphore, #tpu.memory_space<semaphore_mem>>, %arg33: memref<!tpu.dma_semaphore, #tpu.memory_space<semaphore_mem>>, %arg34: memref<!tpu.dma_semaphore, #tpu.memory_space<semaphore_mem>>) attributes {dimension_semantics = [#tpu.dimension_semantics<core_parallel>, #tpu.dimension_semantics<subcore_parallel>], iteration_bounds = array<i64: 2, 16>, scalar_prefetch = 0 : i64, scratch_operands = 27 : i64, tpu.core_type = #tpu.core_type<sc_vector_subcore>, window_params = [{transform_indices = #map}, {transform_indices = #map}, {transform_indices = #map1}, {transform_indices = #map1}, {transform_indices = #map}, {transform_indices = #map2}]} {
    %mul3A = arith.constant 624 : i32
    %mul3A_0 = arith.muli %arg1, %mul3A : i32
    %mul3A_1 = arith.constant 624 : i32
    %mul3A_2 = arith.muli %arg1, %mul3A_1 : i32
    "tpu.region"() ({
      %run_scoped3A = tpu.sem_alloc : memref<!tpu.dma_semaphore, #tpu.memory_space<semaphore_mem>>
      %dma_start3A = arith.constant 0 : i32
      %dma_start3A_55 = tpu.memref_slice %arg22[%mul3A_2, %dma_start3A] : memref<10000x128xf32, #tpu.memory_space<vmem_shared>> -> memref<624x128xf32, #tpu.memory_space<vmem_shared>>
      %dma_start3A_56 = arith.constant 0 : i32
      %dma_start3A_57 = tpu.memref_slice %arg6[%mul3A_0, %dma_start3A_56] : memref<10000x128xf32, #tpu.memory_space<hbm>> -> memref<624x128xf32, #tpu.memory_space<hbm>>
      tpu.enqueue_dma source(%dma_start3A_57 : memref<624x128xf32, #tpu.memory_space<hbm>>) target(%dma_start3A_55 : memref<624x128xf32, #tpu.memory_space<vmem_shared>>) target_semaphore(%run_scoped3A : memref<!tpu.dma_semaphore, #tpu.memory_space<semaphore_mem>>)
      %dma_wait3A_58 = arith.constant 0 : i32
      %dma_wait3A_59 = tpu.memref_slice %arg22[%mul3A_2, %dma_wait3A_58] : memref<10000x128xf32, #tpu.memory_space<vmem_shared>> -> memref<624x128xf32, #tpu.memory_space<vmem_shared>>
      %dma_wait3A_60 = arith.constant 0 : i32
      %dma_wait3A_61 = tpu.memref_slice %arg6[%mul3A_0, %dma_wait3A_60] : memref<10000x128xf32, #tpu.memory_space<hbm>> -> memref<624x128xf32, #tpu.memory_space<hbm>>
      tpu.wait_dma2 semaphore(%run_scoped3A : memref<!tpu.dma_semaphore, #tpu.memory_space<semaphore_mem>>) src(%dma_wait3A_61 : memref<624x128xf32, #tpu.memory_space<hbm>>) dst(%dma_wait3A_59 : memref<624x128xf32, #tpu.memory_space<vmem_shared>>)
      tpu.yield
    }) : () -> ()
    %eq3A = arith.constant 15 : i32
    %eq3A_3 = arith.cmpi eq, %arg1, %eq3A : i32
    %convert_element_type3A = arith.extui %eq3A_3 : i1 to i32
    %cond3A = arith.constant 0 : i32
    %cond3A_4 = arith.cmpi ne, %convert_element_type3A, %cond3A : i32
    scf.if %cond3A_4 {
      "tpu.region"() ({
        %run_scoped3A = tpu.sem_alloc : memref<!tpu.dma_semaphore, #tpu.memory_space<semaphore_mem>>
        %dma_start3A = arith.constant 9984 : i32
        %dma_start3A_55 = arith.constant 0 : i32
        %dma_start3A_56 = tpu.memref_slice %arg22[%dma_start3A, %dma_start3A_55] : memref<10000x128xf32, #tpu.memory_space<vmem_shared>> -> memref<16x128xf32, #tpu.memory_space<vmem_shared>>
        %dma_start3A_57 = arith.constant 9984 : i32
        %dma_start3A_58 = arith.constant 0 : i32
        %dma_start3A_59 = tpu.memref_slice %arg6[%dma_start3A_57, %dma_start3A_58] : memref<10000x128xf32, #tpu.memory_space<hbm>> -> memref<16x128xf32, #tpu.memory_space<hbm>>
        tpu.enqueue_dma source(%dma_start3A_59 : memref<16x128xf32, #tpu.memory_space<hbm>>) target(%dma_start3A_56 : memref<16x128xf32, #tpu.memory_space<vmem_shared>>) target_semaphore(%run_scoped3A : memref<!tpu.dma_semaphore, #tpu.memory_space<semaphore_mem>>)
        %dma_wait3A_60 = arith.constant 9984 : i32
        %dma_wait3A_61 = arith.constant 0 : i32
        %dma_wait3A_62 = tpu.memref_slice %arg22[%dma_wait3A_60, %dma_wait3A_61] : memref<10000x128xf32, #tpu.memory_space<vmem_shared>> -> memref<16x128xf32, #tpu.memory_space<vmem_shared>>
        %dma_wait3A_63 = arith.constant 9984 : i32
        %dma_wait3A_64 = arith.constant 0 : i32
        %dma_wait3A_65 = tpu.memref_slice %arg6[%dma_wait3A_63, %dma_wait3A_64] : memref<10000x128xf32, #tpu.memory_space<hbm>> -> memref<16x128xf32, #tpu.memory_space<hbm>>
        tpu.wait_dma2 semaphore(%run_scoped3A : memref<!tpu.dma_semaphore, #tpu.memory_space<semaphore_mem>>) src(%dma_wait3A_65 : memref<16x128xf32, #tpu.memory_space<hbm>>) dst(%dma_wait3A_62 : memref<16x128xf32, #tpu.memory_space<vmem_shared>>)
        tpu.yield
      }) : () -> ()
    } else {
    }
    %barrier3A = arith.constant 0 : index
    tpu.barrier barrier_id(%barrier3A)
    %mul3A_5 = arith.constant 10000 : i32
    %mul3A_6 = arith.muli %arg1, %mul3A_5 : i32
    %scan3A = arith.constant 0 : i32
    %scan3A_7 = arith.constant 0 : i32
    %scan3A_8 = arith.constant 26 : i32
    %scan3A_9 = arith.addi %scan3A_7, %scan3A_8 : i32
    %scan3A_10 = arith.constant 1 : i32
    %scan3A_11 = scf.for %scan3A_55 = %scan3A_7 to %scan3A_9 step %scan3A_10 iter_args(%scan3A_56 = %scan3A) -> (i32)  : i32 {
      %mul3A_57 = arith.constant 4 : i32
      %mul3A_58 = arith.muli %mul3A_57, %scan3A_55 : i32
      %add3A_59 = arith.constant 0 : i32
      %add3A_60 = arith.addi %mul3A_58, %add3A_59 : i32
      %gt3A = arith.constant 0 : i32
      %gt3A_61 = arith.cmpi sgt, %scan3A_55, %gt3A : i32
      %convert_element_type3A_62 = arith.extui %gt3A_61 : i1 to i32
      %cond3A_63 = arith.constant 0 : i32
      %cond3A_64 = arith.cmpi ne, %convert_element_type3A_62, %cond3A_63 : i32
      scf.if %cond3A_64 {
        %dma_wait3A_280 = arith.constant 0 : i32
        %dma_wait3A_281 = arith.constant 0 : i32
        %dma_wait3A_282 = tpu.memref_slice %arg22[%dma_wait3A_280, %dma_wait3A_281] : memref<10000x128xf32, #tpu.memory_space<vmem_shared>> -> memref<10000x128xf32, #tpu.memory_space<vmem_shared>>
        tpu.wait_indirect_dma semaphore(%arg31 : memref<!tpu.dma_semaphore, #tpu.memory_space<semaphore_mem>>) src(%arg16 : memref<96x128xf32, #tpu.memory_space<vmem>>) dst(%dma_wait3A_282 : memref<10000x128xf32, #tpu.memory_space<vmem_shared>>)
      } else {
      }
      %mul3A_65 = arith.constant 96 : i32
      %mul3A_66 = arith.muli %add3A_60, %mul3A_65 : i32
      %add3A_67 = arith.addi %mul3A_6, %mul3A_66 : i32
      %dma_start3A = tpu.memref_slice %arg4[%add3A_67] : memref<160000xi32, #tpu.memory_space<hbm>> -> memref<96xi32, #tpu.memory_space<hbm>>
      %dma_start3A_68 = tpu.memref_slice %arg4[%add3A_67] : memref<160000xi32, #tpu.memory_space<hbm>> -> memref<96xi32, #tpu.memory_space<hbm>>
      tpu.enqueue_dma source(%dma_start3A_68 : memref<96xi32, #tpu.memory_space<hbm>>) target(%arg8 : memref<96xi32, #tpu.memory_space<vmem>>) target_semaphore(%arg23 : memref<!tpu.dma_semaphore, #tpu.memory_space<semaphore_mem>>)
      %mul3A_69 = arith.constant 96 : i32
      %mul3A_70 = arith.muli %add3A_60, %mul3A_69 : i32
      %add3A_71 = arith.addi %mul3A_6, %mul3A_70 : i32
      %dma_start3A_72 = tpu.memref_slice %arg5[%add3A_71] : memref<160000xi32, #tpu.memory_space<hbm>> -> memref<96xi32, #tpu.memory_space<hbm>>
      %dma_start3A_73 = tpu.memref_slice %arg5[%add3A_71] : memref<160000xi32, #tpu.memory_space<hbm>> -> memref<96xi32, #tpu.memory_space<hbm>>
      tpu.enqueue_dma source(%dma_start3A_73 : memref<96xi32, #tpu.memory_space<hbm>>) target(%arg12 : memref<96xi32, #tpu.memory_space<vmem>>) target_semaphore(%arg23 : memref<!tpu.dma_semaphore, #tpu.memory_space<semaphore_mem>>)
      %mul3A_74 = arith.constant 4 : i32
      %mul3A_75 = arith.muli %mul3A_74, %scan3A_55 : i32
      %add3A_76 = arith.constant 1 : i32
      %add3A_77 = arith.addi %mul3A_75, %add3A_76 : i32
      %gt3A_78 = arith.constant 0 : i32
      %gt3A_79 = arith.cmpi sgt, %scan3A_55, %gt3A_78 : i32
      %convert_element_type3A_80 = arith.extui %gt3A_79 : i1 to i32
      %cond3A_81 = arith.constant 0 : i32
      %cond3A_82 = arith.cmpi ne, %convert_element_type3A_80, %cond3A_81 : i32
      scf.if %cond3A_82 {
        %dma_wait3A_280 = arith.constant 0 : i32
        %dma_wait3A_281 = arith.constant 0 : i32
        %dma_wait3A_282 = tpu.memref_slice %arg22[%dma_wait3A_280, %dma_wait3A_281] : memref<10000x128xf32, #tpu.memory_space<vmem_shared>> -> memref<10000x128xf32, #tpu.memory_space<vmem_shared>>
        tpu.wait_indirect_dma semaphore(%arg32 : memref<!tpu.dma_semaphore, #tpu.memory_space<semaphore_mem>>) src(%arg17 : memref<96x128xf32, #tpu.memory_space<vmem>>) dst(%dma_wait3A_282 : memref<10000x128xf32, #tpu.memory_space<vmem_shared>>)
      } else {
      }
      %mul3A_83 = arith.constant 96 : i32
      %mul3A_84 = arith.muli %add3A_77, %mul3A_83 : i32
      %add3A_85 = arith.addi %mul3A_6, %mul3A_84 : i32
      %dma_start3A_86 = tpu.memref_slice %arg4[%add3A_85] : memref<160000xi32, #tpu.memory_space<hbm>> -> memref<96xi32, #tpu.memory_space<hbm>>
      %dma_start3A_87 = tpu.memref_slice %arg4[%add3A_85] : memref<160000xi32, #tpu.memory_space<hbm>> -> memref<96xi32, #tpu.memory_space<hbm>>
      tpu.enqueue_dma source(%dma_start3A_87 : memref<96xi32, #tpu.memory_space<hbm>>) target(%arg9 : memref<96xi32, #tpu.memory_space<vmem>>) target_semaphore(%arg24 : memref<!tpu.dma_semaphore, #tpu.memory_space<semaphore_mem>>)
      %mul3A_88 = arith.constant 96 : i32
      %mul3A_89 = arith.muli %add3A_77, %mul3A_88 : i32
      %add3A_90 = arith.addi %mul3A_6, %mul3A_89 : i32
      %dma_start3A_91 = tpu.memref_slice %arg5[%add3A_90] : memref<160000xi32, #tpu.memory_space<hbm>> -> memref<96xi32, #tpu.memory_space<hbm>>
      %dma_start3A_92 = tpu.memref_slice %arg5[%add3A_90] : memref<160000xi32, #tpu.memory_space<hbm>> -> memref<96xi32, #tpu.memory_space<hbm>>
      tpu.enqueue_dma source(%dma_start3A_92 : memref<96xi32, #tpu.memory_space<hbm>>) target(%arg13 : memref<96xi32, #tpu.memory_space<vmem>>) target_semaphore(%arg24 : memref<!tpu.dma_semaphore, #tpu.memory_space<semaphore_mem>>)
      %mul3A_93 = arith.constant 4 : i32
      %mul3A_94 = arith.muli %mul3A_93, %scan3A_55 : i32
      %add3A_95 = arith.constant 2 : i32
      %add3A_96 = arith.addi %mul3A_94, %add3A_95 : i32
      %gt3A_97 = arith.constant 0 : i32
      %gt3A_98 = arith.cmpi sgt, %scan3A_55, %gt3A_97 : i32
      %convert_element_type3A_99 = arith.extui %gt3A_98 : i1 to i32
      %cond3A_100 = arith.constant 0 : i32
      %cond3A_101 = arith.cmpi ne, %convert_element_type3A_99, %cond3A_100 : i32
      scf.if %cond3A_101 {
        %dma_wait3A_280 = arith.constant 0 : i32
        %dma_wait3A_281 = arith.constant 0 : i32
        %dma_wait3A_282 = tpu.memref_slice %arg22[%dma_wait3A_280, %dma_wait3A_281] : memref<10000x128xf32, #tpu.memory_space<vmem_shared>> -> memref<10000x128xf32, #tpu.memory_space<vmem_shared>>
        tpu.wait_indirect_dma semaphore(%arg33 : memref<!tpu.dma_semaphore, #tpu.memory_space<semaphore_mem>>) src(%arg18 : memref<96x128xf32, #tpu.memory_space<vmem>>) dst(%dma_wait3A_282 : memref<10000x128xf32, #tpu.memory_space<vmem_shared>>)
      } else {
      }
      %mul3A_102 = arith.constant 96 : i32
      %mul3A_103 = arith.muli %add3A_96, %mul3A_102 : i32
      %add3A_104 = arith.addi %mul3A_6, %mul3A_103 : i32
      %dma_start3A_105 = tpu.memref_slice %arg4[%add3A_104] : memref<160000xi32, #tpu.memory_space<hbm>> -> memref<96xi32, #tpu.memory_space<hbm>>
      %dma_start3A_106 = tpu.memref_slice %arg4[%add3A_104] : memref<160000xi32, #tpu.memory_space<hbm>> -> memref<96xi32, #tpu.memory_space<hbm>>
      tpu.enqueue_dma source(%dma_start3A_106 : memref<96xi32, #tpu.memory_space<hbm>>) target(%arg10 : memref<96xi32, #tpu.memory_space<vmem>>) target_semaphore(%arg25 : memref<!tpu.dma_semaphore, #tpu.memory_space<semaphore_mem>>)
      %mul3A_107 = arith.constant 96 : i32
      %mul3A_108 = arith.muli %add3A_96, %mul3A_107 : i32
      %add3A_109 = arith.addi %mul3A_6, %mul3A_108 : i32
      %dma_start3A_110 = tpu.memref_slice %arg5[%add3A_109] : memref<160000xi32, #tpu.memory_space<hbm>> -> memref<96xi32, #tpu.memory_space<hbm>>
      %dma_start3A_111 = tpu.memref_slice %arg5[%add3A_109] : memref<160000xi32, #tpu.memory_space<hbm>> -> memref<96xi32, #tpu.memory_space<hbm>>
      tpu.enqueue_dma source(%dma_start3A_111 : memref<96xi32, #tpu.memory_space<hbm>>) target(%arg14 : memref<96xi32, #tpu.memory_space<vmem>>) target_semaphore(%arg25 : memref<!tpu.dma_semaphore, #tpu.memory_space<semaphore_mem>>)
      %mul3A_112 = arith.constant 4 : i32
      %mul3A_113 = arith.muli %mul3A_112, %scan3A_55 : i32
      %add3A_114 = arith.constant 3 : i32
      %add3A_115 = arith.addi %mul3A_113, %add3A_114 : i32
      %gt3A_116 = arith.constant 0 : i32
      %gt3A_117 = arith.cmpi sgt, %scan3A_55, %gt3A_116 : i32
      %convert_element_type3A_118 = arith.extui %gt3A_117 : i1 to i32
      %cond3A_119 = arith.constant 0 : i32
      %cond3A_120 = arith.cmpi ne, %convert_element_type3A_118, %cond3A_119 : i32
      scf.if %cond3A_120 {
        %dma_wait3A_280 = arith.constant 0 : i32
        %dma_wait3A_281 = arith.constant 0 : i32
        %dma_wait3A_282 = tpu.memref_slice %arg22[%dma_wait3A_280, %dma_wait3A_281] : memref<10000x128xf32, #tpu.memory_space<vmem_shared>> -> memref<10000x128xf32, #tpu.memory_space<vmem_shared>>
        tpu.wait_indirect_dma semaphore(%arg34 : memref<!tpu.dma_semaphore, #tpu.memory_space<semaphore_mem>>) src(%arg19 : memref<96x128xf32, #tpu.memory_space<vmem>>) dst(%dma_wait3A_282 : memref<10000x128xf32, #tpu.memory_space<vmem_shared>>)
      } else {
      }
      %mul3A_121 = arith.constant 96 : i32
      %mul3A_122 = arith.muli %add3A_115, %mul3A_121 : i32
      %add3A_123 = arith.addi %mul3A_6, %mul3A_122 : i32
      %dma_start3A_124 = tpu.memref_slice %arg4[%add3A_123] : memref<160000xi32, #tpu.memory_space<hbm>> -> memref<96xi32, #tpu.memory_space<hbm>>
      %dma_start3A_125 = tpu.memref_slice %arg4[%add3A_123] : memref<160000xi32, #tpu.memory_space<hbm>> -> memref<96xi32, #tpu.memory_space<hbm>>
      tpu.enqueue_dma source(%dma_start3A_125 : memref<96xi32, #tpu.memory_space<hbm>>) target(%arg11 : memref<96xi32, #tpu.memory_space<vmem>>) target_semaphore(%arg26 : memref<!tpu.dma_semaphore, #tpu.memory_space<semaphore_mem>>)
      %mul3A_126 = arith.constant 96 : i32
      %mul3A_127 = arith.muli %add3A_115, %mul3A_126 : i32
      %add3A_128 = arith.addi %mul3A_6, %mul3A_127 : i32
      %dma_start3A_129 = tpu.memref_slice %arg5[%add3A_128] : memref<160000xi32, #tpu.memory_space<hbm>> -> memref<96xi32, #tpu.memory_space<hbm>>
      %dma_start3A_130 = tpu.memref_slice %arg5[%add3A_128] : memref<160000xi32, #tpu.memory_space<hbm>> -> memref<96xi32, #tpu.memory_space<hbm>>
      tpu.enqueue_dma source(%dma_start3A_130 : memref<96xi32, #tpu.memory_space<hbm>>) target(%arg15 : memref<96xi32, #tpu.memory_space<vmem>>) target_semaphore(%arg26 : memref<!tpu.dma_semaphore, #tpu.memory_space<semaphore_mem>>)
      %mul3A_131 = arith.constant 4 : i32
      %mul3A_132 = arith.muli %mul3A_131, %scan3A_55 : i32
      %add3A_133 = arith.constant 0 : i32
      %add3A_134 = arith.addi %mul3A_132, %add3A_133 : i32
      %mul3A_135 = arith.constant 96 : i32
      %mul3A_136 = arith.muli %add3A_134, %mul3A_135 : i32
      %add3A_137 = arith.addi %mul3A_6, %mul3A_136 : i32
      %dma_wait3A_138 = tpu.memref_slice %arg4[%add3A_137] : memref<160000xi32, #tpu.memory_space<hbm>> -> memref<96xi32, #tpu.memory_space<hbm>>
      %dma_wait3A_139 = tpu.memref_slice %arg4[%add3A_137] : memref<160000xi32, #tpu.memory_space<hbm>> -> memref<96xi32, #tpu.memory_space<hbm>>
      tpu.wait_dma2 semaphore(%arg23 : memref<!tpu.dma_semaphore, #tpu.memory_space<semaphore_mem>>) src(%dma_wait3A_139 : memref<96xi32, #tpu.memory_space<hbm>>) dst(%arg8 : memref<96xi32, #tpu.memory_space<vmem>>)
      %mul3A_140 = arith.constant 96 : i32
      %mul3A_141 = arith.muli %add3A_134, %mul3A_140 : i32
      %add3A_142 = arith.addi %mul3A_6, %mul3A_141 : i32
      %dma_wait3A_143 = tpu.memref_slice %arg5[%add3A_142] : memref<160000xi32, #tpu.memory_space<hbm>> -> memref<96xi32, #tpu.memory_space<hbm>>
      %dma_wait3A_144 = tpu.memref_slice %arg5[%add3A_142] : memref<160000xi32, #tpu.memory_space<hbm>> -> memref<96xi32, #tpu.memory_space<hbm>>
      tpu.wait_dma2 semaphore(%arg23 : memref<!tpu.dma_semaphore, #tpu.memory_space<semaphore_mem>>) src(%dma_wait3A_144 : memref<96xi32, #tpu.memory_space<hbm>>) dst(%arg12 : memref<96xi32, #tpu.memory_space<vmem>>)
      %eq3A_145 = arith.constant 0 : i32
      %eq3A_146 = arith.cmpi eq, %arg0, %eq3A_145 : i32
      %convert_element_type3A_147 = arith.extui %eq3A_146 : i1 to i32
      %cond3A_148 = arith.constant 0 : i32
      %cond3A_149 = arith.cmpi ne, %convert_element_type3A_147, %cond3A_148 : i32
      scf.if %cond3A_149 {
        %dma_start3A_280 = arith.constant 0 : i32
        %dma_start3A_281 = arith.constant 0 : i32
        %dma_start3A_282 = tpu.memref_slice %arg2[%dma_start3A_280, %dma_start3A_281] : memref<10000x128xf32, #tpu.memory_space<hbm>> -> memref<10000x128xf32, #tpu.memory_space<hbm>>
        tpu.enqueue_indirect_dma source(%dma_start3A_282 : memref<10000x128xf32, #tpu.memory_space<hbm>>) target(%arg16 : memref<96x128xf32, #tpu.memory_space<vmem>>) offsets(%arg8 : memref<96xi32, #tpu.memory_space<vmem>>) semaphore(%arg27 : memref<!tpu.dma_semaphore, #tpu.memory_space<semaphore_mem>>)
      } else {
      }
      %eq3A_150 = arith.constant 1 : i32
      %eq3A_151 = arith.cmpi eq, %arg0, %eq3A_150 : i32
      %convert_element_type3A_152 = arith.extui %eq3A_151 : i1 to i32
      %cond3A_153 = arith.constant 0 : i32
      %cond3A_154 = arith.cmpi ne, %convert_element_type3A_152, %cond3A_153 : i32
      scf.if %cond3A_154 {
        %dma_start3A_280 = arith.constant 0 : i32
        %dma_start3A_281 = arith.constant 0 : i32
        %dma_start3A_282 = tpu.memref_slice %arg3[%dma_start3A_280, %dma_start3A_281] : memref<10000x128xf32, #tpu.memory_space<hbm>> -> memref<10000x128xf32, #tpu.memory_space<hbm>>
        tpu.enqueue_indirect_dma source(%dma_start3A_282 : memref<10000x128xf32, #tpu.memory_space<hbm>>) target(%arg16 : memref<96x128xf32, #tpu.memory_space<vmem>>) offsets(%arg8 : memref<96xi32, #tpu.memory_space<vmem>>) semaphore(%arg27 : memref<!tpu.dma_semaphore, #tpu.memory_space<semaphore_mem>>)
      } else {
      }
      %mul3A_155 = arith.constant 4 : i32
      %mul3A_156 = arith.muli %mul3A_155, %scan3A_55 : i32
      %add3A_157 = arith.constant 1 : i32
      %add3A_158 = arith.addi %mul3A_156, %add3A_157 : i32
      %mul3A_159 = arith.constant 96 : i32
      %mul3A_160 = arith.muli %add3A_158, %mul3A_159 : i32
      %add3A_161 = arith.addi %mul3A_6, %mul3A_160 : i32
      %dma_wait3A_162 = tpu.memref_slice %arg4[%add3A_161] : memref<160000xi32, #tpu.memory_space<hbm>> -> memref<96xi32, #tpu.memory_space<hbm>>
      %dma_wait3A_163 = tpu.memref_slice %arg4[%add3A_161] : memref<160000xi32, #tpu.memory_space<hbm>> -> memref<96xi32, #tpu.memory_space<hbm>>
      tpu.wait_dma2 semaphore(%arg24 : memref<!tpu.dma_semaphore, #tpu.memory_space<semaphore_mem>>) src(%dma_wait3A_163 : memref<96xi32, #tpu.memory_space<hbm>>) dst(%arg9 : memref<96xi32, #tpu.memory_space<vmem>>)
      %mul3A_164 = arith.constant 96 : i32
      %mul3A_165 = arith.muli %add3A_158, %mul3A_164 : i32
      %add3A_166 = arith.addi %mul3A_6, %mul3A_165 : i32
      %dma_wait3A_167 = tpu.memref_slice %arg5[%add3A_166] : memref<160000xi32, #tpu.memory_space<hbm>> -> memref<96xi32, #tpu.memory_space<hbm>>
      %dma_wait3A_168 = tpu.memref_slice %arg5[%add3A_166] : memref<160000xi32, #tpu.memory_space<hbm>> -> memref<96xi32, #tpu.memory_space<hbm>>
      tpu.wait_dma2 semaphore(%arg24 : memref<!tpu.dma_semaphore, #tpu.memory_space<semaphore_mem>>) src(%dma_wait3A_168 : memref<96xi32, #tpu.memory_space<hbm>>) dst(%arg13 : memref<96xi32, #tpu.memory_space<vmem>>)
      %eq3A_169 = arith.constant 0 : i32
      %eq3A_170 = arith.cmpi eq, %arg0, %eq3A_169 : i32
      %convert_element_type3A_171 = arith.extui %eq3A_170 : i1 to i32
      %cond3A_172 = arith.constant 0 : i32
      %cond3A_173 = arith.cmpi ne, %convert_element_type3A_171, %cond3A_172 : i32
      scf.if %cond3A_173 {
        %dma_start3A_280 = arith.constant 0 : i32
        %dma_start3A_281 = arith.constant 0 : i32
        %dma_start3A_282 = tpu.memref_slice %arg2[%dma_start3A_280, %dma_start3A_281] : memref<10000x128xf32, #tpu.memory_space<hbm>> -> memref<10000x128xf32, #tpu.memory_space<hbm>>
        tpu.enqueue_indirect_dma source(%dma_start3A_282 : memref<10000x128xf32, #tpu.memory_space<hbm>>) target(%arg17 : memref<96x128xf32, #tpu.memory_space<vmem>>) offsets(%arg9 : memref<96xi32, #tpu.memory_space<vmem>>) semaphore(%arg28 : memref<!tpu.dma_semaphore, #tpu.memory_space<semaphore_mem>>)
      } else {
      }
      %eq3A_174 = arith.constant 1 : i32
      %eq3A_175 = arith.cmpi eq, %arg0, %eq3A_174 : i32
      %convert_element_type3A_176 = arith.extui %eq3A_175 : i1 to i32
      %cond3A_177 = arith.constant 0 : i32
      %cond3A_178 = arith.cmpi ne, %convert_element_type3A_176, %cond3A_177 : i32
      scf.if %cond3A_178 {
        %dma_start3A_280 = arith.constant 0 : i32
        %dma_start3A_281 = arith.constant 0 : i32
        %dma_start3A_282 = tpu.memref_slice %arg3[%dma_start3A_280, %dma_start3A_281] : memref<10000x128xf32, #tpu.memory_space<hbm>> -> memref<10000x128xf32, #tpu.memory_space<hbm>>
        tpu.enqueue_indirect_dma source(%dma_start3A_282 : memref<10000x128xf32, #tpu.memory_space<hbm>>) target(%arg17 : memref<96x128xf32, #tpu.memory_space<vmem>>) offsets(%arg9 : memref<96xi32, #tpu.memory_space<vmem>>) semaphore(%arg28 : memref<!tpu.dma_semaphore, #tpu.memory_space<semaphore_mem>>)
      } else {
      }
      %mul3A_179 = arith.constant 4 : i32
      %mul3A_180 = arith.muli %mul3A_179, %scan3A_55 : i32
      %add3A_181 = arith.constant 2 : i32
      %add3A_182 = arith.addi %mul3A_180, %add3A_181 : i32
      %mul3A_183 = arith.constant 96 : i32
      %mul3A_184 = arith.muli %add3A_182, %mul3A_183 : i32
      %add3A_185 = arith.addi %mul3A_6, %mul3A_184 : i32
      %dma_wait3A_186 = tpu.memref_slice %arg4[%add3A_185] : memref<160000xi32, #tpu.memory_space<hbm>> -> memref<96xi32, #tpu.memory_space<hbm>>
      %dma_wait3A_187 = tpu.memref_slice %arg4[%add3A_185] : memref<160000xi32, #tpu.memory_space<hbm>> -> memref<96xi32, #tpu.memory_space<hbm>>
      tpu.wait_dma2 semaphore(%arg25 : memref<!tpu.dma_semaphore, #tpu.memory_space<semaphore_mem>>) src(%dma_wait3A_187 : memref<96xi32, #tpu.memory_space<hbm>>) dst(%arg10 : memref<96xi32, #tpu.memory_space<vmem>>)
      %mul3A_188 = arith.constant 96 : i32
      %mul3A_189 = arith.muli %add3A_182, %mul3A_188 : i32
      %add3A_190 = arith.addi %mul3A_6, %mul3A_189 : i32
      %dma_wait3A_191 = tpu.memref_slice %arg5[%add3A_190] : memref<160000xi32, #tpu.memory_space<hbm>> -> memref<96xi32, #tpu.memory_space<hbm>>
      %dma_wait3A_192 = tpu.memref_slice %arg5[%add3A_190] : memref<160000xi32, #tpu.memory_space<hbm>> -> memref<96xi32, #tpu.memory_space<hbm>>
      tpu.wait_dma2 semaphore(%arg25 : memref<!tpu.dma_semaphore, #tpu.memory_space<semaphore_mem>>) src(%dma_wait3A_192 : memref<96xi32, #tpu.memory_space<hbm>>) dst(%arg14 : memref<96xi32, #tpu.memory_space<vmem>>)
      %eq3A_193 = arith.constant 0 : i32
      %eq3A_194 = arith.cmpi eq, %arg0, %eq3A_193 : i32
      %convert_element_type3A_195 = arith.extui %eq3A_194 : i1 to i32
      %cond3A_196 = arith.constant 0 : i32
      %cond3A_197 = arith.cmpi ne, %convert_element_type3A_195, %cond3A_196 : i32
      scf.if %cond3A_197 {
        %dma_start3A_280 = arith.constant 0 : i32
        %dma_start3A_281 = arith.constant 0 : i32
        %dma_start3A_282 = tpu.memref_slice %arg2[%dma_start3A_280, %dma_start3A_281] : memref<10000x128xf32, #tpu.memory_space<hbm>> -> memref<10000x128xf32, #tpu.memory_space<hbm>>
        tpu.enqueue_indirect_dma source(%dma_start3A_282 : memref<10000x128xf32, #tpu.memory_space<hbm>>) target(%arg18 : memref<96x128xf32, #tpu.memory_space<vmem>>) offsets(%arg10 : memref<96xi32, #tpu.memory_space<vmem>>) semaphore(%arg29 : memref<!tpu.dma_semaphore, #tpu.memory_space<semaphore_mem>>)
      } else {
      }
      %eq3A_198 = arith.constant 1 : i32
      %eq3A_199 = arith.cmpi eq, %arg0, %eq3A_198 : i32
      %convert_element_type3A_200 = arith.extui %eq3A_199 : i1 to i32
      %cond3A_201 = arith.constant 0 : i32
      %cond3A_202 = arith.cmpi ne, %convert_element_type3A_200, %cond3A_201 : i32
      scf.if %cond3A_202 {
        %dma_start3A_280 = arith.constant 0 : i32
        %dma_start3A_281 = arith.constant 0 : i32
        %dma_start3A_282 = tpu.memref_slice %arg3[%dma_start3A_280, %dma_start3A_281] : memref<10000x128xf32, #tpu.memory_space<hbm>> -> memref<10000x128xf32, #tpu.memory_space<hbm>>
        tpu.enqueue_indirect_dma source(%dma_start3A_282 : memref<10000x128xf32, #tpu.memory_space<hbm>>) target(%arg18 : memref<96x128xf32, #tpu.memory_space<vmem>>) offsets(%arg10 : memref<96xi32, #tpu.memory_space<vmem>>) semaphore(%arg29 : memref<!tpu.dma_semaphore, #tpu.memory_space<semaphore_mem>>)
      } else {
      }
      %mul3A_203 = arith.constant 4 : i32
      %mul3A_204 = arith.muli %mul3A_203, %scan3A_55 : i32
      %add3A_205 = arith.constant 3 : i32
      %add3A_206 = arith.addi %mul3A_204, %add3A_205 : i32
      %mul3A_207 = arith.constant 96 : i32
      %mul3A_208 = arith.muli %add3A_206, %mul3A_207 : i32
      %add3A_209 = arith.addi %mul3A_6, %mul3A_208 : i32
      %dma_wait3A_210 = tpu.memref_slice %arg4[%add3A_209] : memref<160000xi32, #tpu.memory_space<hbm>> -> memref<96xi32, #tpu.memory_space<hbm>>
      %dma_wait3A_211 = tpu.memref_slice %arg4[%add3A_209] : memref<160000xi32, #tpu.memory_space<hbm>> -> memref<96xi32, #tpu.memory_space<hbm>>
      tpu.wait_dma2 semaphore(%arg26 : memref<!tpu.dma_semaphore, #tpu.memory_space<semaphore_mem>>) src(%dma_wait3A_211 : memref<96xi32, #tpu.memory_space<hbm>>) dst(%arg11 : memref<96xi32, #tpu.memory_space<vmem>>)
      %mul3A_212 = arith.constant 96 : i32
      %mul3A_213 = arith.muli %add3A_206, %mul3A_212 : i32
      %add3A_214 = arith.addi %mul3A_6, %mul3A_213 : i32
      %dma_wait3A_215 = tpu.memref_slice %arg5[%add3A_214] : memref<160000xi32, #tpu.memory_space<hbm>> -> memref<96xi32, #tpu.memory_space<hbm>>
      %dma_wait3A_216 = tpu.memref_slice %arg5[%add3A_214] : memref<160000xi32, #tpu.memory_space<hbm>> -> memref<96xi32, #tpu.memory_space<hbm>>
      tpu.wait_dma2 semaphore(%arg26 : memref<!tpu.dma_semaphore, #tpu.memory_space<semaphore_mem>>) src(%dma_wait3A_216 : memref<96xi32, #tpu.memory_space<hbm>>) dst(%arg15 : memref<96xi32, #tpu.memory_space<vmem>>)
      %eq3A_217 = arith.constant 0 : i32
      %eq3A_218 = arith.cmpi eq, %arg0, %eq3A_217 : i32
      %convert_element_type3A_219 = arith.extui %eq3A_218 : i1 to i32
      %cond3A_220 = arith.constant 0 : i32
      %cond3A_221 = arith.cmpi ne, %convert_element_type3A_219, %cond3A_220 : i32
      scf.if %cond3A_221 {
        %dma_start3A_280 = arith.constant 0 : i32
        %dma_start3A_281 = arith.constant 0 : i32
        %dma_start3A_282 = tpu.memref_slice %arg2[%dma_start3A_280, %dma_start3A_281] : memref<10000x128xf32, #tpu.memory_space<hbm>> -> memref<10000x128xf32, #tpu.memory_space<hbm>>
        tpu.enqueue_indirect_dma source(%dma_start3A_282 : memref<10000x128xf32, #tpu.memory_space<hbm>>) target(%arg19 : memref<96x128xf32, #tpu.memory_space<vmem>>) offsets(%arg11 : memref<96xi32, #tpu.memory_space<vmem>>) semaphore(%arg30 : memref<!tpu.dma_semaphore, #tpu.memory_space<semaphore_mem>>)
      } else {
      }
      %eq3A_222 = arith.constant 1 : i32
      %eq3A_223 = arith.cmpi eq, %arg0, %eq3A_222 : i32
      %convert_element_type3A_224 = arith.extui %eq3A_223 : i1 to i32
      %cond3A_225 = arith.constant 0 : i32
      %cond3A_226 = arith.cmpi ne, %convert_element_type3A_224, %cond3A_225 : i32
      scf.if %cond3A_226 {
        %dma_start3A_280 = arith.constant 0 : i32
        %dma_start3A_281 = arith.constant 0 : i32
        %dma_start3A_282 = tpu.memref_slice %arg3[%dma_start3A_280, %dma_start3A_281] : memref<10000x128xf32, #tpu.memory_space<hbm>> -> memref<10000x128xf32, #tpu.memory_space<hbm>>
        tpu.enqueue_indirect_dma source(%dma_start3A_282 : memref<10000x128xf32, #tpu.memory_space<hbm>>) target(%arg19 : memref<96x128xf32, #tpu.memory_space<vmem>>) offsets(%arg11 : memref<96xi32, #tpu.memory_space<vmem>>) semaphore(%arg30 : memref<!tpu.dma_semaphore, #tpu.memory_space<semaphore_mem>>)
      } else {
      }
      %eq3A_227 = arith.constant 0 : i32
      %eq3A_228 = arith.cmpi eq, %arg0, %eq3A_227 : i32
      %convert_element_type3A_229 = arith.extui %eq3A_228 : i1 to i32
      %cond3A_230 = arith.constant 0 : i32
      %cond3A_231 = arith.cmpi ne, %convert_element_type3A_229, %cond3A_230 : i32
      scf.if %cond3A_231 {
        %dma_wait3A_280 = arith.constant 0 : i32
        %dma_wait3A_281 = arith.constant 0 : i32
        %dma_wait3A_282 = tpu.memref_slice %arg2[%dma_wait3A_280, %dma_wait3A_281] : memref<10000x128xf32, #tpu.memory_space<hbm>> -> memref<10000x128xf32, #tpu.memory_space<hbm>>
        tpu.wait_indirect_dma semaphore(%arg27 : memref<!tpu.dma_semaphore, #tpu.memory_space<semaphore_mem>>) src(%dma_wait3A_282 : memref<10000x128xf32, #tpu.memory_space<hbm>>) dst(%arg16 : memref<96x128xf32, #tpu.memory_space<vmem>>)
      } else {
      }
      %eq3A_232 = arith.constant 1 : i32
      %eq3A_233 = arith.cmpi eq, %arg0, %eq3A_232 : i32
      %convert_element_type3A_234 = arith.extui %eq3A_233 : i1 to i32
      %cond3A_235 = arith.constant 0 : i32
      %cond3A_236 = arith.cmpi ne, %convert_element_type3A_234, %cond3A_235 : i32
      scf.if %cond3A_236 {
        %dma_wait3A_280 = arith.constant 0 : i32
        %dma_wait3A_281 = arith.constant 0 : i32
        %dma_wait3A_282 = tpu.memref_slice %arg3[%dma_wait3A_280, %dma_wait3A_281] : memref<10000x128xf32, #tpu.memory_space<hbm>> -> memref<10000x128xf32, #tpu.memory_space<hbm>>
        tpu.wait_indirect_dma semaphore(%arg27 : memref<!tpu.dma_semaphore, #tpu.memory_space<semaphore_mem>>) src(%dma_wait3A_282 : memref<10000x128xf32, #tpu.memory_space<hbm>>) dst(%arg16 : memref<96x128xf32, #tpu.memory_space<vmem>>)
      } else {
      }
      %dma_start3A_237 = arith.constant 0 : i32
      %dma_start3A_238 = arith.constant 0 : i32
      %dma_start3A_239 = tpu.memref_slice %arg22[%dma_start3A_237, %dma_start3A_238] : memref<10000x128xf32, #tpu.memory_space<vmem_shared>> -> memref<10000x128xf32, #tpu.memory_space<vmem_shared>>
      tpu.enqueue_indirect_dma source(%arg16 : memref<96x128xf32, #tpu.memory_space<vmem>>) target(%dma_start3A_239 : memref<10000x128xf32, #tpu.memory_space<vmem_shared>>) offsets(%arg12 : memref<96xi32, #tpu.memory_space<vmem>>) semaphore(%arg31 : memref<!tpu.dma_semaphore, #tpu.memory_space<semaphore_mem>>) {add = true}
      %eq3A_240 = arith.constant 0 : i32
      %eq3A_241 = arith.cmpi eq, %arg0, %eq3A_240 : i32
      %convert_element_type3A_242 = arith.extui %eq3A_241 : i1 to i32
      %cond3A_243 = arith.constant 0 : i32
      %cond3A_244 = arith.cmpi ne, %convert_element_type3A_242, %cond3A_243 : i32
      scf.if %cond3A_244 {
        %dma_wait3A_280 = arith.constant 0 : i32
        %dma_wait3A_281 = arith.constant 0 : i32
        %dma_wait3A_282 = tpu.memref_slice %arg2[%dma_wait3A_280, %dma_wait3A_281] : memref<10000x128xf32, #tpu.memory_space<hbm>> -> memref<10000x128xf32, #tpu.memory_space<hbm>>
        tpu.wait_indirect_dma semaphore(%arg28 : memref<!tpu.dma_semaphore, #tpu.memory_space<semaphore_mem>>) src(%dma_wait3A_282 : memref<10000x128xf32, #tpu.memory_space<hbm>>) dst(%arg17 : memref<96x128xf32, #tpu.memory_space<vmem>>)
      } else {
      }
      %eq3A_245 = arith.constant 1 : i32
      %eq3A_246 = arith.cmpi eq, %arg0, %eq3A_245 : i32
      %convert_element_type3A_247 = arith.extui %eq3A_246 : i1 to i32
      %cond3A_248 = arith.constant 0 : i32
      %cond3A_249 = arith.cmpi ne, %convert_element_type3A_247, %cond3A_248 : i32
      scf.if %cond3A_249 {
        %dma_wait3A_280 = arith.constant 0 : i32
        %dma_wait3A_281 = arith.constant 0 : i32
        %dma_wait3A_282 = tpu.memref_slice %arg3[%dma_wait3A_280, %dma_wait3A_281] : memref<10000x128xf32, #tpu.memory_space<hbm>> -> memref<10000x128xf32, #tpu.memory_space<hbm>>
        tpu.wait_indirect_dma semaphore(%arg28 : memref<!tpu.dma_semaphore, #tpu.memory_space<semaphore_mem>>) src(%dma_wait3A_282 : memref<10000x128xf32, #tpu.memory_space<hbm>>) dst(%arg17 : memref<96x128xf32, #tpu.memory_space<vmem>>)
      } else {
      }
      %dma_start3A_250 = arith.constant 0 : i32
      %dma_start3A_251 = arith.constant 0 : i32
      %dma_start3A_252 = tpu.memref_slice %arg22[%dma_start3A_250, %dma_start3A_251] : memref<10000x128xf32, #tpu.memory_space<vmem_shared>> -> memref<10000x128xf32, #tpu.memory_space<vmem_shared>>
      tpu.enqueue_indirect_dma source(%arg17 : memref<96x128xf32, #tpu.memory_space<vmem>>) target(%dma_start3A_252 : memref<10000x128xf32, #tpu.memory_space<vmem_shared>>) offsets(%arg13 : memref<96xi32, #tpu.memory_space<vmem>>) semaphore(%arg32 : memref<!tpu.dma_semaphore, #tpu.memory_space<semaphore_mem>>) {add = true}
      %eq3A_253 = arith.constant 0 : i32
      %eq3A_254 = arith.cmpi eq, %arg0, %eq3A_253 : i32
      %convert_element_type3A_255 = arith.extui %eq3A_254 : i1 to i32
      %cond3A_256 = arith.constant 0 : i32
      %cond3A_257 = arith.cmpi ne, %convert_element_type3A_255, %cond3A_256 : i32
      scf.if %cond3A_257 {
        %dma_wait3A_280 = arith.constant 0 : i32
        %dma_wait3A_281 = arith.constant 0 : i32
        %dma_wait3A_282 = tpu.memref_slice %arg2[%dma_wait3A_280, %dma_wait3A_281] : memref<10000x128xf32, #tpu.memory_space<hbm>> -> memref<10000x128xf32, #tpu.memory_space<hbm>>
        tpu.wait_indirect_dma semaphore(%arg29 : memref<!tpu.dma_semaphore, #tpu.memory_space<semaphore_mem>>) src(%dma_wait3A_282 : memref<10000x128xf32, #tpu.memory_space<hbm>>) dst(%arg18 : memref<96x128xf32, #tpu.memory_space<vmem>>)
      } else {
      }
      %eq3A_258 = arith.constant 1 : i32
      %eq3A_259 = arith.cmpi eq, %arg0, %eq3A_258 : i32
      %convert_element_type3A_260 = arith.extui %eq3A_259 : i1 to i32
      %cond3A_261 = arith.constant 0 : i32
      %cond3A_262 = arith.cmpi ne, %convert_element_type3A_260, %cond3A_261 : i32
      scf.if %cond3A_262 {
        %dma_wait3A_280 = arith.constant 0 : i32
        %dma_wait3A_281 = arith.constant 0 : i32
        %dma_wait3A_282 = tpu.memref_slice %arg3[%dma_wait3A_280, %dma_wait3A_281] : memref<10000x128xf32, #tpu.memory_space<hbm>> -> memref<10000x128xf32, #tpu.memory_space<hbm>>
        tpu.wait_indirect_dma semaphore(%arg29 : memref<!tpu.dma_semaphore, #tpu.memory_space<semaphore_mem>>) src(%dma_wait3A_282 : memref<10000x128xf32, #tpu.memory_space<hbm>>) dst(%arg18 : memref<96x128xf32, #tpu.memory_space<vmem>>)
      } else {
      }
      %dma_start3A_263 = arith.constant 0 : i32
      %dma_start3A_264 = arith.constant 0 : i32
      %dma_start3A_265 = tpu.memref_slice %arg22[%dma_start3A_263, %dma_start3A_264] : memref<10000x128xf32, #tpu.memory_space<vmem_shared>> -> memref<10000x128xf32, #tpu.memory_space<vmem_shared>>
      tpu.enqueue_indirect_dma source(%arg18 : memref<96x128xf32, #tpu.memory_space<vmem>>) target(%dma_start3A_265 : memref<10000x128xf32, #tpu.memory_space<vmem_shared>>) offsets(%arg14 : memref<96xi32, #tpu.memory_space<vmem>>) semaphore(%arg33 : memref<!tpu.dma_semaphore, #tpu.memory_space<semaphore_mem>>) {add = true}
      %eq3A_266 = arith.constant 0 : i32
      %eq3A_267 = arith.cmpi eq, %arg0, %eq3A_266 : i32
      %convert_element_type3A_268 = arith.extui %eq3A_267 : i1 to i32
      %cond3A_269 = arith.constant 0 : i32
      %cond3A_270 = arith.cmpi ne, %convert_element_type3A_268, %cond3A_269 : i32
      scf.if %cond3A_270 {
        %dma_wait3A_280 = arith.constant 0 : i32
        %dma_wait3A_281 = arith.constant 0 : i32
        %dma_wait3A_282 = tpu.memref_slice %arg2[%dma_wait3A_280, %dma_wait3A_281] : memref<10000x128xf32, #tpu.memory_space<hbm>> -> memref<10000x128xf32, #tpu.memory_space<hbm>>
        tpu.wait_indirect_dma semaphore(%arg30 : memref<!tpu.dma_semaphore, #tpu.memory_space<semaphore_mem>>) src(%dma_wait3A_282 : memref<10000x128xf32, #tpu.memory_space<hbm>>) dst(%arg19 : memref<96x128xf32, #tpu.memory_space<vmem>>)
      } else {
      }
      %eq3A_271 = arith.constant 1 : i32
      %eq3A_272 = arith.cmpi eq, %arg0, %eq3A_271 : i32
      %convert_element_type3A_273 = arith.extui %eq3A_272 : i1 to i32
      %cond3A_274 = arith.constant 0 : i32
      %cond3A_275 = arith.cmpi ne, %convert_element_type3A_273, %cond3A_274 : i32
      scf.if %cond3A_275 {
        %dma_wait3A_280 = arith.constant 0 : i32
        %dma_wait3A_281 = arith.constant 0 : i32
        %dma_wait3A_282 = tpu.memref_slice %arg3[%dma_wait3A_280, %dma_wait3A_281] : memref<10000x128xf32, #tpu.memory_space<hbm>> -> memref<10000x128xf32, #tpu.memory_space<hbm>>
        tpu.wait_indirect_dma semaphore(%arg30 : memref<!tpu.dma_semaphore, #tpu.memory_space<semaphore_mem>>) src(%dma_wait3A_282 : memref<10000x128xf32, #tpu.memory_space<hbm>>) dst(%arg19 : memref<96x128xf32, #tpu.memory_space<vmem>>)
      } else {
      }
      %dma_start3A_276 = arith.constant 0 : i32
      %dma_start3A_277 = arith.constant 0 : i32
      %dma_start3A_278 = tpu.memref_slice %arg22[%dma_start3A_276, %dma_start3A_277] : memref<10000x128xf32, #tpu.memory_space<vmem_shared>> -> memref<10000x128xf32, #tpu.memory_space<vmem_shared>>
      tpu.enqueue_indirect_dma source(%arg19 : memref<96x128xf32, #tpu.memory_space<vmem>>) target(%dma_start3A_278 : memref<10000x128xf32, #tpu.memory_space<vmem_shared>>) offsets(%arg15 : memref<96xi32, #tpu.memory_space<vmem>>) semaphore(%arg34 : memref<!tpu.dma_semaphore, #tpu.memory_space<semaphore_mem>>) {add = true}
      %scan3A_279 = arith.constant 0 : i32
      scf.yield %scan3A_279 : i32
    }
    %scan3A_12 = arith.constant 26 : i32
    %dma_wait3A = arith.constant 0 : i32
    %dma_wait3A_13 = arith.constant 0 : i32
    %dma_wait3A_14 = tpu.memref_slice %arg22[%dma_wait3A, %dma_wait3A_13] : memref<10000x128xf32, #tpu.memory_space<vmem_shared>> -> memref<10000x128xf32, #tpu.memory_space<vmem_shared>>
    tpu.wait_indirect_dma semaphore(%arg31 : memref<!tpu.dma_semaphore, #tpu.memory_space<semaphore_mem>>) src(%arg16 : memref<96x128xf32, #tpu.memory_space<vmem>>) dst(%dma_wait3A_14 : memref<10000x128xf32, #tpu.memory_space<vmem_shared>>)
    %dma_wait3A_15 = arith.constant 0 : i32
    %dma_wait3A_16 = arith.constant 0 : i32
    %dma_wait3A_17 = tpu.memref_slice %arg22[%dma_wait3A_15, %dma_wait3A_16] : memref<10000x128xf32, #tpu.memory_space<vmem_shared>> -> memref<10000x128xf32, #tpu.memory_space<vmem_shared>>
    tpu.wait_indirect_dma semaphore(%arg32 : memref<!tpu.dma_semaphore, #tpu.memory_space<semaphore_mem>>) src(%arg17 : memref<96x128xf32, #tpu.memory_space<vmem>>) dst(%dma_wait3A_17 : memref<10000x128xf32, #tpu.memory_space<vmem_shared>>)
    %dma_wait3A_18 = arith.constant 0 : i32
    %dma_wait3A_19 = arith.constant 0 : i32
    %dma_wait3A_20 = tpu.memref_slice %arg22[%dma_wait3A_18, %dma_wait3A_19] : memref<10000x128xf32, #tpu.memory_space<vmem_shared>> -> memref<10000x128xf32, #tpu.memory_space<vmem_shared>>
    tpu.wait_indirect_dma semaphore(%arg33 : memref<!tpu.dma_semaphore, #tpu.memory_space<semaphore_mem>>) src(%arg18 : memref<96x128xf32, #tpu.memory_space<vmem>>) dst(%dma_wait3A_20 : memref<10000x128xf32, #tpu.memory_space<vmem_shared>>)
    %dma_wait3A_21 = arith.constant 0 : i32
    %dma_wait3A_22 = arith.constant 0 : i32
    %dma_wait3A_23 = tpu.memref_slice %arg22[%dma_wait3A_21, %dma_wait3A_22] : memref<10000x128xf32, #tpu.memory_space<vmem_shared>> -> memref<10000x128xf32, #tpu.memory_space<vmem_shared>>
    tpu.wait_indirect_dma semaphore(%arg34 : memref<!tpu.dma_semaphore, #tpu.memory_space<semaphore_mem>>) src(%arg19 : memref<96x128xf32, #tpu.memory_space<vmem>>) dst(%dma_wait3A_23 : memref<10000x128xf32, #tpu.memory_space<vmem_shared>>)
    %add3A = arith.constant 9984 : i32
    %add3A_24 = arith.addi %mul3A_6, %add3A : i32
    "tpu.region"() ({
      %run_scoped3A = tpu.sem_alloc : memref<!tpu.dma_semaphore, #tpu.memory_space<semaphore_mem>>
      %dma_start3A = tpu.memref_slice %arg4[%add3A_24] : memref<160000xi32, #tpu.memory_space<hbm>> -> memref<16xi32, #tpu.memory_space<hbm>>
      %dma_start3A_55 = tpu.memref_slice %arg4[%add3A_24] : memref<160000xi32, #tpu.memory_space<hbm>> -> memref<16xi32, #tpu.memory_space<hbm>>
      tpu.enqueue_dma source(%dma_start3A_55 : memref<16xi32, #tpu.memory_space<hbm>>) target(%arg20 : memref<16xi32, #tpu.memory_space<vmem>>) target_semaphore(%run_scoped3A : memref<!tpu.dma_semaphore, #tpu.memory_space<semaphore_mem>>)
      %dma_wait3A_56 = tpu.memref_slice %arg4[%add3A_24] : memref<160000xi32, #tpu.memory_space<hbm>> -> memref<16xi32, #tpu.memory_space<hbm>>
      %dma_wait3A_57 = tpu.memref_slice %arg4[%add3A_24] : memref<160000xi32, #tpu.memory_space<hbm>> -> memref<16xi32, #tpu.memory_space<hbm>>
      tpu.wait_dma2 semaphore(%run_scoped3A : memref<!tpu.dma_semaphore, #tpu.memory_space<semaphore_mem>>) src(%dma_wait3A_57 : memref<16xi32, #tpu.memory_space<hbm>>) dst(%arg20 : memref<16xi32, #tpu.memory_space<vmem>>)
      tpu.yield
    }) : () -> ()
    "tpu.region"() ({
      %run_scoped3A = tpu.sem_alloc : memref<!tpu.dma_semaphore, #tpu.memory_space<semaphore_mem>>
      %dma_start3A = tpu.memref_slice %arg5[%add3A_24] : memref<160000xi32, #tpu.memory_space<hbm>> -> memref<16xi32, #tpu.memory_space<hbm>>
      %dma_start3A_55 = tpu.memref_slice %arg5[%add3A_24] : memref<160000xi32, #tpu.memory_space<hbm>> -> memref<16xi32, #tpu.memory_space<hbm>>
      tpu.enqueue_dma source(%dma_start3A_55 : memref<16xi32, #tpu.memory_space<hbm>>) target(%arg21 : memref<16xi32, #tpu.memory_space<vmem>>) target_semaphore(%run_scoped3A : memref<!tpu.dma_semaphore, #tpu.memory_space<semaphore_mem>>)
      %dma_wait3A_56 = tpu.memref_slice %arg5[%add3A_24] : memref<160000xi32, #tpu.memory_space<hbm>> -> memref<16xi32, #tpu.memory_space<hbm>>
      %dma_wait3A_57 = tpu.memref_slice %arg5[%add3A_24] : memref<160000xi32, #tpu.memory_space<hbm>> -> memref<16xi32, #tpu.memory_space<hbm>>
      tpu.wait_dma2 semaphore(%run_scoped3A : memref<!tpu.dma_semaphore, #tpu.memory_space<semaphore_mem>>) src(%dma_wait3A_57 : memref<16xi32, #tpu.memory_space<hbm>>) dst(%arg21 : memref<16xi32, #tpu.memory_space<vmem>>)
      tpu.yield
    }) : () -> ()
    %eq3A_25 = arith.constant 0 : i32
    %eq3A_26 = arith.cmpi eq, %arg0, %eq3A_25 : i32
    %convert_element_type3A_27 = arith.extui %eq3A_26 : i1 to i32
    %cond3A_28 = arith.constant 0 : i32
    %cond3A_29 = arith.cmpi ne, %convert_element_type3A_27, %cond3A_28 : i32
    scf.if %cond3A_29 {
      %dma_start3A = arith.constant 0 : i32
      %dma_start3A_55 = arith.constant 0 : i32
      %dma_start3A_56 = tpu.memref_slice %arg16[%dma_start3A, %dma_start3A_55] : memref<96x128xf32, #tpu.memory_space<vmem>> -> memref<16x128xf32, #tpu.memory_space<vmem>>
      %dma_start3A_57 = arith.constant 0 : i32
      %dma_start3A_58 = arith.constant 0 : i32
      %dma_start3A_59 = tpu.memref_slice %arg2[%dma_start3A_57, %dma_start3A_58] : memref<10000x128xf32, #tpu.memory_space<hbm>> -> memref<10000x128xf32, #tpu.memory_space<hbm>>
      tpu.enqueue_indirect_dma source(%dma_start3A_59 : memref<10000x128xf32, #tpu.memory_space<hbm>>) target(%dma_start3A_56 : memref<16x128xf32, #tpu.memory_space<vmem>>) offsets(%arg20 : memref<16xi32, #tpu.memory_space<vmem>>) semaphore(%arg27 : memref<!tpu.dma_semaphore, #tpu.memory_space<semaphore_mem>>)
    } else {
    }
    %eq3A_30 = arith.constant 1 : i32
    %eq3A_31 = arith.cmpi eq, %arg0, %eq3A_30 : i32
    %convert_element_type3A_32 = arith.extui %eq3A_31 : i1 to i32
    %cond3A_33 = arith.constant 0 : i32
    %cond3A_34 = arith.cmpi ne, %convert_element_type3A_32, %cond3A_33 : i32
    scf.if %cond3A_34 {
      %dma_start3A = arith.constant 0 : i32
      %dma_start3A_55 = arith.constant 0 : i32
      %dma_start3A_56 = tpu.memref_slice %arg16[%dma_start3A, %dma_start3A_55] : memref<96x128xf32, #tpu.memory_space<vmem>> -> memref<16x128xf32, #tpu.memory_space<vmem>>
      %dma_start3A_57 = arith.constant 0 : i32
      %dma_start3A_58 = arith.constant 0 : i32
      %dma_start3A_59 = tpu.memref_slice %arg3[%dma_start3A_57, %dma_start3A_58] : memref<10000x128xf32, #tpu.memory_space<hbm>> -> memref<10000x128xf32, #tpu.memory_space<hbm>>
      tpu.enqueue_indirect_dma source(%dma_start3A_59 : memref<10000x128xf32, #tpu.memory_space<hbm>>) target(%dma_start3A_56 : memref<16x128xf32, #tpu.memory_space<vmem>>) offsets(%arg20 : memref<16xi32, #tpu.memory_space<vmem>>) semaphore(%arg27 : memref<!tpu.dma_semaphore, #tpu.memory_space<semaphore_mem>>)
    } else {
    }
    %eq3A_35 = arith.constant 0 : i32
    %eq3A_36 = arith.cmpi eq, %arg0, %eq3A_35 : i32
    %convert_element_type3A_37 = arith.extui %eq3A_36 : i1 to i32
    %cond3A_38 = arith.constant 0 : i32
    %cond3A_39 = arith.cmpi ne, %convert_element_type3A_37, %cond3A_38 : i32
    scf.if %cond3A_39 {
      %dma_wait3A_55 = arith.constant 0 : i32
      %dma_wait3A_56 = arith.constant 0 : i32
      %dma_wait3A_57 = tpu.memref_slice %arg16[%dma_wait3A_55, %dma_wait3A_56] : memref<96x128xf32, #tpu.memory_space<vmem>> -> memref<16x128xf32, #tpu.memory_space<vmem>>
      %dma_wait3A_58 = arith.constant 0 : i32
      %dma_wait3A_59 = arith.constant 0 : i32
      %dma_wait3A_60 = tpu.memref_slice %arg2[%dma_wait3A_58, %dma_wait3A_59] : memref<10000x128xf32, #tpu.memory_space<hbm>> -> memref<10000x128xf32, #tpu.memory_space<hbm>>
      tpu.wait_indirect_dma semaphore(%arg27 : memref<!tpu.dma_semaphore, #tpu.memory_space<semaphore_mem>>) src(%dma_wait3A_60 : memref<10000x128xf32, #tpu.memory_space<hbm>>) dst(%dma_wait3A_57 : memref<16x128xf32, #tpu.memory_space<vmem>>)
    } else {
    }
    %eq3A_40 = arith.constant 1 : i32
    %eq3A_41 = arith.cmpi eq, %arg0, %eq3A_40 : i32
    %convert_element_type3A_42 = arith.extui %eq3A_41 : i1 to i32
    %cond3A_43 = arith.constant 0 : i32
    %cond3A_44 = arith.cmpi ne, %convert_element_type3A_42, %cond3A_43 : i32
    scf.if %cond3A_44 {
      %dma_wait3A_55 = arith.constant 0 : i32
      %dma_wait3A_56 = arith.constant 0 : i32
      %dma_wait3A_57 = tpu.memref_slice %arg16[%dma_wait3A_55, %dma_wait3A_56] : memref<96x128xf32, #tpu.memory_space<vmem>> -> memref<16x128xf32, #tpu.memory_space<vmem>>
      %dma_wait3A_58 = arith.constant 0 : i32
      %dma_wait3A_59 = arith.constant 0 : i32
      %dma_wait3A_60 = tpu.memref_slice %arg3[%dma_wait3A_58, %dma_wait3A_59] : memref<10000x128xf32, #tpu.memory_space<hbm>> -> memref<10000x128xf32, #tpu.memory_space<hbm>>
      tpu.wait_indirect_dma semaphore(%arg27 : memref<!tpu.dma_semaphore, #tpu.memory_space<semaphore_mem>>) src(%dma_wait3A_60 : memref<10000x128xf32, #tpu.memory_space<hbm>>) dst(%dma_wait3A_57 : memref<16x128xf32, #tpu.memory_space<vmem>>)
    } else {
    }
    "tpu.region"() ({
      %run_scoped3A = tpu.sem_alloc : memref<!tpu.dma_semaphore, #tpu.memory_space<semaphore_mem>>
      %dma_start3A = arith.constant 0 : i32
      %dma_start3A_55 = arith.constant 0 : i32
      %dma_start3A_56 = tpu.memref_slice %arg16[%dma_start3A, %dma_start3A_55] : memref<96x128xf32, #tpu.memory_space<vmem>> -> memref<16x128xf32, #tpu.memory_space<vmem>>
      %dma_start3A_57 = arith.constant 0 : i32
      %dma_start3A_58 = arith.constant 0 : i32
      %dma_start3A_59 = tpu.memref_slice %arg22[%dma_start3A_57, %dma_start3A_58] : memref<10000x128xf32, #tpu.memory_space<vmem_shared>> -> memref<10000x128xf32, #tpu.memory_space<vmem_shared>>
      tpu.enqueue_indirect_dma source(%dma_start3A_56 : memref<16x128xf32, #tpu.memory_space<vmem>>) target(%dma_start3A_59 : memref<10000x128xf32, #tpu.memory_space<vmem_shared>>) offsets(%arg21 : memref<16xi32, #tpu.memory_space<vmem>>) semaphore(%run_scoped3A : memref<!tpu.dma_semaphore, #tpu.memory_space<semaphore_mem>>) {add = true}
      %dma_wait3A_60 = arith.constant 0 : i32
      %dma_wait3A_61 = arith.constant 0 : i32
      %dma_wait3A_62 = tpu.memref_slice %arg16[%dma_wait3A_60, %dma_wait3A_61] : memref<96x128xf32, #tpu.memory_space<vmem>> -> memref<16x128xf32, #tpu.memory_space<vmem>>
      %dma_wait3A_63 = arith.constant 0 : i32
      %dma_wait3A_64 = arith.constant 0 : i32
      %dma_wait3A_65 = tpu.memref_slice %arg22[%dma_wait3A_63, %dma_wait3A_64] : memref<10000x128xf32, #tpu.memory_space<vmem_shared>> -> memref<10000x128xf32, #tpu.memory_space<vmem_shared>>
      tpu.wait_indirect_dma semaphore(%run_scoped3A : memref<!tpu.dma_semaphore, #tpu.memory_space<semaphore_mem>>) src(%dma_wait3A_62 : memref<16x128xf32, #tpu.memory_space<vmem>>) dst(%dma_wait3A_65 : memref<10000x128xf32, #tpu.memory_space<vmem_shared>>)
      tpu.yield
    }) : () -> ()
    %barrier3A_45 = arith.constant 0 : index
    tpu.barrier barrier_id(%barrier3A_45)
    %mul3A_46 = arith.constant 624 : i32
    %mul3A_47 = arith.muli %arg1, %mul3A_46 : i32
    %mul3A_48 = arith.constant 624 : i32
    %mul3A_49 = arith.muli %arg1, %mul3A_48 : i32
    "tpu.region"() ({
      %run_scoped3A = tpu.sem_alloc : memref<!tpu.dma_semaphore, #tpu.memory_space<semaphore_mem>>
      %dma_start3A = arith.constant 0 : i32
      %dma_start3A_55 = arith.constant 0 : i32
      %dma_start3A_56 = tpu.memref_slice %arg7[%arg0, %dma_start3A, %dma_start3A_55] : memref<2x10000x128xf32, #tpu.memory_space<hbm>> -> memref<1x10000x128xf32, #tpu.memory_space<hbm>>
      %dma_start3A_57 = tpu.memref_squeeze %dma_start3A_56 : memref<1x10000x128xf32, #tpu.memory_space<hbm>> -> memref<10000x128xf32, #tpu.memory_space<hbm>>
      %dma_start3A_58 = arith.constant 0 : i32
      %dma_start3A_59 = tpu.memref_slice %dma_start3A_57[%mul3A_49, %dma_start3A_58] : memref<10000x128xf32, #tpu.memory_space<hbm>> -> memref<624x128xf32, #tpu.memory_space<hbm>>
      %dma_start3A_60 = arith.constant 0 : i32
      %dma_start3A_61 = tpu.memref_slice %arg22[%mul3A_47, %dma_start3A_60] : memref<10000x128xf32, #tpu.memory_space<vmem_shared>> -> memref<624x128xf32, #tpu.memory_space<vmem_shared>>
      tpu.enqueue_dma source(%dma_start3A_61 : memref<624x128xf32, #tpu.memory_space<vmem_shared>>) target(%dma_start3A_59 : memref<624x128xf32, #tpu.memory_space<hbm>>) target_semaphore(%run_scoped3A : memref<!tpu.dma_semaphore, #tpu.memory_space<semaphore_mem>>)
      %dma_wait3A_62 = arith.constant 0 : i32
      %dma_wait3A_63 = arith.constant 0 : i32
      %dma_wait3A_64 = tpu.memref_slice %arg7[%arg0, %dma_wait3A_62, %dma_wait3A_63] : memref<2x10000x128xf32, #tpu.memory_space<hbm>> -> memref<1x10000x128xf32, #tpu.memory_space<hbm>>
      %dma_wait3A_65 = tpu.memref_squeeze %dma_wait3A_64 : memref<1x10000x128xf32, #tpu.memory_space<hbm>> -> memref<10000x128xf32, #tpu.memory_space<hbm>>
      %dma_wait3A_66 = arith.constant 0 : i32
      %dma_wait3A_67 = tpu.memref_slice %dma_wait3A_65[%mul3A_49, %dma_wait3A_66] : memref<10000x128xf32, #tpu.memory_space<hbm>> -> memref<624x128xf32, #tpu.memory_space<hbm>>
      %dma_wait3A_68 = arith.constant 0 : i32
      %dma_wait3A_69 = tpu.memref_slice %arg22[%mul3A_47, %dma_wait3A_68] : memref<10000x128xf32, #tpu.memory_space<vmem_shared>> -> memref<624x128xf32, #tpu.memory_space<vmem_shared>>
      tpu.wait_dma2 semaphore(%run_scoped3A : memref<!tpu.dma_semaphore, #tpu.memory_space<semaphore_mem>>) src(%dma_wait3A_69 : memref<624x128xf32, #tpu.memory_space<vmem_shared>>) dst(%dma_wait3A_67 : memref<624x128xf32, #tpu.memory_space<hbm>>)
      tpu.yield
    }) : () -> ()
    %eq3A_50 = arith.constant 15 : i32
    %eq3A_51 = arith.cmpi eq, %arg1, %eq3A_50 : i32
    %convert_element_type3A_52 = arith.extui %eq3A_51 : i1 to i32
    %cond3A_53 = arith.constant 0 : i32
    %cond3A_54 = arith.cmpi ne, %convert_element_type3A_52, %cond3A_53 : i32
    scf.if %cond3A_54 {
      "tpu.region"() ({
        %run_scoped3A = tpu.sem_alloc : memref<!tpu.dma_semaphore, #tpu.memory_space<semaphore_mem>>
        %dma_start3A = arith.constant 0 : i32
        %dma_start3A_55 = arith.constant 0 : i32
        %dma_start3A_56 = tpu.memref_slice %arg7[%arg0, %dma_start3A, %dma_start3A_55] : memref<2x10000x128xf32, #tpu.memory_space<hbm>> -> memref<1x10000x128xf32, #tpu.memory_space<hbm>>
        %dma_start3A_57 = tpu.memref_squeeze %dma_start3A_56 : memref<1x10000x128xf32, #tpu.memory_space<hbm>> -> memref<10000x128xf32, #tpu.memory_space<hbm>>
        %dma_start3A_58 = arith.constant 9984 : i32
        %dma_start3A_59 = arith.constant 0 : i32
        %dma_start3A_60 = tpu.memref_slice %dma_start3A_57[%dma_start3A_58, %dma_start3A_59] : memref<10000x128xf32, #tpu.memory_space<hbm>> -> memref<16x128xf32, #tpu.memory_space<hbm>>
        %dma_start3A_61 = arith.constant 9984 : i32
        %dma_start3A_62 = arith.constant 0 : i32
        %dma_start3A_63 = tpu.memref_slice %arg22[%dma_start3A_61, %dma_start3A_62] : memref<10000x128xf32, #tpu.memory_space<vmem_shared>> -> memref<16x128xf32, #tpu.memory_space<vmem_shared>>
        tpu.enqueue_dma source(%dma_start3A_63 : memref<16x128xf32, #tpu.memory_space<vmem_shared>>) target(%dma_start3A_60 : memref<16x128xf32, #tpu.memory_space<hbm>>) target_semaphore(%run_scoped3A : memref<!tpu.dma_semaphore, #tpu.memory_space<semaphore_mem>>)
        %dma_wait3A_64 = arith.constant 0 : i32
        %dma_wait3A_65 = arith.constant 0 : i32
        %dma_wait3A_66 = tpu.memref_slice %arg7[%arg0, %dma_wait3A_64, %dma_wait3A_65] : memref<2x10000x128xf32, #tpu.memory_space<hbm>> -> memref<1x10000x128xf32, #tpu.memory_space<hbm>>
        %dma_wait3A_67 = tpu.memref_squeeze %dma_wait3A_66 : memref<1x10000x128xf32, #tpu.memory_space<hbm>> -> memref<10000x128xf32, #tpu.memory_space<hbm>>
        %dma_wait3A_68 = arith.constant 9984 : i32
        %dma_wait3A_69 = arith.constant 0 : i32
        %dma_wait3A_70 = tpu.memref_slice %dma_wait3A_67[%dma_wait3A_68, %dma_wait3A_69] : memref<10000x128xf32, #tpu.memory_space<hbm>> -> memref<16x128xf32, #tpu.memory_space<hbm>>
        %dma_wait3A_71 = arith.constant 9984 : i32
        %dma_wait3A_72 = arith.constant 0 : i32
        %dma_wait3A_73 = tpu.memref_slice %arg22[%dma_wait3A_71, %dma_wait3A_72] : memref<10000x128xf32, #tpu.memory_space<vmem_shared>> -> memref<16x128xf32, #tpu.memory_space<vmem_shared>>
        tpu.wait_dma2 semaphore(%run_scoped3A : memref<!tpu.dma_semaphore, #tpu.memory_space<semaphore_mem>>) src(%dma_wait3A_73 : memref<16x128xf32, #tpu.memory_space<vmem_shared>>) dst(%dma_wait3A_70 : memref<16x128xf32, #tpu.memory_space<hbm>>)
        tpu.yield
      }) : () -> ()
    } else {
    }
    return
  }
}

#map = affine_map<(d0, d1) -> (0, 0)>
#map1 = affine_map<(d0, d1) -> (0)>
#map2 = affine_map<(d0, d1) -> (0, 0, 0)>
module attributes {stable_mosaic.version = 14 : i64} {
  func.func @_sc_propagate_body(%arg0: i32, %arg1: i32, %arg2: memref<10000x128xf32, #tpu.memory_space<hbm>>, %arg3: memref<10000x128xf32, #tpu.memory_space<hbm>>, %arg4: memref<160000xi32, #tpu.memory_space<hbm>>, %arg5: memref<160000xi32, #tpu.memory_space<hbm>>, %arg6: memref<10000x128xf32, #tpu.memory_space<hbm>>, %arg7: memref<2x10000x128xf32, #tpu.memory_space<hbm>>, %arg8: memref<96xi32, #tpu.memory_space<vmem>>, %arg9: memref<96xi32, #tpu.memory_space<vmem>>, %arg10: memref<96xi32, #tpu.memory_space<vmem>>, %arg11: memref<96xi32, #tpu.memory_space<vmem>>, %arg12: memref<96xi32, #tpu.memory_space<vmem>>, %arg13: memref<96xi32, #tpu.memory_space<vmem>>, %arg14: memref<96xi32, #tpu.memory_space<vmem>>, %arg15: memref<96xi32, #tpu.memory_space<vmem>>, %arg16: memref<96x128xf32, #tpu.memory_space<vmem>>, %arg17: memref<96x128xf32, #tpu.memory_space<vmem>>, %arg18: memref<96x128xf32, #tpu.memory_space<vmem>>, %arg19: memref<96x128xf32, #tpu.memory_space<vmem>>, %arg20: memref<16xi32, #tpu.memory_space<vmem>>, %arg21: memref<16xi32, #tpu.memory_space<vmem>>, %arg22: memref<10000x128xf32, #tpu.memory_space<vmem_shared>>, %arg23: memref<!tpu.dma_semaphore, #tpu.memory_space<semaphore_mem>>, %arg24: memref<!tpu.dma_semaphore, #tpu.memory_space<semaphore_mem>>, %arg25: memref<!tpu.dma_semaphore, #tpu.memory_space<semaphore_mem>>, %arg26: memref<!tpu.dma_semaphore, #tpu.memory_space<semaphore_mem>>, %arg27: memref<!tpu.dma_semaphore, #tpu.memory_space<semaphore_mem>>, %arg28: memref<!tpu.dma_semaphore, #tpu.memory_space<semaphore_mem>>, %arg29: memref<!tpu.dma_semaphore, #tpu.memory_space<semaphore_mem>>, %arg30: memref<!tpu.dma_semaphore, #tpu.memory_space<semaphore_mem>>, %arg31: memref<!tpu.dma_semaphore, #tpu.memory_space<semaphore_mem>>, %arg32: memref<!tpu.dma_semaphore, #tpu.memory_space<semaphore_mem>>, %arg33: memref<!tpu.dma_semaphore, #tpu.memory_space<semaphore_mem>>, %arg34: memref<!tpu.dma_semaphore, #tpu.memory_space<semaphore_mem>>) attributes {dimension_semantics = [#tpu.dimension_semantics<core_parallel>, #tpu.dimension_semantics<subcore_parallel>], iteration_bounds = array<i64: 2, 16>, scalar_prefetch = 0 : i64, scratch_operands = 27 : i64, tpu.core_type = #tpu.core_type<sc_vector_subcore>, window_params = [{transform_indices = #map}, {transform_indices = #map}, {transform_indices = #map1}, {transform_indices = #map1}, {transform_indices = #map}, {transform_indices = #map2}]} {
    %mul3A = arith.constant 624 : i32
    %mul3A_0 = arith.muli %arg1, %mul3A : i32
    %mul3A_1 = arith.constant 624 : i32
    %mul3A_2 = arith.muli %arg1, %mul3A_1 : i32
    "tpu.region"() ({
      %run_scoped3A = tpu.sem_alloc : memref<!tpu.dma_semaphore, #tpu.memory_space<semaphore_mem>>
      %dma_start3A = arith.constant 0 : i32
      %dma_start3A_55 = tpu.memref_slice %arg22[%mul3A_2, %dma_start3A] : memref<10000x128xf32, #tpu.memory_space<vmem_shared>> -> memref<624x128xf32, #tpu.memory_space<vmem_shared>>
      %dma_start3A_56 = arith.constant 0 : i32
      %dma_start3A_57 = tpu.memref_slice %arg6[%mul3A_0, %dma_start3A_56] : memref<10000x128xf32, #tpu.memory_space<hbm>> -> memref<624x128xf32, #tpu.memory_space<hbm>>
      tpu.enqueue_dma source(%dma_start3A_57 : memref<624x128xf32, #tpu.memory_space<hbm>>) target(%dma_start3A_55 : memref<624x128xf32, #tpu.memory_space<vmem_shared>>) target_semaphore(%run_scoped3A : memref<!tpu.dma_semaphore, #tpu.memory_space<semaphore_mem>>)
      %dma_wait3A_58 = arith.constant 0 : i32
      %dma_wait3A_59 = tpu.memref_slice %arg22[%mul3A_2, %dma_wait3A_58] : memref<10000x128xf32, #tpu.memory_space<vmem_shared>> -> memref<624x128xf32, #tpu.memory_space<vmem_shared>>
      %dma_wait3A_60 = arith.constant 0 : i32
      %dma_wait3A_61 = tpu.memref_slice %arg6[%mul3A_0, %dma_wait3A_60] : memref<10000x128xf32, #tpu.memory_space<hbm>> -> memref<624x128xf32, #tpu.memory_space<hbm>>
      tpu.wait_dma2 semaphore(%run_scoped3A : memref<!tpu.dma_semaphore, #tpu.memory_space<semaphore_mem>>) src(%dma_wait3A_61 : memref<624x128xf32, #tpu.memory_space<hbm>>) dst(%dma_wait3A_59 : memref<624x128xf32, #tpu.memory_space<vmem_shared>>)
      tpu.yield
    }) : () -> ()
    %eq3A = arith.constant 15 : i32
    %eq3A_3 = arith.cmpi eq, %arg1, %eq3A : i32
    %convert_element_type3A = arith.extui %eq3A_3 : i1 to i32
    %cond3A = arith.constant 0 : i32
    %cond3A_4 = arith.cmpi ne, %convert_element_type3A, %cond3A : i32
    scf.if %cond3A_4 {
      "tpu.region"() ({
        %run_scoped3A = tpu.sem_alloc : memref<!tpu.dma_semaphore, #tpu.memory_space<semaphore_mem>>
        %dma_start3A = arith.constant 9984 : i32
        %dma_start3A_55 = arith.constant 0 : i32
        %dma_start3A_56 = tpu.memref_slice %arg22[%dma_start3A, %dma_start3A_55] : memref<10000x128xf32, #tpu.memory_space<vmem_shared>> -> memref<16x128xf32, #tpu.memory_space<vmem_shared>>
        %dma_start3A_57 = arith.constant 9984 : i32
        %dma_start3A_58 = arith.constant 0 : i32
        %dma_start3A_59 = tpu.memref_slice %arg6[%dma_start3A_57, %dma_start3A_58] : memref<10000x128xf32, #tpu.memory_space<hbm>> -> memref<16x128xf32, #tpu.memory_space<hbm>>
        tpu.enqueue_dma source(%dma_start3A_59 : memref<16x128xf32, #tpu.memory_space<hbm>>) target(%dma_start3A_56 : memref<16x128xf32, #tpu.memory_space<vmem_shared>>) target_semaphore(%run_scoped3A : memref<!tpu.dma_semaphore, #tpu.memory_space<semaphore_mem>>)
        %dma_wait3A_60 = arith.constant 9984 : i32
        %dma_wait3A_61 = arith.constant 0 : i32
        %dma_wait3A_62 = tpu.memref_slice %arg22[%dma_wait3A_60, %dma_wait3A_61] : memref<10000x128xf32, #tpu.memory_space<vmem_shared>> -> memref<16x128xf32, #tpu.memory_space<vmem_shared>>
        %dma_wait3A_63 = arith.constant 9984 : i32
        %dma_wait3A_64 = arith.constant 0 : i32
        %dma_wait3A_65 = tpu.memref_slice %arg6[%dma_wait3A_63, %dma_wait3A_64] : memref<10000x128xf32, #tpu.memory_space<hbm>> -> memref<16x128xf32, #tpu.memory_space<hbm>>
        tpu.wait_dma2 semaphore(%run_scoped3A : memref<!tpu.dma_semaphore, #tpu.memory_space<semaphore_mem>>) src(%dma_wait3A_65 : memref<16x128xf32, #tpu.memory_space<hbm>>) dst(%dma_wait3A_62 : memref<16x128xf32, #tpu.memory_space<vmem_shared>>)
        tpu.yield
      }) : () -> ()
    } else {
    }
    %barrier3A = arith.constant 0 : index
    tpu.barrier barrier_id(%barrier3A)
    %mul3A_5 = arith.constant 10000 : i32
    %mul3A_6 = arith.muli %arg1, %mul3A_5 : i32
    %scan3A = arith.constant 0 : i32
    %scan3A_7 = arith.constant 0 : i32
    %scan3A_8 = arith.constant 26 : i32
    %scan3A_9 = arith.addi %scan3A_7, %scan3A_8 : i32
    %scan3A_10 = arith.constant 1 : i32
    %scan3A_11 = scf.for %scan3A_55 = %scan3A_7 to %scan3A_9 step %scan3A_10 iter_args(%scan3A_56 = %scan3A) -> (i32)  : i32 {
      %mul3A_57 = arith.constant 4 : i32
      %mul3A_58 = arith.muli %mul3A_57, %scan3A_55 : i32
      %add3A_59 = arith.constant 0 : i32
      %add3A_60 = arith.addi %mul3A_58, %add3A_59 : i32
      %gt3A = arith.constant 0 : i32
      %gt3A_61 = arith.cmpi sgt, %scan3A_55, %gt3A : i32
      %convert_element_type3A_62 = arith.extui %gt3A_61 : i1 to i32
      %cond3A_63 = arith.constant 0 : i32
      %cond3A_64 = arith.cmpi ne, %convert_element_type3A_62, %cond3A_63 : i32
      scf.if %cond3A_64 {
        %dma_wait3A_280 = arith.constant 0 : i32
        %dma_wait3A_281 = arith.constant 0 : i32
        %dma_wait3A_282 = tpu.memref_slice %arg22[%dma_wait3A_280, %dma_wait3A_281] : memref<10000x128xf32, #tpu.memory_space<vmem_shared>> -> memref<10000x128xf32, #tpu.memory_space<vmem_shared>>
        tpu.wait_indirect_dma semaphore(%arg31 : memref<!tpu.dma_semaphore, #tpu.memory_space<semaphore_mem>>) src(%arg16 : memref<96x128xf32, #tpu.memory_space<vmem>>) dst(%dma_wait3A_282 : memref<10000x128xf32, #tpu.memory_space<vmem_shared>>)
      } else {
      }
      %mul3A_65 = arith.constant 96 : i32
      %mul3A_66 = arith.muli %add3A_60, %mul3A_65 : i32
      %add3A_67 = arith.addi %mul3A_6, %mul3A_66 : i32
      %dma_start3A = tpu.memref_slice %arg4[%add3A_67] : memref<160000xi32, #tpu.memory_space<hbm>> -> memref<96xi32, #tpu.memory_space<hbm>>
      %dma_start3A_68 = tpu.memref_slice %arg4[%add3A_67] : memref<160000xi32, #tpu.memory_space<hbm>> -> memref<96xi32, #tpu.memory_space<hbm>>
      tpu.enqueue_dma source(%dma_start3A_68 : memref<96xi32, #tpu.memory_space<hbm>>) target(%arg8 : memref<96xi32, #tpu.memory_space<vmem>>) target_semaphore(%arg23 : memref<!tpu.dma_semaphore, #tpu.memory_space<semaphore_mem>>)
      %mul3A_69 = arith.constant 96 : i32
      %mul3A_70 = arith.muli %add3A_60, %mul3A_69 : i32
      %add3A_71 = arith.addi %mul3A_6, %mul3A_70 : i32
      %dma_start3A_72 = tpu.memref_slice %arg5[%add3A_71] : memref<160000xi32, #tpu.memory_space<hbm>> -> memref<96xi32, #tpu.memory_space<hbm>>
      %dma_start3A_73 = tpu.memref_slice %arg5[%add3A_71] : memref<160000xi32, #tpu.memory_space<hbm>> -> memref<96xi32, #tpu.memory_space<hbm>>
      tpu.enqueue_dma source(%dma_start3A_73 : memref<96xi32, #tpu.memory_space<hbm>>) target(%arg12 : memref<96xi32, #tpu.memory_space<vmem>>) target_semaphore(%arg23 : memref<!tpu.dma_semaphore, #tpu.memory_space<semaphore_mem>>)
      %mul3A_74 = arith.constant 4 : i32
      %mul3A_75 = arith.muli %mul3A_74, %scan3A_55 : i32
      %add3A_76 = arith.constant 1 : i32
      %add3A_77 = arith.addi %mul3A_75, %add3A_76 : i32
      %gt3A_78 = arith.constant 0 : i32
      %gt3A_79 = arith.cmpi sgt, %scan3A_55, %gt3A_78 : i32
      %convert_element_type3A_80 = arith.extui %gt3A_79 : i1 to i32
      %cond3A_81 = arith.constant 0 : i32
      %cond3A_82 = arith.cmpi ne, %convert_element_type3A_80, %cond3A_81 : i32
      scf.if %cond3A_82 {
        %dma_wait3A_280 = arith.constant 0 : i32
        %dma_wait3A_281 = arith.constant 0 : i32
        %dma_wait3A_282 = tpu.memref_slice %arg22[%dma_wait3A_280, %dma_wait3A_281] : memref<10000x128xf32, #tpu.memory_space<vmem_shared>> -> memref<10000x128xf32, #tpu.memory_space<vmem_shared>>
        tpu.wait_indirect_dma semaphore(%arg32 : memref<!tpu.dma_semaphore, #tpu.memory_space<semaphore_mem>>) src(%arg17 : memref<96x128xf32, #tpu.memory_space<vmem>>) dst(%dma_wait3A_282 : memref<10000x128xf32, #tpu.memory_space<vmem_shared>>)
      } else {
      }
      %mul3A_83 = arith.constant 96 : i32
      %mul3A_84 = arith.muli %add3A_77, %mul3A_83 : i32
      %add3A_85 = arith.addi %mul3A_6, %mul3A_84 : i32
      %dma_start3A_86 = tpu.memref_slice %arg4[%add3A_85] : memref<160000xi32, #tpu.memory_space<hbm>> -> memref<96xi32, #tpu.memory_space<hbm>>
      %dma_start3A_87 = tpu.memref_slice %arg4[%add3A_85] : memref<160000xi32, #tpu.memory_space<hbm>> -> memref<96xi32, #tpu.memory_space<hbm>>
      tpu.enqueue_dma source(%dma_start3A_87 : memref<96xi32, #tpu.memory_space<hbm>>) target(%arg9 : memref<96xi32, #tpu.memory_space<vmem>>) target_semaphore(%arg24 : memref<!tpu.dma_semaphore, #tpu.memory_space<semaphore_mem>>)
      %mul3A_88 = arith.constant 96 : i32
      %mul3A_89 = arith.muli %add3A_77, %mul3A_88 : i32
      %add3A_90 = arith.addi %mul3A_6, %mul3A_89 : i32
      %dma_start3A_91 = tpu.memref_slice %arg5[%add3A_90] : memref<160000xi32, #tpu.memory_space<hbm>> -> memref<96xi32, #tpu.memory_space<hbm>>
      %dma_start3A_92 = tpu.memref_slice %arg5[%add3A_90] : memref<160000xi32, #tpu.memory_space<hbm>> -> memref<96xi32, #tpu.memory_space<hbm>>
      tpu.enqueue_dma source(%dma_start3A_92 : memref<96xi32, #tpu.memory_space<hbm>>) target(%arg13 : memref<96xi32, #tpu.memory_space<vmem>>) target_semaphore(%arg24 : memref<!tpu.dma_semaphore, #tpu.memory_space<semaphore_mem>>)
      %mul3A_93 = arith.constant 4 : i32
      %mul3A_94 = arith.muli %mul3A_93, %scan3A_55 : i32
      %add3A_95 = arith.constant 2 : i32
      %add3A_96 = arith.addi %mul3A_94, %add3A_95 : i32
      %gt3A_97 = arith.constant 0 : i32
      %gt3A_98 = arith.cmpi sgt, %scan3A_55, %gt3A_97 : i32
      %convert_element_type3A_99 = arith.extui %gt3A_98 : i1 to i32
      %cond3A_100 = arith.constant 0 : i32
      %cond3A_101 = arith.cmpi ne, %convert_element_type3A_99, %cond3A_100 : i32
      scf.if %cond3A_101 {
        %dma_wait3A_280 = arith.constant 0 : i32
        %dma_wait3A_281 = arith.constant 0 : i32
        %dma_wait3A_282 = tpu.memref_slice %arg22[%dma_wait3A_280, %dma_wait3A_281] : memref<10000x128xf32, #tpu.memory_space<vmem_shared>> -> memref<10000x128xf32, #tpu.memory_space<vmem_shared>>
        tpu.wait_indirect_dma semaphore(%arg33 : memref<!tpu.dma_semaphore, #tpu.memory_space<semaphore_mem>>) src(%arg18 : memref<96x128xf32, #tpu.memory_space<vmem>>) dst(%dma_wait3A_282 : memref<10000x128xf32, #tpu.memory_space<vmem_shared>>)
      } else {
      }
      %mul3A_102 = arith.constant 96 : i32
      %mul3A_103 = arith.muli %add3A_96, %mul3A_102 : i32
      %add3A_104 = arith.addi %mul3A_6, %mul3A_103 : i32
      %dma_start3A_105 = tpu.memref_slice %arg4[%add3A_104] : memref<160000xi32, #tpu.memory_space<hbm>> -> memref<96xi32, #tpu.memory_space<hbm>>
      %dma_start3A_106 = tpu.memref_slice %arg4[%add3A_104] : memref<160000xi32, #tpu.memory_space<hbm>> -> memref<96xi32, #tpu.memory_space<hbm>>
      tpu.enqueue_dma source(%dma_start3A_106 : memref<96xi32, #tpu.memory_space<hbm>>) target(%arg10 : memref<96xi32, #tpu.memory_space<vmem>>) target_semaphore(%arg25 : memref<!tpu.dma_semaphore, #tpu.memory_space<semaphore_mem>>)
      %mul3A_107 = arith.constant 96 : i32
      %mul3A_108 = arith.muli %add3A_96, %mul3A_107 : i32
      %add3A_109 = arith.addi %mul3A_6, %mul3A_108 : i32
      %dma_start3A_110 = tpu.memref_slice %arg5[%add3A_109] : memref<160000xi32, #tpu.memory_space<hbm>> -> memref<96xi32, #tpu.memory_space<hbm>>
      %dma_start3A_111 = tpu.memref_slice %arg5[%add3A_109] : memref<160000xi32, #tpu.memory_space<hbm>> -> memref<96xi32, #tpu.memory_space<hbm>>
      tpu.enqueue_dma source(%dma_start3A_111 : memref<96xi32, #tpu.memory_space<hbm>>) target(%arg14 : memref<96xi32, #tpu.memory_space<vmem>>) target_semaphore(%arg25 : memref<!tpu.dma_semaphore, #tpu.memory_space<semaphore_mem>>)
      %mul3A_112 = arith.constant 4 : i32
      %mul3A_113 = arith.muli %mul3A_112, %scan3A_55 : i32
      %add3A_114 = arith.constant 3 : i32
      %add3A_115 = arith.addi %mul3A_113, %add3A_114 : i32
      %gt3A_116 = arith.constant 0 : i32
      %gt3A_117 = arith.cmpi sgt, %scan3A_55, %gt3A_116 : i32
      %convert_element_type3A_118 = arith.extui %gt3A_117 : i1 to i32
      %cond3A_119 = arith.constant 0 : i32
      %cond3A_120 = arith.cmpi ne, %convert_element_type3A_118, %cond3A_119 : i32
      scf.if %cond3A_120 {
        %dma_wait3A_280 = arith.constant 0 : i32
        %dma_wait3A_281 = arith.constant 0 : i32
        %dma_wait3A_282 = tpu.memref_slice %arg22[%dma_wait3A_280, %dma_wait3A_281] : memref<10000x128xf32, #tpu.memory_space<vmem_shared>> -> memref<10000x128xf32, #tpu.memory_space<vmem_shared>>
        tpu.wait_indirect_dma semaphore(%arg34 : memref<!tpu.dma_semaphore, #tpu.memory_space<semaphore_mem>>) src(%arg19 : memref<96x128xf32, #tpu.memory_space<vmem>>) dst(%dma_wait3A_282 : memref<10000x128xf32, #tpu.memory_space<vmem_shared>>)
      } else {
      }
      %mul3A_121 = arith.constant 96 : i32
      %mul3A_122 = arith.muli %add3A_115, %mul3A_121 : i32
      %add3A_123 = arith.addi %mul3A_6, %mul3A_122 : i32
      %dma_start3A_124 = tpu.memref_slice %arg4[%add3A_123] : memref<160000xi32, #tpu.memory_space<hbm>> -> memref<96xi32, #tpu.memory_space<hbm>>
      %dma_start3A_125 = tpu.memref_slice %arg4[%add3A_123] : memref<160000xi32, #tpu.memory_space<hbm>> -> memref<96xi32, #tpu.memory_space<hbm>>
      tpu.enqueue_dma source(%dma_start3A_125 : memref<96xi32, #tpu.memory_space<hbm>>) target(%arg11 : memref<96xi32, #tpu.memory_space<vmem>>) target_semaphore(%arg26 : memref<!tpu.dma_semaphore, #tpu.memory_space<semaphore_mem>>)
      %mul3A_126 = arith.constant 96 : i32
      %mul3A_127 = arith.muli %add3A_115, %mul3A_126 : i32
      %add3A_128 = arith.addi %mul3A_6, %mul3A_127 : i32
      %dma_start3A_129 = tpu.memref_slice %arg5[%add3A_128] : memref<160000xi32, #tpu.memory_space<hbm>> -> memref<96xi32, #tpu.memory_space<hbm>>
      %dma_start3A_130 = tpu.memref_slice %arg5[%add3A_128] : memref<160000xi32, #tpu.memory_space<hbm>> -> memref<96xi32, #tpu.memory_space<hbm>>
      tpu.enqueue_dma source(%dma_start3A_130 : memref<96xi32, #tpu.memory_space<hbm>>) target(%arg15 : memref<96xi32, #tpu.memory_space<vmem>>) target_semaphore(%arg26 : memref<!tpu.dma_semaphore, #tpu.memory_space<semaphore_mem>>)
      %mul3A_131 = arith.constant 4 : i32
      %mul3A_132 = arith.muli %mul3A_131, %scan3A_55 : i32
      %add3A_133 = arith.constant 0 : i32
      %add3A_134 = arith.addi %mul3A_132, %add3A_133 : i32
      %mul3A_135 = arith.constant 96 : i32
      %mul3A_136 = arith.muli %add3A_134, %mul3A_135 : i32
      %add3A_137 = arith.addi %mul3A_6, %mul3A_136 : i32
      %dma_wait3A_138 = tpu.memref_slice %arg4[%add3A_137] : memref<160000xi32, #tpu.memory_space<hbm>> -> memref<96xi32, #tpu.memory_space<hbm>>
      %dma_wait3A_139 = tpu.memref_slice %arg4[%add3A_137] : memref<160000xi32, #tpu.memory_space<hbm>> -> memref<96xi32, #tpu.memory_space<hbm>>
      tpu.wait_dma2 semaphore(%arg23 : memref<!tpu.dma_semaphore, #tpu.memory_space<semaphore_mem>>) src(%dma_wait3A_139 : memref<96xi32, #tpu.memory_space<hbm>>) dst(%arg8 : memref<96xi32, #tpu.memory_space<vmem>>)
      %mul3A_140 = arith.constant 96 : i32
      %mul3A_141 = arith.muli %add3A_134, %mul3A_140 : i32
      %add3A_142 = arith.addi %mul3A_6, %mul3A_141 : i32
      %dma_wait3A_143 = tpu.memref_slice %arg5[%add3A_142] : memref<160000xi32, #tpu.memory_space<hbm>> -> memref<96xi32, #tpu.memory_space<hbm>>
      %dma_wait3A_144 = tpu.memref_slice %arg5[%add3A_142] : memref<160000xi32, #tpu.memory_space<hbm>> -> memref<96xi32, #tpu.memory_space<hbm>>
      tpu.wait_dma2 semaphore(%arg23 : memref<!tpu.dma_semaphore, #tpu.memory_space<semaphore_mem>>) src(%dma_wait3A_144 : memref<96xi32, #tpu.memory_space<hbm>>) dst(%arg12 : memref<96xi32, #tpu.memory_space<vmem>>)
      %eq3A_145 = arith.constant 0 : i32
      %eq3A_146 = arith.cmpi eq, %arg0, %eq3A_145 : i32
      %convert_element_type3A_147 = arith.extui %eq3A_146 : i1 to i32
      %cond3A_148 = arith.constant 0 : i32
      %cond3A_149 = arith.cmpi ne, %convert_element_type3A_147, %cond3A_148 : i32
      scf.if %cond3A_149 {
        %dma_start3A_280 = arith.constant 0 : i32
        %dma_start3A_281 = arith.constant 0 : i32
        %dma_start3A_282 = tpu.memref_slice %arg2[%dma_start3A_280, %dma_start3A_281] : memref<10000x128xf32, #tpu.memory_space<hbm>> -> memref<10000x128xf32, #tpu.memory_space<hbm>>
        tpu.enqueue_indirect_dma source(%dma_start3A_282 : memref<10000x128xf32, #tpu.memory_space<hbm>>) target(%arg16 : memref<96x128xf32, #tpu.memory_space<vmem>>) offsets(%arg8 : memref<96xi32, #tpu.memory_space<vmem>>) semaphore(%arg27 : memref<!tpu.dma_semaphore, #tpu.memory_space<semaphore_mem>>)
      } else {
      }
      %eq3A_150 = arith.constant 1 : i32
      %eq3A_151 = arith.cmpi eq, %arg0, %eq3A_150 : i32
      %convert_element_type3A_152 = arith.extui %eq3A_151 : i1 to i32
      %cond3A_153 = arith.constant 0 : i32
      %cond3A_154 = arith.cmpi ne, %convert_element_type3A_152, %cond3A_153 : i32
      scf.if %cond3A_154 {
        %dma_start3A_280 = arith.constant 0 : i32
        %dma_start3A_281 = arith.constant 0 : i32
        %dma_start3A_282 = tpu.memref_slice %arg3[%dma_start3A_280, %dma_start3A_281] : memref<10000x128xf32, #tpu.memory_space<hbm>> -> memref<10000x128xf32, #tpu.memory_space<hbm>>
        tpu.enqueue_indirect_dma source(%dma_start3A_282 : memref<10000x128xf32, #tpu.memory_space<hbm>>) target(%arg16 : memref<96x128xf32, #tpu.memory_space<vmem>>) offsets(%arg8 : memref<96xi32, #tpu.memory_space<vmem>>) semaphore(%arg27 : memref<!tpu.dma_semaphore, #tpu.memory_space<semaphore_mem>>)
      } else {
      }
      %mul3A_155 = arith.constant 4 : i32
      %mul3A_156 = arith.muli %mul3A_155, %scan3A_55 : i32
      %add3A_157 = arith.constant 1 : i32
      %add3A_158 = arith.addi %mul3A_156, %add3A_157 : i32
      %mul3A_159 = arith.constant 96 : i32
      %mul3A_160 = arith.muli %add3A_158, %mul3A_159 : i32
      %add3A_161 = arith.addi %mul3A_6, %mul3A_160 : i32
      %dma_wait3A_162 = tpu.memref_slice %arg4[%add3A_161] : memref<160000xi32, #tpu.memory_space<hbm>> -> memref<96xi32, #tpu.memory_space<hbm>>
      %dma_wait3A_163 = tpu.memref_slice %arg4[%add3A_161] : memref<160000xi32, #tpu.memory_space<hbm>> -> memref<96xi32, #tpu.memory_space<hbm>>
      tpu.wait_dma2 semaphore(%arg24 : memref<!tpu.dma_semaphore, #tpu.memory_space<semaphore_mem>>) src(%dma_wait3A_163 : memref<96xi32, #tpu.memory_space<hbm>>) dst(%arg9 : memref<96xi32, #tpu.memory_space<vmem>>)
      %mul3A_164 = arith.constant 96 : i32
      %mul3A_165 = arith.muli %add3A_158, %mul3A_164 : i32
      %add3A_166 = arith.addi %mul3A_6, %mul3A_165 : i32
      %dma_wait3A_167 = tpu.memref_slice %arg5[%add3A_166] : memref<160000xi32, #tpu.memory_space<hbm>> -> memref<96xi32, #tpu.memory_space<hbm>>
      %dma_wait3A_168 = tpu.memref_slice %arg5[%add3A_166] : memref<160000xi32, #tpu.memory_space<hbm>> -> memref<96xi32, #tpu.memory_space<hbm>>
      tpu.wait_dma2 semaphore(%arg24 : memref<!tpu.dma_semaphore, #tpu.memory_space<semaphore_mem>>) src(%dma_wait3A_168 : memref<96xi32, #tpu.memory_space<hbm>>) dst(%arg13 : memref<96xi32, #tpu.memory_space<vmem>>)
      %eq3A_169 = arith.constant 0 : i32
      %eq3A_170 = arith.cmpi eq, %arg0, %eq3A_169 : i32
      %convert_element_type3A_171 = arith.extui %eq3A_170 : i1 to i32
      %cond3A_172 = arith.constant 0 : i32
      %cond3A_173 = arith.cmpi ne, %convert_element_type3A_171, %cond3A_172 : i32
      scf.if %cond3A_173 {
        %dma_start3A_280 = arith.constant 0 : i32
        %dma_start3A_281 = arith.constant 0 : i32
        %dma_start3A_282 = tpu.memref_slice %arg2[%dma_start3A_280, %dma_start3A_281] : memref<10000x128xf32, #tpu.memory_space<hbm>> -> memref<10000x128xf32, #tpu.memory_space<hbm>>
        tpu.enqueue_indirect_dma source(%dma_start3A_282 : memref<10000x128xf32, #tpu.memory_space<hbm>>) target(%arg17 : memref<96x128xf32, #tpu.memory_space<vmem>>) offsets(%arg9 : memref<96xi32, #tpu.memory_space<vmem>>) semaphore(%arg28 : memref<!tpu.dma_semaphore, #tpu.memory_space<semaphore_mem>>)
      } else {
      }
      %eq3A_174 = arith.constant 1 : i32
      %eq3A_175 = arith.cmpi eq, %arg0, %eq3A_174 : i32
      %convert_element_type3A_176 = arith.extui %eq3A_175 : i1 to i32
      %cond3A_177 = arith.constant 0 : i32
      %cond3A_178 = arith.cmpi ne, %convert_element_type3A_176, %cond3A_177 : i32
      scf.if %cond3A_178 {
        %dma_start3A_280 = arith.constant 0 : i32
        %dma_start3A_281 = arith.constant 0 : i32
        %dma_start3A_282 = tpu.memref_slice %arg3[%dma_start3A_280, %dma_start3A_281] : memref<10000x128xf32, #tpu.memory_space<hbm>> -> memref<10000x128xf32, #tpu.memory_space<hbm>>
        tpu.enqueue_indirect_dma source(%dma_start3A_282 : memref<10000x128xf32, #tpu.memory_space<hbm>>) target(%arg17 : memref<96x128xf32, #tpu.memory_space<vmem>>) offsets(%arg9 : memref<96xi32, #tpu.memory_space<vmem>>) semaphore(%arg28 : memref<!tpu.dma_semaphore, #tpu.memory_space<semaphore_mem>>)
      } else {
      }
      %mul3A_179 = arith.constant 4 : i32
      %mul3A_180 = arith.muli %mul3A_179, %scan3A_55 : i32
      %add3A_181 = arith.constant 2 : i32
      %add3A_182 = arith.addi %mul3A_180, %add3A_181 : i32
      %mul3A_183 = arith.constant 96 : i32
      %mul3A_184 = arith.muli %add3A_182, %mul3A_183 : i32
      %add3A_185 = arith.addi %mul3A_6, %mul3A_184 : i32
      %dma_wait3A_186 = tpu.memref_slice %arg4[%add3A_185] : memref<160000xi32, #tpu.memory_space<hbm>> -> memref<96xi32, #tpu.memory_space<hbm>>
      %dma_wait3A_187 = tpu.memref_slice %arg4[%add3A_185] : memref<160000xi32, #tpu.memory_space<hbm>> -> memref<96xi32, #tpu.memory_space<hbm>>
      tpu.wait_dma2 semaphore(%arg25 : memref<!tpu.dma_semaphore, #tpu.memory_space<semaphore_mem>>) src(%dma_wait3A_187 : memref<96xi32, #tpu.memory_space<hbm>>) dst(%arg10 : memref<96xi32, #tpu.memory_space<vmem>>)
      %mul3A_188 = arith.constant 96 : i32
      %mul3A_189 = arith.muli %add3A_182, %mul3A_188 : i32
      %add3A_190 = arith.addi %mul3A_6, %mul3A_189 : i32
      %dma_wait3A_191 = tpu.memref_slice %arg5[%add3A_190] : memref<160000xi32, #tpu.memory_space<hbm>> -> memref<96xi32, #tpu.memory_space<hbm>>
      %dma_wait3A_192 = tpu.memref_slice %arg5[%add3A_190] : memref<160000xi32, #tpu.memory_space<hbm>> -> memref<96xi32, #tpu.memory_space<hbm>>
      tpu.wait_dma2 semaphore(%arg25 : memref<!tpu.dma_semaphore, #tpu.memory_space<semaphore_mem>>) src(%dma_wait3A_192 : memref<96xi32, #tpu.memory_space<hbm>>) dst(%arg14 : memref<96xi32, #tpu.memory_space<vmem>>)
      %eq3A_193 = arith.constant 0 : i32
      %eq3A_194 = arith.cmpi eq, %arg0, %eq3A_193 : i32
      %convert_element_type3A_195 = arith.extui %eq3A_194 : i1 to i32
      %cond3A_196 = arith.constant 0 : i32
      %cond3A_197 = arith.cmpi ne, %convert_element_type3A_195, %cond3A_196 : i32
      scf.if %cond3A_197 {
        %dma_start3A_280 = arith.constant 0 : i32
        %dma_start3A_281 = arith.constant 0 : i32
        %dma_start3A_282 = tpu.memref_slice %arg2[%dma_start3A_280, %dma_start3A_281] : memref<10000x128xf32, #tpu.memory_space<hbm>> -> memref<10000x128xf32, #tpu.memory_space<hbm>>
        tpu.enqueue_indirect_dma source(%dma_start3A_282 : memref<10000x128xf32, #tpu.memory_space<hbm>>) target(%arg18 : memref<96x128xf32, #tpu.memory_space<vmem>>) offsets(%arg10 : memref<96xi32, #tpu.memory_space<vmem>>) semaphore(%arg29 : memref<!tpu.dma_semaphore, #tpu.memory_space<semaphore_mem>>)
      } else {
      }
      %eq3A_198 = arith.constant 1 : i32
      %eq3A_199 = arith.cmpi eq, %arg0, %eq3A_198 : i32
      %convert_element_type3A_200 = arith.extui %eq3A_199 : i1 to i32
      %cond3A_201 = arith.constant 0 : i32
      %cond3A_202 = arith.cmpi ne, %convert_element_type3A_200, %cond3A_201 : i32
      scf.if %cond3A_202 {
        %dma_start3A_280 = arith.constant 0 : i32
        %dma_start3A_281 = arith.constant 0 : i32
        %dma_start3A_282 = tpu.memref_slice %arg3[%dma_start3A_280, %dma_start3A_281] : memref<10000x128xf32, #tpu.memory_space<hbm>> -> memref<10000x128xf32, #tpu.memory_space<hbm>>
        tpu.enqueue_indirect_dma source(%dma_start3A_282 : memref<10000x128xf32, #tpu.memory_space<hbm>>) target(%arg18 : memref<96x128xf32, #tpu.memory_space<vmem>>) offsets(%arg10 : memref<96xi32, #tpu.memory_space<vmem>>) semaphore(%arg29 : memref<!tpu.dma_semaphore, #tpu.memory_space<semaphore_mem>>)
      } else {
      }
      %mul3A_203 = arith.constant 4 : i32
      %mul3A_204 = arith.muli %mul3A_203, %scan3A_55 : i32
      %add3A_205 = arith.constant 3 : i32
      %add3A_206 = arith.addi %mul3A_204, %add3A_205 : i32
      %mul3A_207 = arith.constant 96 : i32
      %mul3A_208 = arith.muli %add3A_206, %mul3A_207 : i32
      %add3A_209 = arith.addi %mul3A_6, %mul3A_208 : i32
      %dma_wait3A_210 = tpu.memref_slice %arg4[%add3A_209] : memref<160000xi32, #tpu.memory_space<hbm>> -> memref<96xi32, #tpu.memory_space<hbm>>
      %dma_wait3A_211 = tpu.memref_slice %arg4[%add3A_209] : memref<160000xi32, #tpu.memory_space<hbm>> -> memref<96xi32, #tpu.memory_space<hbm>>
      tpu.wait_dma2 semaphore(%arg26 : memref<!tpu.dma_semaphore, #tpu.memory_space<semaphore_mem>>) src(%dma_wait3A_211 : memref<96xi32, #tpu.memory_space<hbm>>) dst(%arg11 : memref<96xi32, #tpu.memory_space<vmem>>)
      %mul3A_212 = arith.constant 96 : i32
      %mul3A_213 = arith.muli %add3A_206, %mul3A_212 : i32
      %add3A_214 = arith.addi %mul3A_6, %mul3A_213 : i32
      %dma_wait3A_215 = tpu.memref_slice %arg5[%add3A_214] : memref<160000xi32, #tpu.memory_space<hbm>> -> memref<96xi32, #tpu.memory_space<hbm>>
      %dma_wait3A_216 = tpu.memref_slice %arg5[%add3A_214] : memref<160000xi32, #tpu.memory_space<hbm>> -> memref<96xi32, #tpu.memory_space<hbm>>
      tpu.wait_dma2 semaphore(%arg26 : memref<!tpu.dma_semaphore, #tpu.memory_space<semaphore_mem>>) src(%dma_wait3A_216 : memref<96xi32, #tpu.memory_space<hbm>>) dst(%arg15 : memref<96xi32, #tpu.memory_space<vmem>>)
      %eq3A_217 = arith.constant 0 : i32
      %eq3A_218 = arith.cmpi eq, %arg0, %eq3A_217 : i32
      %convert_element_type3A_219 = arith.extui %eq3A_218 : i1 to i32
      %cond3A_220 = arith.constant 0 : i32
      %cond3A_221 = arith.cmpi ne, %convert_element_type3A_219, %cond3A_220 : i32
      scf.if %cond3A_221 {
        %dma_start3A_280 = arith.constant 0 : i32
        %dma_start3A_281 = arith.constant 0 : i32
        %dma_start3A_282 = tpu.memref_slice %arg2[%dma_start3A_280, %dma_start3A_281] : memref<10000x128xf32, #tpu.memory_space<hbm>> -> memref<10000x128xf32, #tpu.memory_space<hbm>>
        tpu.enqueue_indirect_dma source(%dma_start3A_282 : memref<10000x128xf32, #tpu.memory_space<hbm>>) target(%arg19 : memref<96x128xf32, #tpu.memory_space<vmem>>) offsets(%arg11 : memref<96xi32, #tpu.memory_space<vmem>>) semaphore(%arg30 : memref<!tpu.dma_semaphore, #tpu.memory_space<semaphore_mem>>)
      } else {
      }
      %eq3A_222 = arith.constant 1 : i32
      %eq3A_223 = arith.cmpi eq, %arg0, %eq3A_222 : i32
      %convert_element_type3A_224 = arith.extui %eq3A_223 : i1 to i32
      %cond3A_225 = arith.constant 0 : i32
      %cond3A_226 = arith.cmpi ne, %convert_element_type3A_224, %cond3A_225 : i32
      scf.if %cond3A_226 {
        %dma_start3A_280 = arith.constant 0 : i32
        %dma_start3A_281 = arith.constant 0 : i32
        %dma_start3A_282 = tpu.memref_slice %arg3[%dma_start3A_280, %dma_start3A_281] : memref<10000x128xf32, #tpu.memory_space<hbm>> -> memref<10000x128xf32, #tpu.memory_space<hbm>>
        tpu.enqueue_indirect_dma source(%dma_start3A_282 : memref<10000x128xf32, #tpu.memory_space<hbm>>) target(%arg19 : memref<96x128xf32, #tpu.memory_space<vmem>>) offsets(%arg11 : memref<96xi32, #tpu.memory_space<vmem>>) semaphore(%arg30 : memref<!tpu.dma_semaphore, #tpu.memory_space<semaphore_mem>>)
      } else {
      }
      %eq3A_227 = arith.constant 0 : i32
      %eq3A_228 = arith.cmpi eq, %arg0, %eq3A_227 : i32
      %convert_element_type3A_229 = arith.extui %eq3A_228 : i1 to i32
      %cond3A_230 = arith.constant 0 : i32
      %cond3A_231 = arith.cmpi ne, %convert_element_type3A_229, %cond3A_230 : i32
      scf.if %cond3A_231 {
        %dma_wait3A_280 = arith.constant 0 : i32
        %dma_wait3A_281 = arith.constant 0 : i32
        %dma_wait3A_282 = tpu.memref_slice %arg2[%dma_wait3A_280, %dma_wait3A_281] : memref<10000x128xf32, #tpu.memory_space<hbm>> -> memref<10000x128xf32, #tpu.memory_space<hbm>>
        tpu.wait_indirect_dma semaphore(%arg27 : memref<!tpu.dma_semaphore, #tpu.memory_space<semaphore_mem>>) src(%dma_wait3A_282 : memref<10000x128xf32, #tpu.memory_space<hbm>>) dst(%arg16 : memref<96x128xf32, #tpu.memory_space<vmem>>)
      } else {
      }
      %eq3A_232 = arith.constant 1 : i32
      %eq3A_233 = arith.cmpi eq, %arg0, %eq3A_232 : i32
      %convert_element_type3A_234 = arith.extui %eq3A_233 : i1 to i32
      %cond3A_235 = arith.constant 0 : i32
      %cond3A_236 = arith.cmpi ne, %convert_element_type3A_234, %cond3A_235 : i32
      scf.if %cond3A_236 {
        %dma_wait3A_280 = arith.constant 0 : i32
        %dma_wait3A_281 = arith.constant 0 : i32
        %dma_wait3A_282 = tpu.memref_slice %arg3[%dma_wait3A_280, %dma_wait3A_281] : memref<10000x128xf32, #tpu.memory_space<hbm>> -> memref<10000x128xf32, #tpu.memory_space<hbm>>
        tpu.wait_indirect_dma semaphore(%arg27 : memref<!tpu.dma_semaphore, #tpu.memory_space<semaphore_mem>>) src(%dma_wait3A_282 : memref<10000x128xf32, #tpu.memory_space<hbm>>) dst(%arg16 : memref<96x128xf32, #tpu.memory_space<vmem>>)
      } else {
      }
      %dma_start3A_237 = arith.constant 0 : i32
      %dma_start3A_238 = arith.constant 0 : i32
      %dma_start3A_239 = tpu.memref_slice %arg22[%dma_start3A_237, %dma_start3A_238] : memref<10000x128xf32, #tpu.memory_space<vmem_shared>> -> memref<10000x128xf32, #tpu.memory_space<vmem_shared>>
      tpu.enqueue_indirect_dma source(%arg16 : memref<96x128xf32, #tpu.memory_space<vmem>>) target(%dma_start3A_239 : memref<10000x128xf32, #tpu.memory_space<vmem_shared>>) offsets(%arg12 : memref<96xi32, #tpu.memory_space<vmem>>) semaphore(%arg31 : memref<!tpu.dma_semaphore, #tpu.memory_space<semaphore_mem>>) {add = true}
      %eq3A_240 = arith.constant 0 : i32
      %eq3A_241 = arith.cmpi eq, %arg0, %eq3A_240 : i32
      %convert_element_type3A_242 = arith.extui %eq3A_241 : i1 to i32
      %cond3A_243 = arith.constant 0 : i32
      %cond3A_244 = arith.cmpi ne, %convert_element_type3A_242, %cond3A_243 : i32
      scf.if %cond3A_244 {
        %dma_wait3A_280 = arith.constant 0 : i32
        %dma_wait3A_281 = arith.constant 0 : i32
        %dma_wait3A_282 = tpu.memref_slice %arg2[%dma_wait3A_280, %dma_wait3A_281] : memref<10000x128xf32, #tpu.memory_space<hbm>> -> memref<10000x128xf32, #tpu.memory_space<hbm>>
        tpu.wait_indirect_dma semaphore(%arg28 : memref<!tpu.dma_semaphore, #tpu.memory_space<semaphore_mem>>) src(%dma_wait3A_282 : memref<10000x128xf32, #tpu.memory_space<hbm>>) dst(%arg17 : memref<96x128xf32, #tpu.memory_space<vmem>>)
      } else {
      }
      %eq3A_245 = arith.constant 1 : i32
      %eq3A_246 = arith.cmpi eq, %arg0, %eq3A_245 : i32
      %convert_element_type3A_247 = arith.extui %eq3A_246 : i1 to i32
      %cond3A_248 = arith.constant 0 : i32
      %cond3A_249 = arith.cmpi ne, %convert_element_type3A_247, %cond3A_248 : i32
      scf.if %cond3A_249 {
        %dma_wait3A_280 = arith.constant 0 : i32
        %dma_wait3A_281 = arith.constant 0 : i32
        %dma_wait3A_282 = tpu.memref_slice %arg3[%dma_wait3A_280, %dma_wait3A_281] : memref<10000x128xf32, #tpu.memory_space<hbm>> -> memref<10000x128xf32, #tpu.memory_space<hbm>>
        tpu.wait_indirect_dma semaphore(%arg28 : memref<!tpu.dma_semaphore, #tpu.memory_space<semaphore_mem>>) src(%dma_wait3A_282 : memref<10000x128xf32, #tpu.memory_space<hbm>>) dst(%arg17 : memref<96x128xf32, #tpu.memory_space<vmem>>)
      } else {
      }
      %dma_start3A_250 = arith.constant 0 : i32
      %dma_start3A_251 = arith.constant 0 : i32
      %dma_start3A_252 = tpu.memref_slice %arg22[%dma_start3A_250, %dma_start3A_251] : memref<10000x128xf32, #tpu.memory_space<vmem_shared>> -> memref<10000x128xf32, #tpu.memory_space<vmem_shared>>
      tpu.enqueue_indirect_dma source(%arg17 : memref<96x128xf32, #tpu.memory_space<vmem>>) target(%dma_start3A_252 : memref<10000x128xf32, #tpu.memory_space<vmem_shared>>) offsets(%arg13 : memref<96xi32, #tpu.memory_space<vmem>>) semaphore(%arg32 : memref<!tpu.dma_semaphore, #tpu.memory_space<semaphore_mem>>) {add = true}
      %eq3A_253 = arith.constant 0 : i32
      %eq3A_254 = arith.cmpi eq, %arg0, %eq3A_253 : i32
      %convert_element_type3A_255 = arith.extui %eq3A_254 : i1 to i32
      %cond3A_256 = arith.constant 0 : i32
      %cond3A_257 = arith.cmpi ne, %convert_element_type3A_255, %cond3A_256 : i32
      scf.if %cond3A_257 {
        %dma_wait3A_280 = arith.constant 0 : i32
        %dma_wait3A_281 = arith.constant 0 : i32
        %dma_wait3A_282 = tpu.memref_slice %arg2[%dma_wait3A_280, %dma_wait3A_281] : memref<10000x128xf32, #tpu.memory_space<hbm>> -> memref<10000x128xf32, #tpu.memory_space<hbm>>
        tpu.wait_indirect_dma semaphore(%arg29 : memref<!tpu.dma_semaphore, #tpu.memory_space<semaphore_mem>>) src(%dma_wait3A_282 : memref<10000x128xf32, #tpu.memory_space<hbm>>) dst(%arg18 : memref<96x128xf32, #tpu.memory_space<vmem>>)
      } else {
      }
      %eq3A_258 = arith.constant 1 : i32
      %eq3A_259 = arith.cmpi eq, %arg0, %eq3A_258 : i32
      %convert_element_type3A_260 = arith.extui %eq3A_259 : i1 to i32
      %cond3A_261 = arith.constant 0 : i32
      %cond3A_262 = arith.cmpi ne, %convert_element_type3A_260, %cond3A_261 : i32
      scf.if %cond3A_262 {
        %dma_wait3A_280 = arith.constant 0 : i32
        %dma_wait3A_281 = arith.constant 0 : i32
        %dma_wait3A_282 = tpu.memref_slice %arg3[%dma_wait3A_280, %dma_wait3A_281] : memref<10000x128xf32, #tpu.memory_space<hbm>> -> memref<10000x128xf32, #tpu.memory_space<hbm>>
        tpu.wait_indirect_dma semaphore(%arg29 : memref<!tpu.dma_semaphore, #tpu.memory_space<semaphore_mem>>) src(%dma_wait3A_282 : memref<10000x128xf32, #tpu.memory_space<hbm>>) dst(%arg18 : memref<96x128xf32, #tpu.memory_space<vmem>>)
      } else {
      }
      %dma_start3A_263 = arith.constant 0 : i32
      %dma_start3A_264 = arith.constant 0 : i32
      %dma_start3A_265 = tpu.memref_slice %arg22[%dma_start3A_263, %dma_start3A_264] : memref<10000x128xf32, #tpu.memory_space<vmem_shared>> -> memref<10000x128xf32, #tpu.memory_space<vmem_shared>>
      tpu.enqueue_indirect_dma source(%arg18 : memref<96x128xf32, #tpu.memory_space<vmem>>) target(%dma_start3A_265 : memref<10000x128xf32, #tpu.memory_space<vmem_shared>>) offsets(%arg14 : memref<96xi32, #tpu.memory_space<vmem>>) semaphore(%arg33 : memref<!tpu.dma_semaphore, #tpu.memory_space<semaphore_mem>>) {add = true}
      %eq3A_266 = arith.constant 0 : i32
      %eq3A_267 = arith.cmpi eq, %arg0, %eq3A_266 : i32
      %convert_element_type3A_268 = arith.extui %eq3A_267 : i1 to i32
      %cond3A_269 = arith.constant 0 : i32
      %cond3A_270 = arith.cmpi ne, %convert_element_type3A_268, %cond3A_269 : i32
      scf.if %cond3A_270 {
        %dma_wait3A_280 = arith.constant 0 : i32
        %dma_wait3A_281 = arith.constant 0 : i32
        %dma_wait3A_282 = tpu.memref_slice %arg2[%dma_wait3A_280, %dma_wait3A_281] : memref<10000x128xf32, #tpu.memory_space<hbm>> -> memref<10000x128xf32, #tpu.memory_space<hbm>>
        tpu.wait_indirect_dma semaphore(%arg30 : memref<!tpu.dma_semaphore, #tpu.memory_space<semaphore_mem>>) src(%dma_wait3A_282 : memref<10000x128xf32, #tpu.memory_space<hbm>>) dst(%arg19 : memref<96x128xf32, #tpu.memory_space<vmem>>)
      } else {
      }
      %eq3A_271 = arith.constant 1 : i32
      %eq3A_272 = arith.cmpi eq, %arg0, %eq3A_271 : i32
      %convert_element_type3A_273 = arith.extui %eq3A_272 : i1 to i32
      %cond3A_274 = arith.constant 0 : i32
      %cond3A_275 = arith.cmpi ne, %convert_element_type3A_273, %cond3A_274 : i32
      scf.if %cond3A_275 {
        %dma_wait3A_280 = arith.constant 0 : i32
        %dma_wait3A_281 = arith.constant 0 : i32
        %dma_wait3A_282 = tpu.memref_slice %arg3[%dma_wait3A_280, %dma_wait3A_281] : memref<10000x128xf32, #tpu.memory_space<hbm>> -> memref<10000x128xf32, #tpu.memory_space<hbm>>
        tpu.wait_indirect_dma semaphore(%arg30 : memref<!tpu.dma_semaphore, #tpu.memory_space<semaphore_mem>>) src(%dma_wait3A_282 : memref<10000x128xf32, #tpu.memory_space<hbm>>) dst(%arg19 : memref<96x128xf32, #tpu.memory_space<vmem>>)
      } else {
      }
      %dma_start3A_276 = arith.constant 0 : i32
      %dma_start3A_277 = arith.constant 0 : i32
      %dma_start3A_278 = tpu.memref_slice %arg22[%dma_start3A_276, %dma_start3A_277] : memref<10000x128xf32, #tpu.memory_space<vmem_shared>> -> memref<10000x128xf32, #tpu.memory_space<vmem_shared>>
      tpu.enqueue_indirect_dma source(%arg19 : memref<96x128xf32, #tpu.memory_space<vmem>>) target(%dma_start3A_278 : memref<10000x128xf32, #tpu.memory_space<vmem_shared>>) offsets(%arg15 : memref<96xi32, #tpu.memory_space<vmem>>) semaphore(%arg34 : memref<!tpu.dma_semaphore, #tpu.memory_space<semaphore_mem>>) {add = true}
      %scan3A_279 = arith.constant 0 : i32
      scf.yield %scan3A_279 : i32
    }
    %scan3A_12 = arith.constant 26 : i32
    %dma_wait3A = arith.constant 0 : i32
    %dma_wait3A_13 = arith.constant 0 : i32
    %dma_wait3A_14 = tpu.memref_slice %arg22[%dma_wait3A, %dma_wait3A_13] : memref<10000x128xf32, #tpu.memory_space<vmem_shared>> -> memref<10000x128xf32, #tpu.memory_space<vmem_shared>>
    tpu.wait_indirect_dma semaphore(%arg31 : memref<!tpu.dma_semaphore, #tpu.memory_space<semaphore_mem>>) src(%arg16 : memref<96x128xf32, #tpu.memory_space<vmem>>) dst(%dma_wait3A_14 : memref<10000x128xf32, #tpu.memory_space<vmem_shared>>)
    %dma_wait3A_15 = arith.constant 0 : i32
    %dma_wait3A_16 = arith.constant 0 : i32
    %dma_wait3A_17 = tpu.memref_slice %arg22[%dma_wait3A_15, %dma_wait3A_16] : memref<10000x128xf32, #tpu.memory_space<vmem_shared>> -> memref<10000x128xf32, #tpu.memory_space<vmem_shared>>
    tpu.wait_indirect_dma semaphore(%arg32 : memref<!tpu.dma_semaphore, #tpu.memory_space<semaphore_mem>>) src(%arg17 : memref<96x128xf32, #tpu.memory_space<vmem>>) dst(%dma_wait3A_17 : memref<10000x128xf32, #tpu.memory_space<vmem_shared>>)
    %dma_wait3A_18 = arith.constant 0 : i32
    %dma_wait3A_19 = arith.constant 0 : i32
    %dma_wait3A_20 = tpu.memref_slice %arg22[%dma_wait3A_18, %dma_wait3A_19] : memref<10000x128xf32, #tpu.memory_space<vmem_shared>> -> memref<10000x128xf32, #tpu.memory_space<vmem_shared>>
    tpu.wait_indirect_dma semaphore(%arg33 : memref<!tpu.dma_semaphore, #tpu.memory_space<semaphore_mem>>) src(%arg18 : memref<96x128xf32, #tpu.memory_space<vmem>>) dst(%dma_wait3A_20 : memref<10000x128xf32, #tpu.memory_space<vmem_shared>>)
    %dma_wait3A_21 = arith.constant 0 : i32
    %dma_wait3A_22 = arith.constant 0 : i32
    %dma_wait3A_23 = tpu.memref_slice %arg22[%dma_wait3A_21, %dma_wait3A_22] : memref<10000x128xf32, #tpu.memory_space<vmem_shared>> -> memref<10000x128xf32, #tpu.memory_space<vmem_shared>>
    tpu.wait_indirect_dma semaphore(%arg34 : memref<!tpu.dma_semaphore, #tpu.memory_space<semaphore_mem>>) src(%arg19 : memref<96x128xf32, #tpu.memory_space<vmem>>) dst(%dma_wait3A_23 : memref<10000x128xf32, #tpu.memory_space<vmem_shared>>)
    %add3A = arith.constant 9984 : i32
    %add3A_24 = arith.addi %mul3A_6, %add3A : i32
    "tpu.region"() ({
      %run_scoped3A = tpu.sem_alloc : memref<!tpu.dma_semaphore, #tpu.memory_space<semaphore_mem>>
      %dma_start3A = tpu.memref_slice %arg4[%add3A_24] : memref<160000xi32, #tpu.memory_space<hbm>> -> memref<16xi32, #tpu.memory_space<hbm>>
      %dma_start3A_55 = tpu.memref_slice %arg4[%add3A_24] : memref<160000xi32, #tpu.memory_space<hbm>> -> memref<16xi32, #tpu.memory_space<hbm>>
      tpu.enqueue_dma source(%dma_start3A_55 : memref<16xi32, #tpu.memory_space<hbm>>) target(%arg20 : memref<16xi32, #tpu.memory_space<vmem>>) target_semaphore(%run_scoped3A : memref<!tpu.dma_semaphore, #tpu.memory_space<semaphore_mem>>)
      %dma_wait3A_56 = tpu.memref_slice %arg4[%add3A_24] : memref<160000xi32, #tpu.memory_space<hbm>> -> memref<16xi32, #tpu.memory_space<hbm>>
      %dma_wait3A_57 = tpu.memref_slice %arg4[%add3A_24] : memref<160000xi32, #tpu.memory_space<hbm>> -> memref<16xi32, #tpu.memory_space<hbm>>
      tpu.wait_dma2 semaphore(%run_scoped3A : memref<!tpu.dma_semaphore, #tpu.memory_space<semaphore_mem>>) src(%dma_wait3A_57 : memref<16xi32, #tpu.memory_space<hbm>>) dst(%arg20 : memref<16xi32, #tpu.memory_space<vmem>>)
      tpu.yield
    }) : () -> ()
    "tpu.region"() ({
      %run_scoped3A = tpu.sem_alloc : memref<!tpu.dma_semaphore, #tpu.memory_space<semaphore_mem>>
      %dma_start3A = tpu.memref_slice %arg5[%add3A_24] : memref<160000xi32, #tpu.memory_space<hbm>> -> memref<16xi32, #tpu.memory_space<hbm>>
      %dma_start3A_55 = tpu.memref_slice %arg5[%add3A_24] : memref<160000xi32, #tpu.memory_space<hbm>> -> memref<16xi32, #tpu.memory_space<hbm>>
      tpu.enqueue_dma source(%dma_start3A_55 : memref<16xi32, #tpu.memory_space<hbm>>) target(%arg21 : memref<16xi32, #tpu.memory_space<vmem>>) target_semaphore(%run_scoped3A : memref<!tpu.dma_semaphore, #tpu.memory_space<semaphore_mem>>)
      %dma_wait3A_56 = tpu.memref_slice %arg5[%add3A_24] : memref<160000xi32, #tpu.memory_space<hbm>> -> memref<16xi32, #tpu.memory_space<hbm>>
      %dma_wait3A_57 = tpu.memref_slice %arg5[%add3A_24] : memref<160000xi32, #tpu.memory_space<hbm>> -> memref<16xi32, #tpu.memory_space<hbm>>
      tpu.wait_dma2 semaphore(%run_scoped3A : memref<!tpu.dma_semaphore, #tpu.memory_space<semaphore_mem>>) src(%dma_wait3A_57 : memref<16xi32, #tpu.memory_space<hbm>>) dst(%arg21 : memref<16xi32, #tpu.memory_space<vmem>>)
      tpu.yield
    }) : () -> ()
    %eq3A_25 = arith.constant 0 : i32
    %eq3A_26 = arith.cmpi eq, %arg0, %eq3A_25 : i32
    %convert_element_type3A_27 = arith.extui %eq3A_26 : i1 to i32
    %cond3A_28 = arith.constant 0 : i32
    %cond3A_29 = arith.cmpi ne, %convert_element_type3A_27, %cond3A_28 : i32
    scf.if %cond3A_29 {
      %dma_start3A = arith.constant 0 : i32
      %dma_start3A_55 = arith.constant 0 : i32
      %dma_start3A_56 = tpu.memref_slice %arg16[%dma_start3A, %dma_start3A_55] : memref<96x128xf32, #tpu.memory_space<vmem>> -> memref<16x128xf32, #tpu.memory_space<vmem>>
      %dma_start3A_57 = arith.constant 0 : i32
      %dma_start3A_58 = arith.constant 0 : i32
      %dma_start3A_59 = tpu.memref_slice %arg2[%dma_start3A_57, %dma_start3A_58] : memref<10000x128xf32, #tpu.memory_space<hbm>> -> memref<10000x128xf32, #tpu.memory_space<hbm>>
      tpu.enqueue_indirect_dma source(%dma_start3A_59 : memref<10000x128xf32, #tpu.memory_space<hbm>>) target(%dma_start3A_56 : memref<16x128xf32, #tpu.memory_space<vmem>>) offsets(%arg20 : memref<16xi32, #tpu.memory_space<vmem>>) semaphore(%arg27 : memref<!tpu.dma_semaphore, #tpu.memory_space<semaphore_mem>>)
    } else {
    }
    %eq3A_30 = arith.constant 1 : i32
    %eq3A_31 = arith.cmpi eq, %arg0, %eq3A_30 : i32
    %convert_element_type3A_32 = arith.extui %eq3A_31 : i1 to i32
    %cond3A_33 = arith.constant 0 : i32
    %cond3A_34 = arith.cmpi ne, %convert_element_type3A_32, %cond3A_33 : i32
    scf.if %cond3A_34 {
      %dma_start3A = arith.constant 0 : i32
      %dma_start3A_55 = arith.constant 0 : i32
      %dma_start3A_56 = tpu.memref_slice %arg16[%dma_start3A, %dma_start3A_55] : memref<96x128xf32, #tpu.memory_space<vmem>> -> memref<16x128xf32, #tpu.memory_space<vmem>>
      %dma_start3A_57 = arith.constant 0 : i32
      %dma_start3A_58 = arith.constant 0 : i32
      %dma_start3A_59 = tpu.memref_slice %arg3[%dma_start3A_57, %dma_start3A_58] : memref<10000x128xf32, #tpu.memory_space<hbm>> -> memref<10000x128xf32, #tpu.memory_space<hbm>>
      tpu.enqueue_indirect_dma source(%dma_start3A_59 : memref<10000x128xf32, #tpu.memory_space<hbm>>) target(%dma_start3A_56 : memref<16x128xf32, #tpu.memory_space<vmem>>) offsets(%arg20 : memref<16xi32, #tpu.memory_space<vmem>>) semaphore(%arg27 : memref<!tpu.dma_semaphore, #tpu.memory_space<semaphore_mem>>)
    } else {
    }
    %eq3A_35 = arith.constant 0 : i32
    %eq3A_36 = arith.cmpi eq, %arg0, %eq3A_35 : i32
    %convert_element_type3A_37 = arith.extui %eq3A_36 : i1 to i32
    %cond3A_38 = arith.constant 0 : i32
    %cond3A_39 = arith.cmpi ne, %convert_element_type3A_37, %cond3A_38 : i32
    scf.if %cond3A_39 {
      %dma_wait3A_55 = arith.constant 0 : i32
      %dma_wait3A_56 = arith.constant 0 : i32
      %dma_wait3A_57 = tpu.memref_slice %arg16[%dma_wait3A_55, %dma_wait3A_56] : memref<96x128xf32, #tpu.memory_space<vmem>> -> memref<16x128xf32, #tpu.memory_space<vmem>>
      %dma_wait3A_58 = arith.constant 0 : i32
      %dma_wait3A_59 = arith.constant 0 : i32
      %dma_wait3A_60 = tpu.memref_slice %arg2[%dma_wait3A_58, %dma_wait3A_59] : memref<10000x128xf32, #tpu.memory_space<hbm>> -> memref<10000x128xf32, #tpu.memory_space<hbm>>
      tpu.wait_indirect_dma semaphore(%arg27 : memref<!tpu.dma_semaphore, #tpu.memory_space<semaphore_mem>>) src(%dma_wait3A_60 : memref<10000x128xf32, #tpu.memory_space<hbm>>) dst(%dma_wait3A_57 : memref<16x128xf32, #tpu.memory_space<vmem>>)
    } else {
    }
    %eq3A_40 = arith.constant 1 : i32
    %eq3A_41 = arith.cmpi eq, %arg0, %eq3A_40 : i32
    %convert_element_type3A_42 = arith.extui %eq3A_41 : i1 to i32
    %cond3A_43 = arith.constant 0 : i32
    %cond3A_44 = arith.cmpi ne, %convert_element_type3A_42, %cond3A_43 : i32
    scf.if %cond3A_44 {
      %dma_wait3A_55 = arith.constant 0 : i32
      %dma_wait3A_56 = arith.constant 0 : i32
      %dma_wait3A_57 = tpu.memref_slice %arg16[%dma_wait3A_55, %dma_wait3A_56] : memref<96x128xf32, #tpu.memory_space<vmem>> -> memref<16x128xf32, #tpu.memory_space<vmem>>
      %dma_wait3A_58 = arith.constant 0 : i32
      %dma_wait3A_59 = arith.constant 0 : i32
      %dma_wait3A_60 = tpu.memref_slice %arg3[%dma_wait3A_58, %dma_wait3A_59] : memref<10000x128xf32, #tpu.memory_space<hbm>> -> memref<10000x128xf32, #tpu.memory_space<hbm>>
      tpu.wait_indirect_dma semaphore(%arg27 : memref<!tpu.dma_semaphore, #tpu.memory_space<semaphore_mem>>) src(%dma_wait3A_60 : memref<10000x128xf32, #tpu.memory_space<hbm>>) dst(%dma_wait3A_57 : memref<16x128xf32, #tpu.memory_space<vmem>>)
    } else {
    }
    "tpu.region"() ({
      %run_scoped3A = tpu.sem_alloc : memref<!tpu.dma_semaphore, #tpu.memory_space<semaphore_mem>>
      %dma_start3A = arith.constant 0 : i32
      %dma_start3A_55 = arith.constant 0 : i32
      %dma_start3A_56 = tpu.memref_slice %arg16[%dma_start3A, %dma_start3A_55] : memref<96x128xf32, #tpu.memory_space<vmem>> -> memref<16x128xf32, #tpu.memory_space<vmem>>
      %dma_start3A_57 = arith.constant 0 : i32
      %dma_start3A_58 = arith.constant 0 : i32
      %dma_start3A_59 = tpu.memref_slice %arg22[%dma_start3A_57, %dma_start3A_58] : memref<10000x128xf32, #tpu.memory_space<vmem_shared>> -> memref<10000x128xf32, #tpu.memory_space<vmem_shared>>
      tpu.enqueue_indirect_dma source(%dma_start3A_56 : memref<16x128xf32, #tpu.memory_space<vmem>>) target(%dma_start3A_59 : memref<10000x128xf32, #tpu.memory_space<vmem_shared>>) offsets(%arg21 : memref<16xi32, #tpu.memory_space<vmem>>) semaphore(%run_scoped3A : memref<!tpu.dma_semaphore, #tpu.memory_space<semaphore_mem>>) {add = true}
      %dma_wait3A_60 = arith.constant 0 : i32
      %dma_wait3A_61 = arith.constant 0 : i32
      %dma_wait3A_62 = tpu.memref_slice %arg16[%dma_wait3A_60, %dma_wait3A_61] : memref<96x128xf32, #tpu.memory_space<vmem>> -> memref<16x128xf32, #tpu.memory_space<vmem>>
      %dma_wait3A_63 = arith.constant 0 : i32
      %dma_wait3A_64 = arith.constant 0 : i32
      %dma_wait3A_65 = tpu.memref_slice %arg22[%dma_wait3A_63, %dma_wait3A_64] : memref<10000x128xf32, #tpu.memory_space<vmem_shared>> -> memref<10000x128xf32, #tpu.memory_space<vmem_shared>>
      tpu.wait_indirect_dma semaphore(%run_scoped3A : memref<!tpu.dma_semaphore, #tpu.memory_space<semaphore_mem>>) src(%dma_wait3A_62 : memref<16x128xf32, #tpu.memory_space<vmem>>) dst(%dma_wait3A_65 : memref<10000x128xf32, #tpu.memory_space<vmem_shared>>)
      tpu.yield
    }) : () -> ()
    %barrier3A_45 = arith.constant 0 : index
    tpu.barrier barrier_id(%barrier3A_45)
    %mul3A_46 = arith.constant 624 : i32
    %mul3A_47 = arith.muli %arg1, %mul3A_46 : i32
    %mul3A_48 = arith.constant 624 : i32
    %mul3A_49 = arith.muli %arg1, %mul3A_48 : i32
    "tpu.region"() ({
      %run_scoped3A = tpu.sem_alloc : memref<!tpu.dma_semaphore, #tpu.memory_space<semaphore_mem>>
      %dma_start3A = arith.constant 0 : i32
      %dma_start3A_55 = arith.constant 0 : i32
      %dma_start3A_56 = tpu.memref_slice %arg7[%arg0, %dma_start3A, %dma_start3A_55] : memref<2x10000x128xf32, #tpu.memory_space<hbm>> -> memref<1x10000x128xf32, #tpu.memory_space<hbm>>
      %dma_start3A_57 = tpu.memref_squeeze %dma_start3A_56 : memref<1x10000x128xf32, #tpu.memory_space<hbm>> -> memref<10000x128xf32, #tpu.memory_space<hbm>>
      %dma_start3A_58 = arith.constant 0 : i32
      %dma_start3A_59 = tpu.memref_slice %dma_start3A_57[%mul3A_49, %dma_start3A_58] : memref<10000x128xf32, #tpu.memory_space<hbm>> -> memref<624x128xf32, #tpu.memory_space<hbm>>
      %dma_start3A_60 = arith.constant 0 : i32
      %dma_start3A_61 = tpu.memref_slice %arg22[%mul3A_47, %dma_start3A_60] : memref<10000x128xf32, #tpu.memory_space<vmem_shared>> -> memref<624x128xf32, #tpu.memory_space<vmem_shared>>
      tpu.enqueue_dma source(%dma_start3A_61 : memref<624x128xf32, #tpu.memory_space<vmem_shared>>) target(%dma_start3A_59 : memref<624x128xf32, #tpu.memory_space<hbm>>) target_semaphore(%run_scoped3A : memref<!tpu.dma_semaphore, #tpu.memory_space<semaphore_mem>>)
      %dma_wait3A_62 = arith.constant 0 : i32
      %dma_wait3A_63 = arith.constant 0 : i32
      %dma_wait3A_64 = tpu.memref_slice %arg7[%arg0, %dma_wait3A_62, %dma_wait3A_63] : memref<2x10000x128xf32, #tpu.memory_space<hbm>> -> memref<1x10000x128xf32, #tpu.memory_space<hbm>>
      %dma_wait3A_65 = tpu.memref_squeeze %dma_wait3A_64 : memref<1x10000x128xf32, #tpu.memory_space<hbm>> -> memref<10000x128xf32, #tpu.memory_space<hbm>>
      %dma_wait3A_66 = arith.constant 0 : i32
      %dma_wait3A_67 = tpu.memref_slice %dma_wait3A_65[%mul3A_49, %dma_wait3A_66] : memref<10000x128xf32, #tpu.memory_space<hbm>> -> memref<624x128xf32, #tpu.memory_space<hbm>>
      %dma_wait3A_68 = arith.constant 0 : i32
      %dma_wait3A_69 = tpu.memref_slice %arg22[%mul3A_47, %dma_wait3A_68] : memref<10000x128xf32, #tpu.memory_space<vmem_shared>> -> memref<624x128xf32, #tpu.memory_space<vmem_shared>>
      tpu.wait_dma2 semaphore(%run_scoped3A : memref<!tpu.dma_semaphore, #tpu.memory_space<semaphore_mem>>) src(%dma_wait3A_69 : memref<624x128xf32, #tpu.memory_space<vmem_shared>>) dst(%dma_wait3A_67 : memref<624x128xf32, #tpu.memory_space<hbm>>)
      tpu.yield
    }) : () -> ()
    %eq3A_50 = arith.constant 15 : i32
    %eq3A_51 = arith.cmpi eq, %arg1, %eq3A_50 : i32
    %convert_element_type3A_52 = arith.extui %eq3A_51 : i1 to i32
    %cond3A_53 = arith.constant 0 : i32
    %cond3A_54 = arith.cmpi ne, %convert_element_type3A_52, %cond3A_53 : i32
    scf.if %cond3A_54 {
      "tpu.region"() ({
        %run_scoped3A = tpu.sem_alloc : memref<!tpu.dma_semaphore, #tpu.memory_space<semaphore_mem>>
        %dma_start3A = arith.constant 0 : i32
        %dma_start3A_55 = arith.constant 0 : i32
        %dma_start3A_56 = tpu.memref_slice %arg7[%arg0, %dma_start3A, %dma_start3A_55] : memref<2x10000x128xf32, #tpu.memory_space<hbm>> -> memref<1x10000x128xf32, #tpu.memory_space<hbm>>
        %dma_start3A_57 = tpu.memref_squeeze %dma_start3A_56 : memref<1x10000x128xf32, #tpu.memory_space<hbm>> -> memref<10000x128xf32, #tpu.memory_space<hbm>>
        %dma_start3A_58 = arith.constant 9984 : i32
        %dma_start3A_59 = arith.constant 0 : i32
        %dma_start3A_60 = tpu.memref_slice %dma_start3A_57[%dma_start3A_58, %dma_start3A_59] : memref<10000x128xf32, #tpu.memory_space<hbm>> -> memref<16x128xf32, #tpu.memory_space<hbm>>
        %dma_start3A_61 = arith.constant 9984 : i32
        %dma_start3A_62 = arith.constant 0 : i32
        %dma_start3A_63 = tpu.memref_slice %arg22[%dma_start3A_61, %dma_start3A_62] : memref<10000x128xf32, #tpu.memory_space<vmem_shared>> -> memref<16x128xf32, #tpu.memory_space<vmem_shared>>
        tpu.enqueue_dma source(%dma_start3A_63 : memref<16x128xf32, #tpu.memory_space<vmem_shared>>) target(%dma_start3A_60 : memref<16x128xf32, #tpu.memory_space<hbm>>) target_semaphore(%run_scoped3A : memref<!tpu.dma_semaphore, #tpu.memory_space<semaphore_mem>>)
        %dma_wait3A_64 = arith.constant 0 : i32
        %dma_wait3A_65 = arith.constant 0 : i32
        %dma_wait3A_66 = tpu.memref_slice %arg7[%arg0, %dma_wait3A_64, %dma_wait3A_65] : memref<2x10000x128xf32, #tpu.memory_space<hbm>> -> memref<1x10000x128xf32, #tpu.memory_space<hbm>>
        %dma_wait3A_67 = tpu.memref_squeeze %dma_wait3A_66 : memref<1x10000x128xf32, #tpu.memory_space<hbm>> -> memref<10000x128xf32, #tpu.memory_space<hbm>>
        %dma_wait3A_68 = arith.constant 9984 : i32
        %dma_wait3A_69 = arith.constant 0 : i32
        %dma_wait3A_70 = tpu.memref_slice %dma_wait3A_67[%dma_wait3A_68, %dma_wait3A_69] : memref<10000x128xf32, #tpu.memory_space<hbm>> -> memref<16x128xf32, #tpu.memory_space<hbm>>
        %dma_wait3A_71 = arith.constant 9984 : i32
        %dma_wait3A_72 = arith.constant 0 : i32
        %dma_wait3A_73 = tpu.memref_slice %arg22[%dma_wait3A_71, %dma_wait3A_72] : memref<10000x128xf32, #tpu.memory_space<vmem_shared>> -> memref<16x128xf32, #tpu.memory_space<vmem_shared>>
        tpu.wait_dma2 semaphore(%run_scoped3A : memref<!tpu.dma_semaphore, #tpu.memory_space<semaphore_mem>>) src(%dma_wait3A_73 : memref<16x128xf32, #tpu.memory_space<vmem_shared>>) dst(%dma_wait3A_70 : memref<16x128xf32, #tpu.memory_space<hbm>>)
        tpu.yield
      }) : () -> ()
    } else {
    }
    return
  }
}

module attributes {stable_mosaic.version = 14 : i64} {
  func.func @_norms_body(%arg0: memref<32x2x10000xf32, #tpu.memory_space<vmem>>, %arg1: memref<2x10000xf32, #tpu.memory_space<vmem>>) attributes {dimension_semantics = [], scalar_prefetch = 0 : i64, scratch_operands = 0 : i64, tpu.core_type = #tpu.core_type<tc>} {
    %get3A = arith.constant 0 : index
    %get3A_0 = arith.constant 0 : index
    %get3A_1 = arith.constant 0 : index
    %get3A_2 = vector.load %arg0[%get3A, %get3A_0, %get3A_1] : memref<32x2x10000xf32, #tpu.memory_space<vmem>>, vector<32x2x10000xf32>
    %reduce_sum3A = arith.constant dense<0.000000e+00> : vector<2x10000xf32>
    %reduce_sum3A_3 = vector.multi_reduction <add>, %get3A_2, %reduce_sum3A [0] : vector<32x2x10000xf32> to vector<2x10000xf32>
    %max3A = arith.constant 1.000000e+00 : f32
    %max3A_4 = vector.broadcast %max3A : f32 to vector<2x10000xf32>
    %max3A_5 = arith.maximumf %reduce_sum3A_3, %max3A_4 : vector<2x10000xf32>
    %rsqrt3A = math.rsqrt %max3A_5 : vector<2x10000xf32>
    %swap3A = arith.constant 0 : index
    %swap3A_6 = arith.constant 0 : index
    %swap3A_7 = vector.load %arg1[%swap3A, %swap3A_6] : memref<2x10000xf32, #tpu.memory_space<vmem>>, vector<2x10000xf32>
    tpu.vector_store %arg1[%swap3A, %swap3A_6], %rsqrt3A {strides = array<i32>} : memref<2x10000xf32, #tpu.memory_space<vmem>>, vector<2x10000xf32>,
    return
  }
}

module attributes {stable_mosaic.version = 14 : i64} {
  func.func @_scale_body(%arg0: i32, %arg1: memref<1000x256xf32, #tpu.memory_space<vmem>>, %arg2: memref<1000x1xf32, #tpu.memory_space<vmem>>, %arg3: memref<1000x128xf32, #tpu.memory_space<vmem>>, %arg4: memref<1000x128xf32, #tpu.memory_space<vmem>>) attributes {dimension_semantics = [#tpu.dimension_semantics<parallel>], iteration_bounds = array<i64: 10>, scalar_prefetch = 0 : i64, scratch_operands = 0 : i64, tpu.core_type = #tpu.core_type<tc>, window_params = [{transform_indices = @transform_0, window_bounds = array<i64: 1000, 256>}, {transform_indices = @transform_1, window_bounds = array<i64: 1000, 1>}, {transform_indices = @transform_2, window_bounds = array<i64: 1000, 128>}, {transform_indices = @transform_3, window_bounds = array<i64: 1000, 128>}]} {
    %get3A = arith.constant 0 : index
    %get3A_0 = arith.constant 0 : index
    %get3A_1 = vector.load %arg1[%get3A, %get3A_0] : memref<1000x256xf32, #tpu.memory_space<vmem>>, vector<1000x256xf32>
    %get3A_2 = arith.constant 0 : index
    %get3A_3 = arith.constant 0 : index
    %get3A_4 = vector.load %arg2[%get3A_2, %get3A_3] : memref<1000x1xf32, #tpu.memory_space<vmem>>, vector<1000x1xf32>
    %mul3A = vector.broadcast %get3A_4 : vector<1000x1xf32> to vector<1000x256xf32>
    %mul3A_5 = arith.mulf %get3A_1, %mul3A : vector<1000x256xf32>
    %slice3A = vector.extract_strided_slice %mul3A_5 {offsets = [0, 0], sizes = [1000, 128], strides = [1, 1]} : vector<1000x256xf32> to vector<1000x128xf32>
    %swap3A = arith.constant 0 : index
    %swap3A_6 = arith.constant 0 : index
    %swap3A_7 = vector.load %arg3[%swap3A, %swap3A_6] : memref<1000x128xf32, #tpu.memory_space<vmem>>, vector<1000x128xf32>
    tpu.vector_store %arg3[%swap3A, %swap3A_6], %slice3A {strides = array<i32>} : memref<1000x128xf32, #tpu.memory_space<vmem>>, vector<1000x128xf32>,
    %slice3A_8 = vector.extract_strided_slice %mul3A_5 {offsets = [0, 128], sizes = [1000, 128], strides = [1, 1]} : vector<1000x256xf32> to vector<1000x128xf32>
    %swap3A_9 = arith.constant 0 : index
    %swap3A_10 = arith.constant 0 : index
    %swap3A_11 = vector.load %arg4[%swap3A_9, %swap3A_10] : memref<1000x128xf32, #tpu.memory_space<vmem>>, vector<1000x128xf32>
    tpu.vector_store %arg4[%swap3A_9, %swap3A_10], %slice3A_8 {strides = array<i32>} : memref<1000x128xf32, #tpu.memory_space<vmem>>, vector<1000x128xf32>,
    return
  }
  func.func @transform_0(%arg0: i32) -> (i32, i32) {
    %c0_i32 = arith.constant 0 : i32
    %c0_i32_0 = arith.constant 0 : i32
    return %arg0, %c0_i32 : i32, i32
  }
  func.func @transform_1(%arg0: i32) -> (i32, i32) {
    %c0_i32 = arith.constant 0 : i32
    %c0_i32_0 = arith.constant 0 : i32
    return %arg0, %c0_i32 : i32, i32
  }
  func.func @transform_2(%arg0: i32) -> (i32, i32) {
    %c0_i32 = arith.constant 0 : i32
    %c0_i32_0 = arith.constant 0 : i32
    return %arg0, %c0_i32 : i32, i32
  }
  func.func @transform_3(%arg0: i32) -> (i32, i32) {
    %c0_i32 = arith.constant 0 : i32
    %c0_i32_0 = arith.constant 0 : i32
    return %arg0, %c0_i32 : i32, i32
  }
}

module attributes {stable_mosaic.version = 14 : i64} {
  func.func @_layer1_body(%arg0: i32, %arg1: memref<1x1000x128xf32, #tpu.memory_space<vmem>>, %arg2: memref<1x1000x128xf32, #tpu.memory_space<vmem>>, %arg3: memref<256x256xf32, #tpu.memory_space<vmem>>, %arg4: memref<1x256xf32, #tpu.memory_space<vmem>>, %arg5: memref<1000x1xf32, #tpu.memory_space<vmem>>, %arg6: memref<1000x1xf32, #tpu.memory_space<vmem>>, %arg7: memref<1000x128xf32, #tpu.memory_space<vmem>>, %arg8: memref<1000x128xf32, #tpu.memory_space<vmem>>) attributes {dimension_semantics = [#tpu.dimension_semantics<parallel>], iteration_bounds = array<i64: 10>, scalar_prefetch = 0 : i64, scratch_operands = 0 : i64, tpu.core_type = #tpu.core_type<tc>, window_params = [{transform_indices = @transform_0, window_bounds = array<i64: 1, 1000, 128>}, {transform_indices = @transform_1, window_bounds = array<i64: 1, 1000, 128>}, {pipeline_mode = #tpu.pipeline_mode<synchronous>, transform_indices = @transform_2, window_bounds = array<i64: 256, 256>}, {pipeline_mode = #tpu.pipeline_mode<synchronous>, transform_indices = @transform_3, window_bounds = array<i64: 1, 256>}, {transform_indices = @transform_4, window_bounds = array<i64: 1000, 1>}, {transform_indices = @transform_5, window_bounds = array<i64: 1000, 1>}, {transform_indices = @transform_6, window_bounds = array<i64: 1000, 128>}, {transform_indices = @transform_7, window_bounds = array<i64: 1000, 128>}]} {
    %get3A = arith.constant 0 : index
    %get3A_0 = arith.constant 0 : index
    %get3A_1 = vector.load %arg3[%get3A, %get3A_0] : memref<256x256xf32, #tpu.memory_space<vmem>>, vector<256x256xf32>
    %get3A_2 = arith.constant 0 : index
    %get3A_3 = arith.constant 0 : index
    %get3A_4 = arith.constant 0 : index
    %get3A_5 = vector.load %arg1[%get3A_2, %get3A_3, %get3A_4] : memref<1x1000x128xf32, #tpu.memory_space<vmem>>, vector<1x1000x128xf32>
    %get3A_6 = vector.shape_cast %get3A_5 : vector<1x1000x128xf32> to vector<1000x128xf32>
    %slice3A = vector.extract_strided_slice %get3A_1 {offsets = [0, 0], sizes = [128, 256], strides = [1, 1]} : vector<256x256xf32> to vector<128x256xf32>
    %dot_general3A = arith.constant dense<0.000000e+00> : vector<1000x256xf32>
    %dot_general3A_7 = tpu.matmul %get3A_6, %slice3A, %dot_general3A {dimension_numbers = #tpu.dot_dimension_numbers<[1], [0], [0], [1], [0, 0, 1, 1], [], []>, transpose_lhs_hint = false} : vector<1000x128xf32>, vector<128x256xf32>, vector<1000x256xf32> -> vector<1000x256xf32>
    %get3A_8 = arith.constant 0 : index
    %get3A_9 = arith.constant 0 : index
    %get3A_10 = arith.constant 0 : index
    %get3A_11 = vector.load %arg2[%get3A_8, %get3A_9, %get3A_10] : memref<1x1000x128xf32, #tpu.memory_space<vmem>>, vector<1x1000x128xf32>
    %get3A_12 = vector.shape_cast %get3A_11 : vector<1x1000x128xf32> to vector<1000x128xf32>
    %slice3A_13 = vector.extract_strided_slice %get3A_1 {offsets = [128, 0], sizes = [128, 256], strides = [1, 1]} : vector<256x256xf32> to vector<128x256xf32>
    %dot_general3A_14 = arith.constant dense<0.000000e+00> : vector<1000x256xf32>
    %dot_general3A_15 = tpu.matmul %get3A_12, %slice3A_13, %dot_general3A_14 {dimension_numbers = #tpu.dot_dimension_numbers<[1], [0], [0], [1], [0, 0, 1, 1], [], []>, transpose_lhs_hint = false} : vector<1000x128xf32>, vector<128x256xf32>, vector<1000x256xf32> -> vector<1000x256xf32>
    %add3A = arith.addf %dot_general3A_7, %dot_general3A_15 : vector<1000x256xf32>
    %get3A_16 = arith.constant 0 : index
    %get3A_17 = arith.constant 0 : index
    %get3A_18 = vector.load %arg5[%get3A_16, %get3A_17] : memref<1000x1xf32, #tpu.memory_space<vmem>>, vector<1000x1xf32>
    %mul3A = vector.broadcast %get3A_18 : vector<1000x1xf32> to vector<1000x256xf32>
    %mul3A_19 = arith.mulf %add3A, %mul3A : vector<1000x256xf32>
    %get3A_20 = arith.constant 0 : index
    %get3A_21 = arith.constant 0 : index
    %get3A_22 = vector.load %arg4[%get3A_20, %get3A_21] : memref<1x256xf32, #tpu.memory_space<vmem>>, vector<1x256xf32>
    %add3A_23 = vector.broadcast %get3A_22 : vector<1x256xf32> to vector<1000x256xf32>
    %add3A_24 = arith.addf %mul3A_19, %add3A_23 : vector<1000x256xf32>
    %max3A = arith.constant 0.000000e+00 : f32
    %max3A_25 = vector.broadcast %max3A : f32 to vector<1000x256xf32>
    %max3A_26 = arith.maximumf %add3A_24, %max3A_25 : vector<1000x256xf32>
    %get3A_27 = arith.constant 0 : index
    %get3A_28 = arith.constant 0 : index
    %get3A_29 = vector.load %arg6[%get3A_27, %get3A_28] : memref<1000x1xf32, #tpu.memory_space<vmem>>, vector<1000x1xf32>
    %mul3A_30 = vector.broadcast %get3A_29 : vector<1000x1xf32> to vector<1000x256xf32>
    %mul3A_31 = arith.mulf %max3A_26, %mul3A_30 : vector<1000x256xf32>
    %slice3A_32 = vector.extract_strided_slice %mul3A_31 {offsets = [0, 0], sizes = [1000, 128], strides = [1, 1]} : vector<1000x256xf32> to vector<1000x128xf32>
    %swap3A = arith.constant 0 : index
    %swap3A_33 = arith.constant 0 : index
    %swap3A_34 = vector.load %arg7[%swap3A, %swap3A_33] : memref<1000x128xf32, #tpu.memory_space<vmem>>, vector<1000x128xf32>
    tpu.vector_store %arg7[%swap3A, %swap3A_33], %slice3A_32 {strides = array<i32>} : memref<1000x128xf32, #tpu.memory_space<vmem>>, vector<1000x128xf32>,
    %slice3A_35 = vector.extract_strided_slice %mul3A_31 {offsets = [0, 128], sizes = [1000, 128], strides = [1, 1]} : vector<1000x256xf32> to vector<1000x128xf32>
    %swap3A_36 = arith.constant 0 : index
    %swap3A_37 = arith.constant 0 : index
    %swap3A_38 = vector.load %arg8[%swap3A_36, %swap3A_37] : memref<1000x128xf32, #tpu.memory_space<vmem>>, vector<1000x128xf32>
    tpu.vector_store %arg8[%swap3A_36, %swap3A_37], %slice3A_35 {strides = array<i32>} : memref<1000x128xf32, #tpu.memory_space<vmem>>, vector<1000x128xf32>,
    return
  }
  func.func @transform_0(%arg0: i32) -> (i32, i32, i32) {
    %c0_i32 = arith.constant 0 : i32
    %c0_i32_0 = arith.constant 0 : i32
    %c0_i32_1 = arith.constant 0 : i32
    return %c0_i32, %arg0, %c0_i32_0 : i32, i32, i32
  }
  func.func @transform_1(%arg0: i32) -> (i32, i32, i32) {
    %c1_i32 = arith.constant 1 : i32
    %c0_i32 = arith.constant 0 : i32
    %c0_i32_0 = arith.constant 0 : i32
    return %c1_i32, %arg0, %c0_i32 : i32, i32, i32
  }
  func.func @transform_2(%arg0: i32) -> (i32, i32) {
    %c0_i32 = arith.constant 0 : i32
    %c0_i32_0 = arith.constant 0 : i32
    %c0_i32_1 = arith.constant 0 : i32
    return %c0_i32, %c0_i32_0 : i32, i32
  }
  func.func @transform_3(%arg0: i32) -> (i32, i32) {
    %c0_i32 = arith.constant 0 : i32
    %c0_i32_0 = arith.constant 0 : i32
    %c0_i32_1 = arith.constant 0 : i32
    return %c0_i32, %c0_i32_0 : i32, i32
  }
  func.func @transform_4(%arg0: i32) -> (i32, i32) {
    %c0_i32 = arith.constant 0 : i32
    %c0_i32_0 = arith.constant 0 : i32
    return %arg0, %c0_i32 : i32, i32
  }
  func.func @transform_5(%arg0: i32) -> (i32, i32) {
    %c0_i32 = arith.constant 0 : i32
    %c0_i32_0 = arith.constant 0 : i32
    return %arg0, %c0_i32 : i32, i32
  }
  func.func @transform_6(%arg0: i32) -> (i32, i32) {
    %c0_i32 = arith.constant 0 : i32
    %c0_i32_0 = arith.constant 0 : i32
    return %arg0, %c0_i32 : i32, i32
  }
  func.func @transform_7(%arg0: i32) -> (i32, i32) {
    %c0_i32 = arith.constant 0 : i32
    %c0_i32_0 = arith.constant 0 : i32
    return %arg0, %c0_i32 : i32, i32
  }
}

module attributes {stable_mosaic.version = 14 : i64} {
  func.func @_z_body(%arg0: i32, %arg1: memref<1x1000x128xf32, #tpu.memory_space<vmem>>, %arg2: memref<1x1000x128xf32, #tpu.memory_space<vmem>>, %arg3: memref<256x256xf32, #tpu.memory_space<vmem>>, %arg4: memref<1x256xf32, #tpu.memory_space<vmem>>, %arg5: memref<1000x1xf32, #tpu.memory_space<vmem>>, %arg6: memref<1000x128xf32, #tpu.memory_space<vmem>>, %arg7: memref<1000x128xf32, #tpu.memory_space<vmem>>) attributes {dimension_semantics = [#tpu.dimension_semantics<parallel>], iteration_bounds = array<i64: 10>, scalar_prefetch = 0 : i64, scratch_operands = 0 : i64, tpu.core_type = #tpu.core_type<tc>, window_params = [{transform_indices = @transform_0, window_bounds = array<i64: 1, 1000, 128>}, {transform_indices = @transform_1, window_bounds = array<i64: 1, 1000, 128>}, {pipeline_mode = #tpu.pipeline_mode<synchronous>, transform_indices = @transform_2, window_bounds = array<i64: 256, 256>}, {pipeline_mode = #tpu.pipeline_mode<synchronous>, transform_indices = @transform_3, window_bounds = array<i64: 1, 256>}, {transform_indices = @transform_4, window_bounds = array<i64: 1000, 1>}, {transform_indices = @transform_5, window_bounds = array<i64: 1000, 128>}, {transform_indices = @transform_6, window_bounds = array<i64: 1000, 128>}]} {
    %get3A = arith.constant 0 : index
    %get3A_0 = arith.constant 0 : index
    %get3A_1 = vector.load %arg3[%get3A, %get3A_0] : memref<256x256xf32, #tpu.memory_space<vmem>>, vector<256x256xf32>
    %get3A_2 = arith.constant 0 : index
    %get3A_3 = arith.constant 0 : index
    %get3A_4 = arith.constant 0 : index
    %get3A_5 = vector.load %arg1[%get3A_2, %get3A_3, %get3A_4] : memref<1x1000x128xf32, #tpu.memory_space<vmem>>, vector<1x1000x128xf32>
    %get3A_6 = vector.shape_cast %get3A_5 : vector<1x1000x128xf32> to vector<1000x128xf32>
    %slice3A = vector.extract_strided_slice %get3A_1 {offsets = [0, 0], sizes = [128, 256], strides = [1, 1]} : vector<256x256xf32> to vector<128x256xf32>
    %dot_general3A = arith.constant dense<0.000000e+00> : vector<1000x256xf32>
    %dot_general3A_7 = tpu.matmul %get3A_6, %slice3A, %dot_general3A {dimension_numbers = #tpu.dot_dimension_numbers<[1], [0], [0], [1], [0, 0, 1, 1], [], []>, transpose_lhs_hint = false} : vector<1000x128xf32>, vector<128x256xf32>, vector<1000x256xf32> -> vector<1000x256xf32>
    %get3A_8 = arith.constant 0 : index
    %get3A_9 = arith.constant 0 : index
    %get3A_10 = arith.constant 0 : index
    %get3A_11 = vector.load %arg2[%get3A_8, %get3A_9, %get3A_10] : memref<1x1000x128xf32, #tpu.memory_space<vmem>>, vector<1x1000x128xf32>
    %get3A_12 = vector.shape_cast %get3A_11 : vector<1x1000x128xf32> to vector<1000x128xf32>
    %slice3A_13 = vector.extract_strided_slice %get3A_1 {offsets = [128, 0], sizes = [128, 256], strides = [1, 1]} : vector<256x256xf32> to vector<128x256xf32>
    %dot_general3A_14 = arith.constant dense<0.000000e+00> : vector<1000x256xf32>
    %dot_general3A_15 = tpu.matmul %get3A_12, %slice3A_13, %dot_general3A_14 {dimension_numbers = #tpu.dot_dimension_numbers<[1], [0], [0], [1], [0, 0, 1, 1], [], []>, transpose_lhs_hint = false} : vector<1000x128xf32>, vector<128x256xf32>, vector<1000x256xf32> -> vector<1000x256xf32>
    %add3A = arith.addf %dot_general3A_7, %dot_general3A_15 : vector<1000x256xf32>
    %get3A_16 = arith.constant 0 : index
    %get3A_17 = arith.constant 0 : index
    %get3A_18 = vector.load %arg5[%get3A_16, %get3A_17] : memref<1000x1xf32, #tpu.memory_space<vmem>>, vector<1000x1xf32>
    %mul3A = vector.broadcast %get3A_18 : vector<1000x1xf32> to vector<1000x256xf32>
    %mul3A_19 = arith.mulf %add3A, %mul3A : vector<1000x256xf32>
    %get3A_20 = arith.constant 0 : index
    %get3A_21 = arith.constant 0 : index
    %get3A_22 = vector.load %arg4[%get3A_20, %get3A_21] : memref<1x256xf32, #tpu.memory_space<vmem>>, vector<1x256xf32>
    %add3A_23 = vector.broadcast %get3A_22 : vector<1x256xf32> to vector<1000x256xf32>
    %add3A_24 = arith.addf %mul3A_19, %add3A_23 : vector<1000x256xf32>
    %slice3A_25 = vector.extract_strided_slice %add3A_24 {offsets = [0, 0], sizes = [1000, 128], strides = [1, 1]} : vector<1000x256xf32> to vector<1000x128xf32>
    %get3A_26 = arith.constant 0 : index
    %get3A_27 = arith.constant 0 : index
    %get3A_28 = vector.load %arg6[%get3A_26, %get3A_27] : memref<1000x128xf32, #tpu.memory_space<vmem>>, vector<1000x128xf32>
    %slice3A_29 = vector.extract_strided_slice %add3A_24 {offsets = [0, 128], sizes = [1000, 128], strides = [1, 1]} : vector<1000x256xf32> to vector<1000x128xf32>
    %exp3A = math.exp %slice3A_29 : vector<1000x128xf32>
    %mul3A_30 = arith.mulf %get3A_28, %exp3A : vector<1000x128xf32>
    %add3A_31 = arith.addf %slice3A_25, %mul3A_30 : vector<1000x128xf32>
    %swap3A = arith.constant 0 : index
    %swap3A_32 = arith.constant 0 : index
    %swap3A_33 = vector.load %arg7[%swap3A, %swap3A_32] : memref<1000x128xf32, #tpu.memory_space<vmem>>, vector<1000x128xf32>
    tpu.vector_store %arg7[%swap3A, %swap3A_32], %add3A_31 {strides = array<i32>} : memref<1000x128xf32, #tpu.memory_space<vmem>>, vector<1000x128xf32>,
    return
  }
  func.func @transform_0(%arg0: i32) -> (i32, i32, i32) {
    %c0_i32 = arith.constant 0 : i32
    %c0_i32_0 = arith.constant 0 : i32
    %c0_i32_1 = arith.constant 0 : i32
    return %c0_i32, %arg0, %c0_i32_0 : i32, i32, i32
  }
  func.func @transform_1(%arg0: i32) -> (i32, i32, i32) {
    %c1_i32 = arith.constant 1 : i32
    %c0_i32 = arith.constant 0 : i32
    %c0_i32_0 = arith.constant 0 : i32
    return %c1_i32, %arg0, %c0_i32 : i32, i32, i32
  }
  func.func @transform_2(%arg0: i32) -> (i32, i32) {
    %c0_i32 = arith.constant 0 : i32
    %c0_i32_0 = arith.constant 0 : i32
    %c0_i32_1 = arith.constant 0 : i32
    return %c0_i32, %c0_i32_0 : i32, i32
  }
  func.func @transform_3(%arg0: i32) -> (i32, i32) {
    %c0_i32 = arith.constant 0 : i32
    %c0_i32_0 = arith.constant 0 : i32
    %c0_i32_1 = arith.constant 0 : i32
    return %c0_i32, %c0_i32_0 : i32, i32
  }
  func.func @transform_4(%arg0: i32) -> (i32, i32) {
    %c0_i32 = arith.constant 0 : i32
    %c0_i32_0 = arith.constant 0 : i32
    return %arg0, %c0_i32 : i32, i32
  }
  func.func @transform_5(%arg0: i32) -> (i32, i32) {
    %c0_i32 = arith.constant 0 : i32
    %c0_i32_0 = arith.constant 0 : i32
    return %arg0, %c0_i32 : i32, i32
  }
  func.func @transform_6(%arg0: i32) -> (i32, i32) {
    %c0_i32 = arith.constant 0 : i32
    %c0_i32_0 = arith.constant 0 : i32
    return %arg0, %c0_i32 : i32, i32
  }
}

module attributes {stable_mosaic.version = 14 : i64} {
  func.func @_dec_body(%arg0: i32, %arg1: memref<256x128xf32, #tpu.memory_space<vmem>>, %arg2: memref<10000x128xf32, #tpu.memory_space<vmem>>, %arg3: memref<256x10000xf32, #tpu.memory_space<vmem>>) attributes {dimension_semantics = [#tpu.dimension_semantics<parallel>], iteration_bounds = array<i64: 40>, scalar_prefetch = 0 : i64, scratch_operands = 0 : i64, tpu.core_type = #tpu.core_type<tc>, window_params = [{transform_indices = @transform_0, window_bounds = array<i64: 256, 128>}, {pipeline_mode = #tpu.pipeline_mode<synchronous>, transform_indices = @transform_1, window_bounds = array<i64: 10000, 128>}, {transform_indices = @transform_2, window_bounds = array<i64: 256, 10000>}]} {
    %get3A = arith.constant 0 : index
    %get3A_0 = arith.constant 0 : index
    %get3A_1 = vector.load %arg1[%get3A, %get3A_0] : memref<256x128xf32, #tpu.memory_space<vmem>>, vector<256x128xf32>
    %get3A_2 = arith.constant 0 : index
    %get3A_3 = arith.constant 0 : index
    %get3A_4 = vector.load %arg2[%get3A_2, %get3A_3] : memref<10000x128xf32, #tpu.memory_space<vmem>>, vector<10000x128xf32>
    %dot_general3A = arith.constant dense<0.000000e+00> : vector<256x10000xf32>
    %dot_general3A_5 = tpu.matmul %get3A_1, %get3A_4, %dot_general3A {dimension_numbers = #tpu.dot_dimension_numbers<[1], [1], [0], [0], [0, 0, 1, 0], [], []>, transpose_lhs_hint = false} : vector<256x128xf32>, vector<10000x128xf32>, vector<256x10000xf32> -> vector<256x10000xf32>
    %logistic3A = arith.negf %dot_general3A_5 : vector<256x10000xf32>
    %logistic3A_6 = math.exp %logistic3A : vector<256x10000xf32>
    %logistic3A_7 = arith.constant 1.000000e+00 : f32
    %logistic3A_8 = vector.broadcast %logistic3A_7 : f32 to vector<256x10000xf32>
    %logistic3A_9 = arith.addf %logistic3A_8, %logistic3A_6 : vector<256x10000xf32>
    %logistic3A_10 = arith.divf %logistic3A_8, %logistic3A_9 : vector<256x10000xf32>
    %swap3A = arith.constant 0 : index
    %swap3A_11 = arith.constant 0 : index
    %swap3A_12 = vector.load %arg3[%swap3A, %swap3A_11] : memref<256x10000xf32, #tpu.memory_space<vmem>>, vector<256x10000xf32>
    tpu.vector_store %arg3[%swap3A, %swap3A_11], %logistic3A_10 {strides = array<i32>} : memref<256x10000xf32, #tpu.memory_space<vmem>>, vector<256x10000xf32>,
    return
  }
  func.func @transform_0(%arg0: i32) -> (i32, i32) {
    %c0_i32 = arith.constant 0 : i32
    %c0_i32_0 = arith.constant 0 : i32
    return %arg0, %c0_i32 : i32, i32
  }
  func.func @transform_1(%arg0: i32) -> (i32, i32) {
    %c0_i32 = arith.constant 0 : i32
    %c0_i32_0 = arith.constant 0 : i32
    %c0_i32_1 = arith.constant 0 : i32
    return %c0_i32, %c0_i32_0 : i32, i32
  }
  func.func @transform_2(%arg0: i32) -> (i32, i32) {
    %c0_i32 = arith.constant 0 : i32
    %c0_i32_0 = arith.constant 0 : i32
    return %arg0, %c0_i32 : i32, i32
  }
}

</mosaic_0001>

<sc_bundles>
// kernel: kernel.10.cloned.1.call-start
scs
__scs_entry_jumppad:
0x0: {  	(pc) =	sbr.rel $0x88, $3  }
0x1: {  	(tag) =	ssettag $0x0;
	lr =	simm.s32 $0x1  }
0x2: {  	[smem:$0x3F99] =	sst lr;
	_ =	strace $0xD0000000  }
0x3: {  	_ = 	snop  }
0x4: {  	_ = 	snop  }
0x5: {  	_ = 	snop  }
0x6: {  	_ = 	snop  }
0x7: {  	_ = 	snop  }
__scs_overlays_trampoline_lowered:
0x8: {  	[smem:$0x3FA8] =	sst s0  }
0x9: {  	[smem:$0x3FA9] =	sst s1  }
0xa: {  	[smem:$0x3FAA] =	sst s2  }
0xb: {  	[smem:$0x3FAB] =	sst s3  }
0xc: {  	[smem:$0x3FAC] =	sst s4  }
0xd: {  	[smem:$0x3FAD] =	sst s5  }
0xe: {  	[smem:$0x3FAE] =	sst s6  }
0xf: {  	[smem:$0x3FAF] =	sst s7  }
0x10: {  	[smem:$0x3FB0] =	sst s8  }
0x11: {  	[smem:$0x3FB1] =	sst s9;
	s0 =	simm.s32 @!p0 $0x0  }
0x12: {  	s1 =	sld [smem:$0x3F97];
	s0 =	simm.s32 @p0 $0x1  }
0x13: {  	[smem:$0x3FB2] =	sst s0;
	s0 =	simm.s32 @!p1 $0x0  }
0x14: {  	s2 =	sld [smem:$0x3F96];
	s0 =	simm.s32 @p1 $0x1  }
0x15: {  	[smem:$0x3FB3] =	sst s0;
	s0 =	simm.s32 @!p2 $0x0  }
0x16: {  	s3 =	sld [smem:$0x3FDB];
	s0 =	simm.s32 @p2 $0x1  }
0x17: {  	s4 =	simm.s32 $0x1BF5;
	[smem:$0x3FB5] =	sst s0  }
0x18: {  	s0 =	sld [smem:$0x3F98];
	_ =	swait.ge [sflag:s4], $0x0  }
0x19: {  	s7 =	sld [smem:$0x3F99]  }
0x1a: {  	s8 =	sadd.s32 $0xFFFFE003, lr  }
0x1b: {  	s9 =	sadd.s32 $0xFFFFFEF7, lr;
	s5 =	simm.s32 $0xFFFFFFFF;
	p2 =	slt.u32 s8, $0xFFFFF086  }
0x1c: {  	p1 =	slt.u32 s9, $0xF7A;
	s5 =	simm.s32 @!p2 $0x0  }
0x1d: {  	s5 =	simm.s32 @p1 $0x1;
	p0 =	seq.s32 s7, s2  }
0x1e: {  	s7 =	smul.u32 @!p0 $0xF7A, s2;
	p2 =	seq.s32 @!p0 s5, $0x0  }
0x1f: {  	s9 =	smul.u32 $0xF7A, s1;
	s8 =	simm.s32 @!p0 $0x1BF5;
	p2 =	por !p2, p0  }
0x20: {  	[sflag:s8] =	ssyncset.s32 @!p0 $0xFFFFF086;
	s6 =	sadd.s32 @!p0 s3, s7;
	s7 =	simm.s32 @!p0 $0x108  }
0x21: {  	s3 =	sadd.s32 s3, s9;
	s6 =	sadd.s32 @!p0 $0x88, s6;
	s7 =	simm.s32 @p2 $0x1082  }
0x22: {  	[simem:s7], [sflag:s8] =	dma.local @!p0 [hbm:s6], $0xF7A  }
0x23: {  	s9 =	sor.u32 $0xD0000000, s2;
	s6 =	simm.s32 $0x108;
	_ =	swait.ge @!p0 [sflag:s8], $0x0  }
0x24: {  	s3 =	sadd.s32 $0x88, s3;
	s6 =	simm.s32 @!p1 $0x1082;
	[sflag:s4] =	ssyncset.s32 $0xFFFFF086  }
0x25: {  	[simem:s6], [sflag:s4] =	dma.local [hbm:s3], $0xF7A  }
0x26: {  	[smem:$0x3F99] =	sst s1;
	(tag) =	ssettag s2;
	_ =	strace s9  }
0x27: {  	s1 =	sld [smem:$0x3FA9]  }
0x28: {  	s2 =	sld [smem:$0x3FAA]  }
0x29: {  	s4 =	sld [smem:$0x3FAC]  }
0x2a: {  	p0 =	seq.s32 s5, $0x0;
	s5 =	sld [smem:$0x3FAD]  }
0x2b: {  	s6 =	sld [smem:$0x3FAE]  }
0x2c: {  	s7 =	sld [smem:$0x3FAF]  }
0x2d: {  	s3 =	simm.s32 $0x108;
	s8 =	sld [smem:$0x3FB0]  }
0x2e: {  	s3 =	simm.s32 @!p0 $0x1082;
	s9 =	sld [smem:$0x3FB1]  }
0x2f: {  	lr =	sadd.s32 s0, s3;
	s0 =	sld [smem:$0x3FA8]  }
0x30: {  	s3 =	sld [smem:$0x3FAB]  }
0x31: {  	[smem:$0x3FB4] =	sst s10  }
0x32: {  	s10 =	sld [smem:$0x3FB2];
	_ =	sdelay $0x3  }
0x33: {  	p0 =	seq.s32 s10, $0x1;
	s10 =	sld [smem:$0x3FB4];
	_ =	sdelay $0x3  }
0x34: {  	[smem:$0x3FB4] =	sst s10  }
0x35: {  	s10 =	sld [smem:$0x3FB3];
	_ =	sdelay $0x3  }
0x36: {  	p1 =	seq.s32 s10, $0x1;
	s10 =	sld [smem:$0x3FB4];
	_ =	sdelay $0x3  }
0x37: {  	[smem:$0x3FB4] =	sst s10  }
0x38: {  	s10 =	sld [smem:$0x3FB5]  }
0x39: {  	_ = 	snop;
	(pc) =	sbr.ind lr, $3  }
0x3a: {  	_ = 	snop  }
0x3b: {  	_ = 	snop  }
0x3c: {  	p2 =	seq.s32 s10, $0x1;
	s10 =	sld [smem:$0x3FB4]  }
0x3d: {  	_ =	shalt  }
0x3e: {  	_ =	shalt  }
0x3f: {  	_ =	shalt  }
0x40: {  	_ =	shalt  }
0x41: {  	_ =	shalt  }
0x42: {  	_ =	shalt  }
0x43: {  	_ =	shalt  }
0x44: {  	_ =	shalt  }
0x45: {  	_ =	shalt  }
0x46: {  	_ =	shalt  }
0x47: {  	_ =	shalt  }
0x48: {  	_ =	shalt  }
0x49: {  	_ =	shalt  }
0x4a: {  	_ =	shalt  }
0x4b: {  	_ =	shalt  }
0x4c: {  	_ =	shalt  }
0x4d: {  	_ =	shalt  }
0x4e: {  	_ =	shalt  }
0x4f: {  	_ =	shalt  }
0x50: {  	_ =	shalt  }
0x51: {  	_ =	shalt  }
0x52: {  	_ =	shalt  }
0x53: {  	_ =	shalt  }
0x54: {  	_ =	shalt  }
0x55: {  	_ =	shalt  }
0x56: {  	_ =	shalt  }
0x57: {  	_ =	shalt  }
0x58: {  	_ =	shalt  }
0x59: {  	_ =	shalt  }
0x5a: {  	_ =	shalt  }
0x5b: {  	_ =	shalt  }
0x5c: {  	_ =	shalt  }
0x5d: {  	_ =	shalt  }
0x5e: {  	_ =	shalt  }
0x5f: {  	_ =	shalt  }
0x60: {  	_ =	shalt  }
0x61: {  	_ =	shalt  }
0x62: {  	_ =	shalt  }
0x63: {  	_ =	shalt  }
0x64: {  	_ =	shalt  }
0x65: {  	_ =	shalt  }
0x66: {  	_ =	shalt  }
0x67: {  	_ =	shalt  }
0x68: {  	_ =	shalt  }
0x69: {  	_ =	shalt  }
0x6a: {  	_ =	shalt  }
0x6b: {  	_ =	shalt  }
0x6c: {  	_ =	shalt  }
0x6d: {  	_ =	shalt  }
0x6e: {  	_ =	shalt  }
0x6f: {  	_ =	shalt  }
0x70: {  	_ =	shalt  }
0x71: {  	_ =	shalt  }
0x72: {  	_ =	shalt  }
0x73: {  	_ =	shalt  }
0x74: {  	_ =	shalt  }
0x75: {  	_ =	shalt  }
0x76: {  	_ =	shalt  }
0x77: {  	_ =	shalt  }
0x78: {  	_ =	shalt  }
0x79: {  	_ =	shalt  }
0x7a: {  	_ =	shalt  }
0x7b: {  	_ =	shalt  }
0x7c: {  	_ =	shalt  }
0x7d: {  	_ =	shalt  }
0x7e: {  	_ =	shalt  }
0x7f: {  	_ =	shalt  }
0x80: {  	_ =	shalt  }
0x81: {  	_ =	shalt  }
0x82: {  	_ =	shalt  }
0x83: {  	_ =	shalt  }
0x84: {  	_ =	shalt  }
0x85: {  	_ =	shalt  }
0x86: {  	_ =	shalt  }
0x87: {  	_ =	shalt  }
.Lfunc_end0:
.L_simem_size_0:
called_computation_lowered:
.L_overlay_start_0:
0x88: {  	s2 =	sld [smem:$0x3FD9]  }
0x89: {  	s3 =	sld [smem:$0x3FFE];
	_ =	sdelay $0x1  }
0x8a: {  	s1 =	srdreg.scid  }
0x8b: {  	s0 =	sand.u32 $0x1, s1  }
0x8c: {  	s17 =	sshll.u32 s0, $0xA;
	s2 =	sadd.s32 s3, s2  }
0x8d: {  	s2 =	sadd.s32 s2, s17  }
0x8e: {  	[smem:$0x3FC0] =	sst s2  }
0x8f: {  	_ = 	snop  }
0x90: {  	s2 =	sld [smem:$0x3FD0];
	(tm) =	ssettm $0x1  }
0x91: {  	s18 =	sld [smem:$0x3FFB];
	_ =	sdelay $0x3  }
0x92: {  	_ =	strace s18  }
0x93: {  	s3 =	sld [smem:$0x3FFC];
	_ =	sdelay $0x3  }
0x94: {  	_ =	strace s3  }
0x95: {  	s3 =	sld [smem:$0x3FFD];
	_ =	sdelay $0x3  }
0x96: {  	_ =	strace s3  }
0x97: {  	_ =	strace $0x8FFFFFFF  }
0x98: {  	s19 =	sld [smem:$0x3FDB];
	_ =	sdelay $0x1  }
0x99: {  	s4 =	simm.s32 $_scs_section_size  }
0x9a: {  	s5 =	simm.s32 $_size__tile_overlayer_lowered;
	s6 =	simm.s32 $_tile_overlayer_lowered  }
0x9b: {  	s22 =	simm.s32 $0x1BFF;
	s21 =	sshll.u32 s6, $0x1;
	s3 =	sadd.s32 s4, s19  }
0x9c: {  	s7 =	simm.s32 $0x0;
	s20 =	sshll.u32 s5, $0x1;
	s5 =	sadd.s32 s21, s3  }
0x9d: {  	[timem:s7], [sflag:s22] =	dma.local [hbm:s5], s20  }
0x9e: {  	_ =	swait.ge [sflag:s22], s20  }
0x9f: {  	s4 =	ssub.s32 $0x0, s20;
	[sflag:s22] =	ssyncset.done $0x0  }
0xa0: {  	[sflag:s22] =	ssyncadd.s32 s4;
	_ =	sdelay $0x1  }
0xa1: {  	s23 =	simm.s32 $0x1B8B  }
0xa2: {  	_ =	swait.ge [sflag:s23], $0x1  }
0xa3: {  	[sflag:s23] =	ssyncset.done $0x0  }
0xa4: {  	s25 =	simm.s32 $0x1B8E;
	s24 =	sld [smem:$0x3FFE];
	[sflag:s23] =	ssyncadd.s32 $0xFFFFFFFF  }
0xa5: {  	s26 =	simm.s32 $execute0_lowered;
	[smem:$0x3FD2] =	sst s25  }
0xa6: {  	s5 =	sshll.u32 s26, $0x1;
	_ =	strace $0x80000046;
	[dreg:$0x1] =	wrdreg $0xFFFFFFFF  }
0xa7: {  	s28 =	simm.s32 $_size_execute0_lowered;
	s3 =	sadd.s32 s3, s5;
	[dreg:$0x0] =	wrdreg $0x0  }
0xa8: {  	s5 =	sshll.u32 s28, $0x1;
	[dreg:$0x2] =	wrdreg s3  }
0xa9: {  	[dreg:$0x3] =	wrdreg s5  }
0xaa: {  	[dreg:$0x4] =	wrdreg $0xC0  }
0xab: {  	_ =	task [dreg:s7], $0x5FFFF  }
0xac: {  	[dreg:$0x1] =	wrdreg $0xFFFFFFFF  }
0xad: {  	[dreg:$0x0] =	wrdreg $0x60  }
0xae: {  	[dreg:$0x2] =	wrdreg s24  }
0xaf: {  	[dreg:$0x3] =	wrdreg s2  }
0xb0: {  	[dreg:$0x4] =	wrdreg $0x9  }
0xb1: {  	_ =	task.clear_ibuf [dreg:s7], $0x5FFFF;
	_ =	strace $0x90000046  }
0xb2: {  	s29 =	simm.s32 $0x9;
	_ =	strace $0x80000048  }
0xb3: {  	_ =	swait.ge [sflag:s29], $0x1  }
0xb4: {  	[sflag:s29] =	ssyncadd.s32 $0xFFFFFFFF  }
0xb5: {  	_ =	strace $0x90000048  }
0xb6: {  	_ =	sfence  }
0xb7: {  	s30 =	sld [smem:$0x0];
	_ =	sdelay $0x2  }
0xb8: {  	s31 =	sshll.u32 s1, $0xD;
	s1 =	sshrl.u32 s1, $0x2  }
0xb9: {  	s3 =	sand.u32 $0x4000, s31;
	s1 =	sadd.s32 s1, s30  }
0xba: {  	s0 =	sor.u32 s3, s0;
	s1 =	sshll.u32 s1, $0x11  }
0xbb: {  	s0 =	sor.u32 s1, s0  }
0xbc: {  	s0 =	sadd.s32 $0x8F2B, s0  }
0xbd: {  	[sflag:s0] =	ssyncadd.remote.s32 $0x1  }
0xbe: {  	_ =	sfence.sel $0xFFFF  }
0xbf: {  	[dreg:$0x0] =	wrdreg $0xFFFFFFFF;
	(pc) =	sbr.abs _section_cstart, $3  }
0xc0: {  	[dreg:$0x1] =	wrdreg $0xFFFFFFFF  }
0xc1: {  	_ =	task.clear_ibuf [dreg:s7], $0x2FFFF;
	_ =	strace $0x9FFFFFFF  }
0xc2: {  	(tm) =	ssettm $0x7FFFFFFF  }
0xc3: {  	_ =	shalt  }
tec
execute0_lowered:
.L_overlay_start_1:
0x0: {  	(tag) =	ssettag $0x1  }
0x1: {  	s1 =	srdreg.scid;
	s3 =	rddreg [dreg:$0x0]  }
0x2: {  	s0 =	stileid.u32;
	s5 =	rddreg [dreg:$0x1]  }
0x3: {  	s2 =	simm.s32 $0x0;
	s9 =	simm.s32 $0x1400;
	s10 =	simm.s32 $0x2800  }
0x4: {  	s11 =	simm.s32 $0x4F80;
	s4 =	sand.u32 $0x1, s1;
	s30 =	sshll.u32 s0, $0x1  }
0x5: {  	s12 =	simm.s32 $0x80;
	s13 =	simm.s32 $0x100;
	s6 =	sor.u32 s4, s30  }
0x6: {  	s1 =	rddreg [dreg:$0x2];
	s4 =	ssub.s32 $0x2, s4;
	s7 =	smul.u32 $0x271, s6  }
0x7: {  	[smem:$0x7FF] =	sst s2;
	s6 =	smul.u32 $0x9E0, s6;
	s31 =	sshrl.u32 s4, $0x1  }
0x8: {  	_ =	strace $0x80000047;
	s8 =	ssub.s32 s4, s31;
	s7 =	sadd.s32 s7, s3  }
0x9: {  	s4 =	sadd.s32 s5, s6;
	s3 =	sadd.s32 $0x7200, s7;
	s5 =	sadd.s32 $0x2200, s7  }
0xa: {  	v0 =	vimm.f32 $0.0e+00;
	v1 =	vimm.f32 $1.000000000e+00;
	s6 =	sadd.s32 $0x10, s4;
	s7 =	smax.u32 s8, $0x1;
	s8 =	simm.s32 $0x1  }
.LBB2_1:
0xb: {  	s14 =	simm.s32 $0x40;
	s15 =	simm.s32 $0x0  }
.LBB2_2:
0xc: {  	p0 =	sne.s32 s14, $0x9C00;
	[tilespmem:s15+$0x2800] =	vst v0;
	s16 =	smov.u32 s14;
	s14 =	sadd.s32 $0x40, s14  }
.Ltmp0:
0xd: {  	[tilespmem:s15+$0x4F80] =	vst v0;
	(pc) =	sbr.rel @p0 .LBB2_2-.Ltmp0, $2  }
0xe: {  	_ =	sdelay $0x2  }
0xf: {  	s15 =	sshra.s32 s16, $0x2  }
0x10: {  	[tilespmem:s15+$0x2800] =	vst v0  }
0x11: {  	[tilespmem:s15+$0x4F80] =	vst v0;
	s14 =	simm.s32 $0x0  }
0x12: {  	[tilespmem:s14], [sflag:$0x1] =	stream.linear.gather [hbm4b:s3+s14], $0x1388, $0x38;
	[tilespmem:$0x7700] =	vst v63  }
0x13: {  	_ =	swait.ge [sflag:s8], $0x1388  }
0x14: {  	[sflag:s8] =	ssyncset.done $0x0  }
0x15: {  	[sflag:s8] =	ssyncadd.s32 $0xFFFFEC78  }
0x16: {  	[tilespmem:s9], [sflag:$0x1] =	stream.linear.gather [hbm4b:s5+s14], $0x1388, $0x38;
	[tilespmem:$0x7700] =	vst v63  }
0x17: {  	_ =	swait.ge [sflag:s8], $0x1388  }
0x18: {  	[sflag:s8] =	ssyncset.done $0x0  }
0x19: {  	s15 =	simm.s32 $0x0;
	[sflag:s8] =	ssyncadd.s32 $0xFFFFEC78  }
0x1a: {  	s14 =	simm.s32 $0x40;
	v2 =	vld [tilespmem:s15+$0x0]  }
.LBB2_4:
0x1b: {  	p0 =	sne.s32 s14, $0x4DC0;
	v3 =	vld [tilespmem:s15+$0x1400];
	_ =	sdelay $0x4  }
.Ltmp1:
0x1c: {  	(pc) =	sbr.rel @p0 .LBB2_4-.Ltmp1, $4  }
0x1d: {  	_ = 	snop  }
0x1e: {  	[tilespmem:v2+s10+$0x0] =	vst.idx.add.f32.msk $0xffff, v1  }
0x1f: {  	s15 =	sshra.s32 s14, $0x2;
	[tilespmem:v3+s11+$0x0] =	vst.idx.add.f32.msk $0xffff, v1  }
0x20: {  	s14 =	sadd.s32 $0x40, s14;
	v2 =	vld [tilespmem:s15+$0x0]  }
0x21: {  	_ = 	snop  }
0x22: {  	v3 =	vld [tilespmem:s15+$0x1400];
	_ =	sdelay $0x6  }
0x23: {  	[tilespmem:v2+s10+$0x0] =	vst.idx.add.f32.msk $0xffff, v1  }
0x24: {  	[tilespmem:v3+s11+$0x0] =	vst.idx.add.f32.msk $0xffff, v1  }
0x25: {  	v2 =	vld [tilespmem:$0x1380]  }
0x26: {  	v3 =	vld [tilespmem:$0x2780];
	_ =	sdelay $0x6  }
0x27: {  	[tilespmem:v2+s10+$0x0] =	vst.idx.add.f32.msk $0xff, v1  }
0x28: {  	[tilespmem:v3+s11+$0x0] =	vst.idx.add.f32.msk $0xff, v1  }
0x29: {  	[hbm4b:s4+s12] =	stream.strided.scatter [tilespmem:s10], [sflag:$0x1], $0x2780, s13, s12, $0x38;
	[tilespmem:$0x7700] =	vst v63  }
0x2a: {  	s2 =	sadd.s32 $0x1, s2;
	_ =	swait.ge [sflag:s8], $0x2780  }
0x2b: {  	p0 =	sne.s32 s2, s7;
	[sflag:s8] =	ssyncset.done $0x0  }
.Ltmp2:
0x2c: {  	[sflag:s8] =	ssyncadd.s32 $0xFFFFD880;
	(pc) =	sbr.rel @p0 .LBB2_1-.Ltmp2, $4  }
0x2d: {  	[hbm4b:s6+s12] =	stream.strided.scatter [tilespmem:s11], [sflag:$0x1], $0x2780, s13, s12, $0x38;
	[tilespmem:$0x7700] =	vst v63  }
0x2e: {  	_ =	swait.ge [sflag:s8], $0x2780  }
0x2f: {  	[sflag:s8] =	ssyncset.done $0x0  }
0x30: {  	[sflag:s8] =	ssyncadd.s32 $0xFFFFD880  }
0x31: {  	_ =	sfence.sel $0x180000  }
0x32: {  	[bflag:$0x0] =	sbarrier.arrive $0xFFFF  }
0x33: {  	p0 =	sne.s32 s0, $0x0;
	_ =	strace $0x90000047  }
0x34: {  	s0 =	sadd.s32 @!p0 $0x100000, s1;
	[bflag:$0x2] =	sbarrier.arrive $0xFFFF  }
0x35: {  	[sflag:s0] =	ssyncadd.tile.s32 @!p0 $0x1;
	_ =	shalt  }
.Lfunc_end2:
_tile_overlayer_lowered:
.L_overlay_start_2:
0x36: {  	(tag) =	ssettag $0x2  }
0x37: {  	s0 =	rddreg [dreg:$0x0];
	s2 =	stileid.u32  }
0x38: {  	s1 =	rddreg [dreg:$0x1];
	p0 =	sne.s32 s2, $0x0  }
0x39: {  	s3 =	rddreg [dreg:$0x2];
	[bflag:$0x3] =	sbarrier.arrive $0xFFFF;
	s2 =	simm.s32 @!p0 $0x1C01  }
0x3a: {  	[timem:s3], [sflag:s2] =	dma.local @!p0 [hbm:s0], s1  }
0x3b: {  	s0 =	simm.s32 @!p0 $0x1  }
0x3c: {  	_ =	swait.ge @!p0 [sflag:s0], s1  }
0x3d: {  	s1 =	ssub.s32 @!p0 $0x0, s1;
	[sflag:s0] =	ssyncset.done @!p0 $0x0  }
0x3e: {  	[sflag:s0] =	ssyncadd.s32 @!p0 s1  }
0x3f: {  	[bflag:$0x3] =	sbarrier.arrive $0xFFFF  }
0x40: {  	_ =	shalt  }

// kernel: kernel.13.cloned.1.call-start
scs
__scs_entry_jumppad:
0x0: {  	(pc) =	sbr.rel $0x88, $3  }
0x1: {  	(tag) =	ssettag $0x0;
	lr =	simm.s32 $0x1  }
0x2: {  	[smem:$0x3F99] =	sst lr;
	_ =	strace $0xD0000000  }
0x3: {  	_ = 	snop  }
0x4: {  	_ = 	snop  }
0x5: {  	_ = 	snop  }
0x6: {  	_ = 	snop  }
0x7: {  	_ = 	snop  }
__scs_overlays_trampoline_lowered:
0x8: {  	[smem:$0x3FA8] =	sst s0  }
0x9: {  	[smem:$0x3FA9] =	sst s1  }
0xa: {  	[smem:$0x3FAA] =	sst s2  }
0xb: {  	[smem:$0x3FAB] =	sst s3  }
0xc: {  	[smem:$0x3FAC] =	sst s4  }
0xd: {  	[smem:$0x3FAD] =	sst s5  }
0xe: {  	[smem:$0x3FAE] =	sst s6  }
0xf: {  	[smem:$0x3FAF] =	sst s7  }
0x10: {  	[smem:$0x3FB0] =	sst s8  }
0x11: {  	[smem:$0x3FB1] =	sst s9;
	s0 =	simm.s32 @!p0 $0x0  }
0x12: {  	s1 =	sld [smem:$0x3F97];
	s0 =	simm.s32 @p0 $0x1  }
0x13: {  	[smem:$0x3FB2] =	sst s0;
	s0 =	simm.s32 @!p1 $0x0  }
0x14: {  	s2 =	sld [smem:$0x3F96];
	s0 =	simm.s32 @p1 $0x1  }
0x15: {  	[smem:$0x3FB3] =	sst s0;
	s0 =	simm.s32 @!p2 $0x0  }
0x16: {  	s3 =	sld [smem:$0x3FDB];
	s0 =	simm.s32 @p2 $0x1  }
0x17: {  	s4 =	simm.s32 $0x1BF5;
	[smem:$0x3FB5] =	sst s0  }
0x18: {  	s0 =	sld [smem:$0x3F98];
	_ =	swait.ge [sflag:s4], $0x0  }
0x19: {  	s7 =	sld [smem:$0x3F99]  }
0x1a: {  	s8 =	sadd.s32 $0xFFFFE003, lr  }
0x1b: {  	s9 =	sadd.s32 $0xFFFFFEF7, lr;
	s5 =	simm.s32 $0xFFFFFFFF;
	p2 =	slt.u32 s8, $0xFFFFF086  }
0x1c: {  	p1 =	slt.u32 s9, $0xF7A;
	s5 =	simm.s32 @!p2 $0x0  }
0x1d: {  	s5 =	simm.s32 @p1 $0x1;
	p0 =	seq.s32 s7, s2  }
0x1e: {  	s7 =	smul.u32 @!p0 $0xF7A, s2;
	p2 =	seq.s32 @!p0 s5, $0x0  }
0x1f: {  	s9 =	smul.u32 $0xF7A, s1;
	s8 =	simm.s32 @!p0 $0x1BF5;
	p2 =	por !p2, p0  }
0x20: {  	[sflag:s8] =	ssyncset.s32 @!p0 $0xFFFFF086;
	s6 =	sadd.s32 @!p0 s3, s7;
	s7 =	simm.s32 @!p0 $0x108  }
0x21: {  	s3 =	sadd.s32 s3, s9;
	s6 =	sadd.s32 @!p0 $0x88, s6;
	s7 =	simm.s32 @p2 $0x1082  }
0x22: {  	[simem:s7], [sflag:s8] =	dma.local @!p0 [hbm:s6], $0xF7A  }
0x23: {  	s9 =	sor.u32 $0xD0000000, s2;
	s6 =	simm.s32 $0x108;
	_ =	swait.ge @!p0 [sflag:s8], $0x0  }
0x24: {  	s3 =	sadd.s32 $0x88, s3;
	s6 =	simm.s32 @!p1 $0x1082;
	[sflag:s4] =	ssyncset.s32 $0xFFFFF086  }
0x25: {  	[simem:s6], [sflag:s4] =	dma.local [hbm:s3], $0xF7A  }
0x26: {  	[smem:$0x3F99] =	sst s1;
	(tag) =	ssettag s2;
	_ =	strace s9  }
0x27: {  	s1 =	sld [smem:$0x3FA9]  }
0x28: {  	s2 =	sld [smem:$0x3FAA]  }
0x29: {  	s4 =	sld [smem:$0x3FAC]  }
0x2a: {  	p0 =	seq.s32 s5, $0x0;
	s5 =	sld [smem:$0x3FAD]  }
0x2b: {  	s6 =	sld [smem:$0x3FAE]  }
0x2c: {  	s7 =	sld [smem:$0x3FAF]  }
0x2d: {  	s3 =	simm.s32 $0x108;
	s8 =	sld [smem:$0x3FB0]  }
0x2e: {  	s3 =	simm.s32 @!p0 $0x1082;
	s9 =	sld [smem:$0x3FB1]  }
0x2f: {  	lr =	sadd.s32 s0, s3;
	s0 =	sld [smem:$0x3FA8]  }
0x30: {  	s3 =	sld [smem:$0x3FAB]  }
0x31: {  	[smem:$0x3FB4] =	sst s10  }
0x32: {  	s10 =	sld [smem:$0x3FB2];
	_ =	sdelay $0x3  }
0x33: {  	p0 =	seq.s32 s10, $0x1;
	s10 =	sld [smem:$0x3FB4];
	_ =	sdelay $0x3  }
0x34: {  	[smem:$0x3FB4] =	sst s10  }
0x35: {  	s10 =	sld [smem:$0x3FB3];
	_ =	sdelay $0x3  }
0x36: {  	p1 =	seq.s32 s10, $0x1;
	s10 =	sld [smem:$0x3FB4];
	_ =	sdelay $0x3  }
0x37: {  	[smem:$0x3FB4] =	sst s10  }
0x38: {  	s10 =	sld [smem:$0x3FB5]  }
0x39: {  	_ = 	snop;
	(pc) =	sbr.ind lr, $3  }
0x3a: {  	_ = 	snop  }
0x3b: {  	_ = 	snop  }
0x3c: {  	p2 =	seq.s32 s10, $0x1;
	s10 =	sld [smem:$0x3FB4]  }
0x3d: {  	_ =	shalt  }
0x3e: {  	_ =	shalt  }
0x3f: {  	_ =	shalt  }
0x40: {  	_ =	shalt  }
0x41: {  	_ =	shalt  }
0x42: {  	_ =	shalt  }
0x43: {  	_ =	shalt  }
0x44: {  	_ =	shalt  }
0x45: {  	_ =	shalt  }
0x46: {  	_ =	shalt  }
0x47: {  	_ =	shalt  }
0x48: {  	_ =	shalt  }
0x49: {  	_ =	shalt  }
0x4a: {  	_ =	shalt  }
0x4b: {  	_ =	shalt  }
0x4c: {  	_ =	shalt  }
0x4d: {  	_ =	shalt  }
0x4e: {  	_ =	shalt  }
0x4f: {  	_ =	shalt  }
0x50: {  	_ =	shalt  }
0x51: {  	_ =	shalt  }
0x52: {  	_ =	shalt  }
0x53: {  	_ =	shalt  }
0x54: {  	_ =	shalt  }
0x55: {  	_ =	shalt  }
0x56: {  	_ =	shalt  }
0x57: {  	_ =	shalt  }
0x58: {  	_ =	shalt  }
0x59: {  	_ =	shalt  }
0x5a: {  	_ =	shalt  }
0x5b: {  	_ =	shalt  }
0x5c: {  	_ =	shalt  }
0x5d: {  	_ =	shalt  }
0x5e: {  	_ =	shalt  }
0x5f: {  	_ =	shalt  }
0x60: {  	_ =	shalt  }
0x61: {  	_ =	shalt  }
0x62: {  	_ =	shalt  }
0x63: {  	_ =	shalt  }
0x64: {  	_ =	shalt  }
0x65: {  	_ =	shalt  }
0x66: {  	_ =	shalt  }
0x67: {  	_ =	shalt  }
0x68: {  	_ =	shalt  }
0x69: {  	_ =	shalt  }
0x6a: {  	_ =	shalt  }
0x6b: {  	_ =	shalt  }
0x6c: {  	_ =	shalt  }
0x6d: {  	_ =	shalt  }
0x6e: {  	_ =	shalt  }
0x6f: {  	_ =	shalt  }
0x70: {  	_ =	shalt  }
0x71: {  	_ =	shalt  }
0x72: {  	_ =	shalt  }
0x73: {  	_ =	shalt  }
0x74: {  	_ =	shalt  }
0x75: {  	_ =	shalt  }
0x76: {  	_ =	shalt  }
0x77: {  	_ =	shalt  }
0x78: {  	_ =	shalt  }
0x79: {  	_ =	shalt  }
0x7a: {  	_ =	shalt  }
0x7b: {  	_ =	shalt  }
0x7c: {  	_ =	shalt  }
0x7d: {  	_ =	shalt  }
0x7e: {  	_ =	shalt  }
0x7f: {  	_ =	shalt  }
0x80: {  	_ =	shalt  }
0x81: {  	_ =	shalt  }
0x82: {  	_ =	shalt  }
0x83: {  	_ =	shalt  }
0x84: {  	_ =	shalt  }
0x85: {  	_ =	shalt  }
0x86: {  	_ =	shalt  }
0x87: {  	_ =	shalt  }
.Lfunc_end0:
.L_simem_size_0:
called_computation.1_lowered:
.L_overlay_start_0:
0x88: {  	s2 =	sld [smem:$0x3FD9]  }
0x89: {  	s3 =	sld [smem:$0x3FFE];
	_ =	sdelay $0x1  }
0x8a: {  	s1 =	srdreg.scid  }
0x8b: {  	s0 =	sand.u32 $0x1, s1  }
0x8c: {  	s17 =	sshll.u32 s0, $0xA;
	s2 =	sadd.s32 s3, s2  }
0x8d: {  	s2 =	sadd.s32 s2, s17  }
0x8e: {  	[smem:$0x3FC0] =	sst s2  }
0x8f: {  	_ = 	snop  }
0x90: {  	s2 =	sld [smem:$0x3FD0];
	(tm) =	ssettm $0x1  }
0x91: {  	s18 =	sld [smem:$0x3FFB];
	_ =	sdelay $0x3  }
0x92: {  	_ =	strace s18  }
0x93: {  	s3 =	sld [smem:$0x3FFC];
	_ =	sdelay $0x3  }
0x94: {  	_ =	strace s3  }
0x95: {  	s3 =	sld [smem:$0x3FFD];
	_ =	sdelay $0x3  }
0x96: {  	_ =	strace s3  }
0x97: {  	_ =	strace $0x8FFFFFFF  }
0x98: {  	s19 =	sld [smem:$0x3FDB];
	_ =	sdelay $0x1  }
0x99: {  	s4 =	simm.s32 $_scs_section_size  }
0x9a: {  	s5 =	simm.s32 $_size__tile_overlayer_lowered;
	s6 =	simm.s32 $_tile_overlayer_lowered  }
0x9b: {  	s22 =	simm.s32 $0x1BFF;
	s21 =	sshll.u32 s6, $0x1;
	s3 =	sadd.s32 s4, s19  }
0x9c: {  	s7 =	simm.s32 $0x0;
	s20 =	sshll.u32 s5, $0x1;
	s5 =	sadd.s32 s21, s3  }
0x9d: {  	[timem:s7], [sflag:s22] =	dma.local [hbm:s5], s20  }
0x9e: {  	_ =	swait.ge [sflag:s22], s20  }
0x9f: {  	s4 =	ssub.s32 $0x0, s20;
	[sflag:s22] =	ssyncset.done $0x0  }
0xa0: {  	[sflag:s22] =	ssyncadd.s32 s4;
	_ =	sdelay $0x1  }
0xa1: {  	s23 =	simm.s32 $0x1B8B  }
0xa2: {  	_ =	swait.ge [sflag:s23], $0x1  }
0xa3: {  	[sflag:s23] =	ssyncset.done $0x0  }
0xa4: {  	s25 =	simm.s32 $0x1B8E;
	s24 =	sld [smem:$0x3FFE];
	[sflag:s23] =	ssyncadd.s32 $0xFFFFFFFF  }
0xa5: {  	s26 =	simm.s32 $execute0_lowered;
	[smem:$0x3FD2] =	sst s25  }
0xa6: {  	s5 =	sshll.u32 s26, $0x1;
	_ =	strace $0x80000049;
	[dreg:$0x1] =	wrdreg $0xFFFFFFFF  }
0xa7: {  	s28 =	simm.s32 $_size_execute0_lowered;
	s3 =	sadd.s32 s3, s5;
	[dreg:$0x0] =	wrdreg $0x0  }
0xa8: {  	s5 =	sshll.u32 s28, $0x1;
	[dreg:$0x2] =	wrdreg s3  }
0xa9: {  	[dreg:$0x3] =	wrdreg s5  }
0xaa: {  	[dreg:$0x4] =	wrdreg $0xC0  }
0xab: {  	_ =	task [dreg:s7], $0x5FFFF  }
0xac: {  	[dreg:$0x1] =	wrdreg $0xFFFFFFFF  }
0xad: {  	[dreg:$0x0] =	wrdreg $0x60  }
0xae: {  	[dreg:$0x2] =	wrdreg s24  }
0xaf: {  	[dreg:$0x3] =	wrdreg s2  }
0xb0: {  	[dreg:$0x4] =	wrdreg $0xC5000  }
0xb1: {  	[dreg:$0x5] =	wrdreg $0x9  }
0xb2: {  	_ =	task.clear_ibuf [dreg:s7], $0x6FFFF;
	_ =	strace $0x90000049  }
0xb3: {  	s29 =	simm.s32 $0x9;
	_ =	strace $0x8000004B  }
0xb4: {  	_ =	swait.ge [sflag:s29], $0x1  }
0xb5: {  	[sflag:s29] =	ssyncadd.s32 $0xFFFFFFFF  }
0xb6: {  	_ =	strace $0x9000004B  }
0xb7: {  	_ =	sfence  }
0xb8: {  	s30 =	sld [smem:$0x0];
	_ =	sdelay $0x2  }
0xb9: {  	s31 =	sshll.u32 s1, $0xD;
	s1 =	sshrl.u32 s1, $0x2  }
0xba: {  	s3 =	sand.u32 $0x4000, s31;
	s1 =	sadd.s32 s1, s30  }
0xbb: {  	s0 =	sor.u32 s3, s0;
	s1 =	sshll.u32 s1, $0x11  }
0xbc: {  	s0 =	sor.u32 s1, s0  }
0xbd: {  	s0 =	sadd.s32 $0x8F2B, s0  }
0xbe: {  	[sflag:s0] =	ssyncadd.remote.s32 $0x1  }
0xbf: {  	_ =	sfence.sel $0xFFFF  }
0xc0: {  	[dreg:$0x0] =	wrdreg $0xFFFFFFFF;
	(pc) =	sbr.abs _section_cstart, $3  }
0xc1: {  	[dreg:$0x1] =	wrdreg $0xFFFFFFFF  }
0xc2: {  	_ =	task.clear_ibuf [dreg:s7], $0x2FFFF;
	_ =	strace $0x9FFFFFFF  }
0xc3: {  	(tm) =	ssettm $0x7FFFFFFF  }
tec
execute0_lowered:
.L_overlay_start_1:
0x0: {  	(tag) =	ssettag $0x1  }
0x1: {  	s0 =	rddreg [dreg:$0x0]  }
0x2: {  	s1 =	rddreg [dreg:$0x1]  }
0x3: {  	s2 =	rddreg [dreg:$0x2];
	s3 =	simm.s32 $0x0  }
0x4: {  	s14 =	stileid.u32;
	s4 =	srdreg.scid;
	s28 =	simm.s32 $0x3400  }
0x5: {  	s29 =	simm.s32 $0x3;
	s30 =	simm.s32 $0x6400;
	s31 =	simm.s32 $0x4  }
0x6: {  	[smem:$0x7FF] =	sst s3;
	s9 =	smul.u32 $0x2700, s14;
	s4 =	sand.u32 $0x1, s4  }
0x7: {  	s5 =	sadd.s32 $0x7200, s0;
	s7 =	smul.u32 $0x4E000, s14;
	s8 =	sadd.s32 $0x2200, s0  }
0x8: {  	s16 =	smul.u32 $0x2710, s14;
	s18 =	sshll.u32 s14, $0x6;
	s19 =	sadd.s32 $0x81600, s0  }
0x9: {  	s22 =	smul.u32 $0x4E2, s14;
	_ =	strace $0x8000004A;
	s6 =	ssub.s32 $0x2, s4  }
0xa: {  	[dreg:$0x9] =	wrdreg s19;
	s20 =	smul.u32 $0x27100, s4;
	p0 =	seq.s32 s4, $0x0  }
0xb: {  	s19 =	simm.s32 $0x100;
	s4 =	simm.s32 $0x7;
	[dreg:$0x6] =	wrdreg s9  }
0xc: {  	s9 =	sadd.s32 s9, s0;
	s10 =	sshrl.u32 s6, $0x1;
	s15 =	sshrl.u32 s7, $0x2  }
0xd: {  	s7 =	sshrl.u32 s16, $0x3;
	s25 =	sadd.s32 s22, s8;
	s26 =	sadd.s32 s22, s5  }
0xe: {  	s16 =	simm.s32 $0x200;
	s22 =	simm.s32 $0x380;
	s11 =	ssub.s32 s6, s10  }
0xf: {  	s13 =	sadd.s32 s15, s2;
	s17 =	sadd.s32 $0x5A600, s9;
	s15 =	sor.u32 $0x1C0D, s18  }
0x10: {  	s9 =	sadd.s32 $0x138000, s2;
	s7 =	sadd.s32 $0x4E0, s7;
	[dreg:$0x4] =	wrdreg s25  }
0x11: {  	s1 =	sadd.s32 s1, s20;
	[dreg:$0x5] =	wrdreg s26;
	s18 =	simm.s32 $0x280  }
0x12: {  	s20 =	simm.s32 $0x300;
	s25 =	simm.s32 $0x400;
	[dreg:$0x7] =	wrdreg s17  }
0x13: {  	s26 =	simm.s32 $0x2;
	s21 =	sadd.s32 s5, s7;
	[dreg:$0xc] =	wrdreg s1  }
0x14: {  	s23 =	sadd.s32 s8, s7;
	s1 =	simm.s32 $0x33400;
	[dreg:$0x8] =	wrdreg s15  }
0x15: {  	s24 =	smax.u32 s11, $0x1;
	s10 =	sshrl.u32 s13, $0x3;
	[dreg:$0xa] =	wrdreg s21  }
0x16: {  	s17 =	simm.s32 $0x80;
	s5 =	simm.s32 $0x6;
	[dreg:$0xb] =	wrdreg s23  }
0x17: {  	s7 =	simm.s32 $0x8;
	[dreg:$0xd] =	wrdreg s24;
	s1 =	simm.s32 @!p0 $0xC200  }
0x18: {  	p0 =	sne.s32 s14, $0xF;
	s14 =	simm.s32 $0xD;
	s21 =	simm.s32 $0x180  }
0x19: {  	s23 =	simm.s32 $0x1;
	s24 =	simm.s32 $0x60;
	[dreg:$0xe] =	wrdreg s10  }
0x1a: {  	s12 =	sadd.s32 s1, s0;
	s11 =	sshrl.u32 @!p0 s9, $0x3;
	s0 =	simm.s32 $0x9400  }
0x1b: {  	s1 =	simm.s32 $0x5;
	s9 =	simm.s32 $0x0;
	[dreg:$0xf] =	wrdreg s11  }
.LBB2_1:
0x1c: {  	s6 =	rddreg [dreg:$0x7]  }
0x1d: {  	[spmem:s10], [sflag:s15] =	dma.local [hbm:s6], $0x2700  }
0x1e: {  	_ =	swait.ge [sflag:s14], $0x2700  }
0x1f: {  	[sflag:s14] =	ssyncset.done $0x0  }
0x20: {  	s8 =	simm.s32 @!p0 $0xD;
	s6 =	rddreg [dreg:$0x9];
	[sflag:s14] =	ssyncadd.s32 $0xFFFFD900  }
0x21: {  	[spmem:s11], [sflag:s15] =	dma.local @!p0 [hbm:s6], $0x100  }
0x22: {  	_ =	swait.ge @!p0 [sflag:s8], $0x100  }
0x23: {  	[sflag:s8] =	ssyncset.done @!p0 $0x0  }
0x24: {  	p1 =	por $0x1, $0x1;
	[sflag:s8] =	ssyncadd.s32 @!p0 $0xFFFFFF00  }
0x25: {  	s8 =	simm.s32 @!p1 $0x9;
	[bflag:$0x0] =	sbarrier.arrive $0xFFFF  }
0x26: {  	_ =	swait.ge @!p1 [sflag:s8], $0x3000  }
0x27: {  	s15 =	rddreg [dreg:$0x5];
	[sflag:s8] =	ssyncset.done @!p1 $0x0  }
0x28: {  	s6 =	rddreg [dreg:$0x4];
	[sflag:s8] =	ssyncadd.s32 @!p1 $0xFFFFD000;
	s8 =	sadd.s32 $0x0, s15  }
0x29: {  	[tilespmem:s3], [sflag:$0x1] =	stream.linear.gather [hbm4b:s8+s3], $0x60, $0x38;
	[tilespmem:$0x1FD80] =	vst v63  }
0x2a: {  	s11 =	simm.s32 @!p1 $0xA;
	s10 =	sadd.s32 $0x0, s6  }
0x2b: {  	[tilespmem:s16], [sflag:$0x1] =	stream.linear.gather [hbm4b:s10+s3], $0x60, $0x38;
	[tilespmem:$0x1FD80] =	vst v63  }
0x2c: {  	_ =	swait.ge @!p1 [sflag:s11], $0x3000  }
0x2d: {  	[sflag:s11] =	ssyncset.done @!p1 $0x0  }
0x2e: {  	s13 =	sadd.s32 $0xC, s8;
	[sflag:s11] =	ssyncadd.s32 @!p1 $0xFFFFD000  }
0x2f: {  	[tilespmem:s17], [sflag:$0x2] =	stream.linear.gather [hbm4b:s13+s3], $0x60, $0x38;
	[tilespmem:$0x1FD80] =	vst v63  }
0x30: {  	s15 =	sadd.s32 $0xC, s10;
	s11 =	simm.s32 @!p1 $0xB  }
0x31: {  	[tilespmem:s18], [sflag:$0x2] =	stream.linear.gather [hbm4b:s15+s3], $0x60, $0x38;
	[tilespmem:$0x1FD80] =	vst v63  }
0x32: {  	_ =	swait.ge @!p1 [sflag:s11], $0x3000  }
0x33: {  	[sflag:s11] =	ssyncset.done @!p1 $0x0  }
0x34: {  	s6 =	sadd.s32 $0x18, s8;
	[sflag:s11] =	ssyncadd.s32 @!p1 $0xFFFFD000  }
0x35: {  	[tilespmem:s19], [sflag:$0x3] =	stream.linear.gather [hbm4b:s6+s3], $0x60, $0x38;
	[tilespmem:$0x1FD80] =	vst v63  }
0x36: {  	s13 =	sadd.s32 $0x18, s10;
	s11 =	simm.s32 @!p1 $0xC  }
0x37: {  	[tilespmem:s20], [sflag:$0x3] =	stream.linear.gather [hbm4b:s13+s3], $0x60, $0x38;
	[tilespmem:$0x1FD80] =	vst v63  }
0x38: {  	_ =	swait.ge @!p1 [sflag:s11], $0x3000  }
0x39: {  	[sflag:s11] =	ssyncset.done @!p1 $0x0  }
0x3a: {  	s8 =	sadd.s32 $0x24, s8;
	[sflag:s11] =	ssyncadd.s32 @!p1 $0xFFFFD000  }
0x3b: {  	[tilespmem:s21], [sflag:$0x4] =	stream.linear.gather [hbm4b:s8+s3], $0x60, $0x38;
	[tilespmem:$0x1FD80] =	vst v63  }
0x3c: {  	s15 =	sadd.s32 $0x24, s10  }
0x3d: {  	[tilespmem:s22], [sflag:$0x4] =	stream.linear.gather [hbm4b:s15+s3], $0x60, $0x38;
	[tilespmem:$0x1FD80] =	vst v63  }
0x3e: {  	_ =	swait.ge [sflag:s23], $0x60  }
0x3f: {  	[sflag:s23] =	ssyncset.done $0x0  }
0x40: {  	[sflag:s23] =	ssyncadd.s32 $0xFFFFFFA0  }
0x41: {  	_ =	swait.ge [sflag:s23], $0x60  }
0x42: {  	[sflag:s23] =	ssyncset.done $0x0  }
0x43: {  	[sflag:s23] =	ssyncadd.s32 $0xFFFFFFA0  }
0x44: {  	[tilespmem:s25], [sflag:$0x5] =	stream.indirect.gather [hbm4b:s12+s24], $0x80, s3, s24, $0xb8;
	[tilespmem:$0x1FD80] =	vst v63  }
0x45: {  	_ =	swait.ge [sflag:s26], $0x60  }
0x46: {  	[sflag:s26] =	ssyncset.done $0x0  }
0x47: {  	[sflag:s26] =	ssyncadd.s32 $0xFFFFFFA0  }
0x48: {  	_ =	swait.ge [sflag:s26], $0x60  }
0x49: {  	[sflag:s26] =	ssyncset.done $0x0  }
0x4a: {  	[sflag:s26] =	ssyncadd.s32 $0xFFFFFFA0  }
0x4b: {  	[tilespmem:s28], [sflag:$0x6] =	stream.indirect.gather [hbm4b:s12+s24], $0x80, s17, s24, $0xb8;
	[tilespmem:$0x1FD80] =	vst v63  }
0x4c: {  	_ =	swait.ge [sflag:s29], $0x60  }
0x4d: {  	[sflag:s29] =	ssyncset.done $0x0  }
0x4e: {  	[sflag:s29] =	ssyncadd.s32 $0xFFFFFFA0  }
0x4f: {  	_ =	swait.ge [sflag:s29], $0x60  }
0x50: {  	[sflag:s29] =	ssyncset.done $0x0  }
0x51: {  	[sflag:s29] =	ssyncadd.s32 $0xFFFFFFA0  }
0x52: {  	[tilespmem:s30], [sflag:$0x7] =	stream.indirect.gather [hbm4b:s12+s24], $0x80, s19, s24, $0xb8;
	[tilespmem:$0x1FD80] =	vst v63  }
0x53: {  	_ =	swait.ge [sflag:s31], $0x60  }
0x54: {  	[sflag:s31] =	ssyncset.done $0x0  }
0x55: {  	[sflag:s31] =	ssyncadd.s32 $0xFFFFFFA0  }
0x56: {  	_ =	swait.ge [sflag:s31], $0x60  }
0x57: {  	[sflag:s31] =	ssyncset.done $0x0  }
0x58: {  	[sflag:s31] =	ssyncadd.s32 $0xFFFFFFA0  }
0x59: {  	[tilespmem:s0], [sflag:$0x8] =	stream.indirect.gather [hbm4b:s12+s24], $0x80, s21, s24, $0xb8;
	[tilespmem:$0x1FD80] =	vst v63  }
0x5a: {  	_ =	swait.ge [sflag:s1], $0x3000  }
0x5b: {  	[sflag:s1] =	ssyncset.done $0x0  }
0x5c: {  	[sflag:s1] =	ssyncadd.s32 $0xFFFFD000  }
0x5d: {  	[spmem:s2] =	stream.indirect.scatter.add.f32 [tilespmem:s25], [sflag:$0x9], $0x80, s16, s24, $0xb8;
	[tilespmem:$0x1FD80] =	vst v63  }
0x5e: {  	_ =	swait.ge [sflag:s5], $0x3000  }
0x5f: {  	[sflag:s5] =	ssyncset.done $0x0  }
0x60: {  	[sflag:s5] =	ssyncadd.s32 $0xFFFFD000  }
0x61: {  	[spmem:s2] =	stream.indirect.scatter.add.f32 [tilespmem:s28], [sflag:$0xA], $0x80, s18, s24, $0xb8;
	[tilespmem:$0x1FD80] =	vst v63  }
0x62: {  	_ =	swait.ge [sflag:s4], $0x3000  }
0x63: {  	[sflag:s4] =	ssyncset.done $0x0  }
0x64: {  	[sflag:s4] =	ssyncadd.s32 $0xFFFFD000  }
0x65: {  	[spmem:s2] =	stream.indirect.scatter.add.f32 [tilespmem:s30], [sflag:$0xB], $0x80, s20, s24, $0xb8;
	[tilespmem:$0x1FD80] =	vst v63  }
0x66: {  	p2 =	por $0x0, $0x0;
	_ =	swait.ge [sflag:s7], $0x3000  }
0x67: {  	s11 =	simm.s32 $0x30;
	s8 =	simm.s32 $0x60;
	[sflag:s7] =	ssyncset.done $0x0  }
.LBB2_2:
0x68: {  	s10 =	simm.s32 @!p2 $0x9;
	[sflag:s7] =	ssyncadd.s32 $0xFFFFD000  }
0x69: {  	[spmem:s2] =	stream.indirect.scatter.add.f32 [tilespmem:s0], [sflag:$0xC], $0x80, s22, s24, $0xb8;
	[tilespmem:$0x1FD80] =	vst v63  }
0x6a: {  	_ =	swait.ge @!p2 [sflag:s10], $0x3000  }
0x6b: {  	[sflag:s10] =	ssyncset.done @!p2 $0x0;
	s15 =	rddreg [dreg:$0x5]  }
0x6c: {  	s6 =	rddreg [dreg:$0x4];
	[sflag:s10] =	ssyncadd.s32 @!p2 $0xFFFFD000;
	s15 =	sadd.s32 s11, s15  }
0x6d: {  	[tilespmem:s3], [sflag:$0x1] =	stream.linear.gather [hbm4b:s15+s3], $0x60, $0x38;
	[tilespmem:$0x1FD80] =	vst v63  }
0x6e: {  	s10 =	sadd.s32 s11, s6;
	s6 =	simm.s32 @!p2 $0xA  }
0x6f: {  	[tilespmem:s16], [sflag:$0x1] =	stream.linear.gather [hbm4b:s10+s3], $0x60, $0x38;
	[tilespmem:$0x1FD80] =	vst v63  }
0x70: {  	_ =	swait.ge @!p2 [sflag:s6], $0x3000  }
0x71: {  	s13 =	smov.u32 s8;
	[sflag:s6] =	ssyncset.done @!p2 $0x0  }
0x72: {  	s11 =	smov.u32 s13;
	s13 =	sadd.s32 $0xC, s15;
	[sflag:s6] =	ssyncadd.s32 @!p2 $0xFFFFD000  }
0x73: {  	[tilespmem:s17], [sflag:$0x2] =	stream.linear.gather [hbm4b:s13+s3], $0x60, $0x38;
	[tilespmem:$0x1FD80] =	vst v63  }
0x74: {  	s6 =	sadd.s32 $0xC, s10;
	s13 =	simm.s32 @!p2 $0xB  }
0x75: {  	[tilespmem:s18], [sflag:$0x2] =	stream.linear.gather [hbm4b:s6+s3], $0x60, $0x38;
	[tilespmem:$0x1FD80] =	vst v63  }
0x76: {  	_ =	swait.ge @!p2 [sflag:s13], $0x3000  }
0x77: {  	[sflag:s13] =	ssyncset.done @!p2 $0x0  }
0x78: {  	[sflag:s13] =	ssyncadd.s32 @!p2 $0xFFFFD000;
	s13 =	sadd.s32 $0x18, s15  }
0x79: {  	[tilespmem:s19], [sflag:$0x3] =	stream.linear.gather [hbm4b:s13+s3], $0x60, $0x38;
	[tilespmem:$0x1FD80] =	vst v63  }
0x7a: {  	s6 =	sadd.s32 $0x18, s10;
	s13 =	simm.s32 @!p2 $0xC  }
0x7b: {  	[tilespmem:s20], [sflag:$0x3] =	stream.linear.gather [hbm4b:s6+s3], $0x60, $0x38;
	[tilespmem:$0x1FD80] =	vst v63  }
0x7c: {  	_ =	swait.ge @!p2 [sflag:s13], $0x3000  }
0x7d: {  	[sflag:s13] =	ssyncset.done @!p2 $0x0  }
0x7e: {  	[sflag:s13] =	ssyncadd.s32 @!p2 $0xFFFFD000;
	s13 =	sadd.s32 $0x24, s15  }
0x7f: {  	[tilespmem:s21], [sflag:$0x4] =	stream.linear.gather [hbm4b:s13+s3], $0x60, $0x38;
	[tilespmem:$0x1FD80] =	vst v63  }
0x80: {  	s15 =	sadd.s32 $0x24, s10  }
0x81: {  	[tilespmem:s22], [sflag:$0x4] =	stream.linear.gather [hbm4b:s15+s3], $0x60, $0x38;
	[tilespmem:$0x1FD80] =	vst v63  }
0x82: {  	_ =	swait.ge [sflag:s23], $0x60  }
0x83: {  	[sflag:s23] =	ssyncset.done $0x0  }
0x84: {  	[sflag:s23] =	ssyncadd.s32 $0xFFFFFFA0  }
0x85: {  	_ =	swait.ge [sflag:s23], $0x60  }
0x86: {  	[sflag:s23] =	ssyncset.done $0x0  }
0x87: {  	[sflag:s23] =	ssyncadd.s32 $0xFFFFFFA0  }
0x88: {  	[tilespmem:s25], [sflag:$0x5] =	stream.indirect.gather [hbm4b:s12+s24], $0x80, s3, s24, $0xb8;
	[tilespmem:$0x1FD80] =	vst v63  }
0x89: {  	_ =	swait.ge [sflag:s26], $0x60  }
0x8a: {  	[sflag:s26] =	ssyncset.done $0x0  }
0x8b: {  	[sflag:s26] =	ssyncadd.s32 $0xFFFFFFA0  }
0x8c: {  	_ =	swait.ge [sflag:s26], $0x60  }
0x8d: {  	[sflag:s26] =	ssyncset.done $0x0  }
0x8e: {  	[sflag:s26] =	ssyncadd.s32 $0xFFFFFFA0  }
0x8f: {  	[tilespmem:s28], [sflag:$0x6] =	stream.indirect.gather [hbm4b:s12+s24], $0x80, s17, s24, $0xb8;
	[tilespmem:$0x1FD80] =	vst v63  }
0x90: {  	_ =	swait.ge [sflag:s29], $0x60  }
0x91: {  	[sflag:s29] =	ssyncset.done $0x0  }
0x92: {  	[sflag:s29] =	ssyncadd.s32 $0xFFFFFFA0  }
0x93: {  	_ =	swait.ge [sflag:s29], $0x60  }
0x94: {  	[sflag:s29] =	ssyncset.done $0x0  }
0x95: {  	[sflag:s29] =	ssyncadd.s32 $0xFFFFFFA0  }
0x96: {  	[tilespmem:s30], [sflag:$0x7] =	stream.indirect.gather [hbm4b:s12+s24], $0x80, s19, s24, $0xb8;
	[tilespmem:$0x1FD80] =	vst v63  }
0x97: {  	_ =	swait.ge [sflag:s31], $0x60  }
0x98: {  	[sflag:s31] =	ssyncset.done $0x0  }
0x99: {  	[sflag:s31] =	ssyncadd.s32 $0xFFFFFFA0  }
0x9a: {  	_ =	swait.ge [sflag:s31], $0x60  }
0x9b: {  	[sflag:s31] =	ssyncset.done $0x0  }
0x9c: {  	[sflag:s31] =	ssyncadd.s32 $0xFFFFFFA0  }
0x9d: {  	[tilespmem:s0], [sflag:$0x8] =	stream.indirect.gather [hbm4b:s12+s24], $0x80, s21, s24, $0xb8;
	[tilespmem:$0x1FD80] =	vst v63  }
0x9e: {  	_ =	swait.ge [sflag:s1], $0x3000  }
0x9f: {  	[sflag:s1] =	ssyncset.done $0x0  }
0xa0: {  	[sflag:s1] =	ssyncadd.s32 $0xFFFFD000  }
0xa1: {  	[spmem:s2] =	stream.indirect.scatter.add.f32 [tilespmem:s25], [sflag:$0x9], $0x80, s16, s24, $0xb8;
	[tilespmem:$0x1FD80] =	vst v63  }
0xa2: {  	_ =	swait.ge [sflag:s5], $0x3000  }
0xa3: {  	[sflag:s5] =	ssyncset.done $0x0  }
0xa4: {  	s8 =	sadd.s32 $0x30, s8;
	[sflag:s5] =	ssyncadd.s32 $0xFFFFD000  }
0xa5: {  	[spmem:s2] =	stream.indirect.scatter.add.f32 [tilespmem:s28], [sflag:$0xA], $0x80, s18, s24, $0xb8;
	[tilespmem:$0x1FD80] =	vst v63  }
0xa6: {  	p1 =	sne.s32 s8, $0x4E0;
	_ =	swait.ge [sflag:s4], $0x3000  }
.Ltmp0:
0xa7: {  	[sflag:s4] =	ssyncset.done $0x0;
	(pc) =	sbr.rel @p1 .LBB2_2-.Ltmp0, $4  }
0xa8: {  	[sflag:s4] =	ssyncadd.s32 $0xFFFFD000  }
0xa9: {  	[spmem:s2] =	stream.indirect.scatter.add.f32 [tilespmem:s30], [sflag:$0xB], $0x80, s20, s24, $0xb8;
	[tilespmem:$0x1FD80] =	vst v63  }
0xaa: {  	_ =	swait.ge [sflag:s7], $0x3000  }
0xab: {  	p2 =	seq.s32 s11, $0x0;
	[sflag:s7] =	ssyncset.done $0x0  }
0xac: {  	s6 =	simm.s32 @!p2 $0x9;
	[sflag:s7] =	ssyncadd.s32 $0xFFFFD000  }
0xad: {  	[spmem:s2] =	stream.indirect.scatter.add.f32 [tilespmem:s0], [sflag:$0xC], $0x80, s22, s24, $0xb8;
	[tilespmem:$0x1FD80] =	vst v63  }
0xae: {  	_ =	swait.ge @!p2 [sflag:s6], $0x3000  }
0xaf: {  	s8 =	rddreg [dreg:$0x5];
	[sflag:s6] =	ssyncset.done @!p2 $0x0  }
0xb0: {  	s10 =	rddreg [dreg:$0x4];
	[sflag:s6] =	ssyncadd.s32 @!p2 $0xFFFFD000;
	s6 =	sadd.s32 s11, s8  }
0xb1: {  	[tilespmem:s3], [sflag:$0x1] =	stream.linear.gather [hbm4b:s6+s3], $0x60, $0x38;
	[tilespmem:$0x1FD80] =	vst v63  }
0xb2: {  	s8 =	sadd.s32 s11, s10;
	s10 =	simm.s32 @!p2 $0xA  }
0xb3: {  	[tilespmem:s16], [sflag:$0x1] =	stream.linear.gather [hbm4b:s8+s3], $0x60, $0x38;
	[tilespmem:$0x1FD80] =	vst v63  }
0xb4: {  	_ =	swait.ge @!p2 [sflag:s10], $0x3000  }
0xb5: {  	[sflag:s10] =	ssyncset.done @!p2 $0x0  }
0xb6: {  	s15 =	sadd.s32 $0xC, s6;
	[sflag:s10] =	ssyncadd.s32 @!p2 $0xFFFFD000  }
0xb7: {  	[tilespmem:s17], [sflag:$0x2] =	stream.linear.gather [hbm4b:s15+s3], $0x60, $0x38;
	[tilespmem:$0x1FD80] =	vst v63  }
0xb8: {  	s11 =	sadd.s32 $0xC, s8;
	s10 =	simm.s32 @!p2 $0xB  }
0xb9: {  	[tilespmem:s18], [sflag:$0x2] =	stream.linear.gather [hbm4b:s11+s3], $0x60, $0x38;
	[tilespmem:$0x1FD80] =	vst v63  }
0xba: {  	_ =	swait.ge @!p2 [sflag:s10], $0x3000  }
0xbb: {  	[sflag:s10] =	ssyncset.done @!p2 $0x0  }
0xbc: {  	s13 =	sadd.s32 $0x18, s6;
	[sflag:s10] =	ssyncadd.s32 @!p2 $0xFFFFD000  }
0xbd: {  	[tilespmem:s19], [sflag:$0x3] =	stream.linear.gather [hbm4b:s13+s3], $0x60, $0x38;
	[tilespmem:$0x1FD80] =	vst v63  }
0xbe: {  	s15 =	sadd.s32 $0x18, s8;
	s10 =	simm.s32 @!p2 $0xC  }
0xbf: {  	[tilespmem:s20], [sflag:$0x3] =	stream.linear.gather [hbm4b:s15+s3], $0x60, $0x38;
	[tilespmem:$0x1FD80] =	vst v63  }
0xc0: {  	_ =	swait.ge @!p2 [sflag:s10], $0x3000  }
0xc1: {  	[sflag:s10] =	ssyncset.done @!p2 $0x0  }
0xc2: {  	s6 =	sadd.s32 $0x24, s6;
	[sflag:s10] =	ssyncadd.s32 @!p2 $0xFFFFD000  }
0xc3: {  	[tilespmem:s21], [sflag:$0x4] =	stream.linear.gather [hbm4b:s6+s3], $0x60, $0x38;
	[tilespmem:$0x1FD80] =	vst v63  }
0xc4: {  	s8 =	sadd.s32 $0x24, s8  }
0xc5: {  	[tilespmem:s22], [sflag:$0x4] =	stream.linear.gather [hbm4b:s8+s3], $0x60, $0x38;
	[tilespmem:$0x1FD80] =	vst v63  }
0xc6: {  	_ =	swait.ge [sflag:s23], $0x60  }
0xc7: {  	[sflag:s23] =	ssyncset.done $0x0  }
0xc8: {  	[sflag:s23] =	ssyncadd.s32 $0xFFFFFFA0  }
0xc9: {  	_ =	swait.ge [sflag:s23], $0x60  }
0xca: {  	[sflag:s23] =	ssyncset.done $0x0  }
0xcb: {  	[sflag:s23] =	ssyncadd.s32 $0xFFFFFFA0  }
0xcc: {  	[tilespmem:s25], [sflag:$0x5] =	stream.indirect.gather [hbm4b:s12+s24], $0x80, s3, s24, $0xb8;
	[tilespmem:$0x1FD80] =	vst v63  }
0xcd: {  	_ =	swait.ge [sflag:s26], $0x60  }
0xce: {  	[sflag:s26] =	ssyncset.done $0x0  }
0xcf: {  	[sflag:s26] =	ssyncadd.s32 $0xFFFFFFA0  }
0xd0: {  	_ =	swait.ge [sflag:s26], $0x60  }
0xd1: {  	[sflag:s26] =	ssyncset.done $0x0  }
0xd2: {  	[sflag:s26] =	ssyncadd.s32 $0xFFFFFFA0  }
0xd3: {  	[tilespmem:s28], [sflag:$0x6] =	stream.indirect.gather [hbm4b:s12+s24], $0x80, s17, s24, $0xb8;
	[tilespmem:$0x1FD80] =	vst v63  }
0xd4: {  	_ =	swait.ge [sflag:s29], $0x60  }
0xd5: {  	[sflag:s29] =	ssyncset.done $0x0  }
0xd6: {  	[sflag:s29] =	ssyncadd.s32 $0xFFFFFFA0  }
0xd7: {  	_ =	swait.ge [sflag:s29], $0x60  }
0xd8: {  	[sflag:s29] =	ssyncset.done $0x0  }
0xd9: {  	[sflag:s29] =	ssyncadd.s32 $0xFFFFFFA0  }
0xda: {  	[tilespmem:s30], [sflag:$0x7] =	stream.indirect.gather [hbm4b:s12+s24], $0x80, s19, s24, $0xb8;
	[tilespmem:$0x1FD80] =	vst v63  }
0xdb: {  	_ =	swait.ge [sflag:s31], $0x60  }
0xdc: {  	[sflag:s31] =	ssyncset.done $0x0  }
0xdd: {  	[sflag:s31] =	ssyncadd.s32 $0xFFFFFFA0  }
0xde: {  	_ =	swait.ge [sflag:s31], $0x60  }
0xdf: {  	[sflag:s31] =	ssyncset.done $0x0  }
0xe0: {  	[sflag:s31] =	ssyncadd.s32 $0xFFFFFFA0  }
0xe1: {  	[tilespmem:s0], [sflag:$0x8] =	stream.indirect.gather [hbm4b:s12+s24], $0x80, s21, s24, $0xb8;
	[tilespmem:$0x1FD80] =	vst v63  }
0xe2: {  	_ =	swait.ge [sflag:s1], $0x3000  }
0xe3: {  	[sflag:s1] =	ssyncset.done $0x0  }
0xe4: {  	[sflag:s1] =	ssyncadd.s32 $0xFFFFD000  }
0xe5: {  	[spmem:s2] =	stream.indirect.scatter.add.f32 [tilespmem:s25], [sflag:$0x9], $0x80, s16, s24, $0xb8;
	[tilespmem:$0x1FD80] =	vst v63  }
0xe6: {  	_ =	swait.ge [sflag:s5], $0x3000  }
0xe7: {  	[sflag:s5] =	ssyncset.done $0x0  }
0xe8: {  	[sflag:s5] =	ssyncadd.s32 $0xFFFFD000  }
0xe9: {  	[spmem:s2] =	stream.indirect.scatter.add.f32 [tilespmem:s28], [sflag:$0xA], $0x80, s18, s24, $0xb8;
	[tilespmem:$0x1FD80] =	vst v63  }
0xea: {  	_ =	swait.ge [sflag:s4], $0x3000  }
0xeb: {  	[sflag:s4] =	ssyncset.done $0x0  }
0xec: {  	[sflag:s4] =	ssyncadd.s32 $0xFFFFD000  }
0xed: {  	[spmem:s2] =	stream.indirect.scatter.add.f32 [tilespmem:s30], [sflag:$0xB], $0x80, s20, s24, $0xb8;
	[tilespmem:$0x1FD80] =	vst v63  }
0xee: {  	_ =	swait.ge [sflag:s7], $0x3000  }
0xef: {  	[sflag:s7] =	ssyncset.done $0x0  }
0xf0: {  	s10 =	simm.s32 $0x9;
	[sflag:s7] =	ssyncadd.s32 $0xFFFFD000  }
0xf1: {  	[spmem:s2] =	stream.indirect.scatter.add.f32 [tilespmem:s0], [sflag:$0xC], $0x80, s22, s24, $0xb8;
	[tilespmem:$0x1FD80] =	vst v63  }
0xf2: {  	_ =	swait.ge [sflag:s10], $0x3000  }
0xf3: {  	[sflag:s10] =	ssyncset.done $0x0  }
0xf4: {  	s11 =	simm.s32 $0xA;
	[sflag:s10] =	ssyncadd.s32 $0xFFFFD000  }
0xf5: {  	_ =	swait.ge [sflag:s11], $0x3000  }
0xf6: {  	[sflag:s11] =	ssyncset.done $0x0  }
0xf7: {  	s13 =	simm.s32 $0xB;
	[sflag:s11] =	ssyncadd.s32 $0xFFFFD000  }
0xf8: {  	_ =	swait.ge [sflag:s13], $0x3000  }
0xf9: {  	[sflag:s13] =	ssyncset.done $0x0  }
0xfa: {  	s15 =	simm.s32 $0xC;
	[sflag:s13] =	ssyncadd.s32 $0xFFFFD000  }
0xfb: {  	_ =	swait.ge [sflag:s15], $0x3000  }
0xfc: {  	[sflag:s15] =	ssyncset.done $0x0  }
0xfd: {  	s10 =	simm.s32 $0xC400;
	s8 =	rddreg [dreg:$0xa];
	[sflag:s15] =	ssyncadd.s32 $0xFFFFD000  }
0xfe: {  	[tilespmem:s10], [sflag:$0xD] =	stream.linear.gather [hbm4b:s8+s3], $0x10, $0x38;
	[tilespmem:$0x1FD80] =	vst v63  }
0xff: {  	_ =	swait.ge [sflag:s14], $0x10  }
0x100: {  	[sflag:s14] =	ssyncset.done $0x0  }
0x101: {  	s13 =	simm.s32 $0xC480;
	s11 =	rddreg [dreg:$0xb];
	[sflag:s14] =	ssyncadd.s32 $0xFFFFFFF0  }
0x102: {  	[tilespmem:s13], [sflag:$0xD] =	stream.linear.gather [hbm4b:s11+s3], $0x10, $0x38;
	[tilespmem:$0x1FD80] =	vst v63  }
0x103: {  	_ =	swait.ge [sflag:s14], $0x10  }
0x104: {  	[sflag:s14] =	ssyncset.done $0x0  }
0x105: {  	s15 =	simm.s32 $0x10;
	[sflag:s14] =	ssyncadd.s32 $0xFFFFFFF0  }
0x106: {  	[tilespmem:s25], [sflag:$0x5] =	stream.indirect.gather [hbm4b:s12+s15], $0x80, s10, s15, $0xb8;
	[tilespmem:$0x1FD80] =	vst v63  }
0x107: {  	_ =	swait.ge [sflag:s1], $0x800  }
0x108: {  	[sflag:s1] =	ssyncset.done $0x0  }
0x109: {  	[sflag:s1] =	ssyncadd.s32 $0xFFFFF800  }
0x10a: {  	[spmem:s2] =	stream.indirect.scatter.add.f32 [tilespmem:s25], [sflag:$0xD], $0x80, s13, s15, $0xb8;
	[tilespmem:$0x1FD80] =	vst v63  }
0x10b: {  	_ =	swait.ge [sflag:s14], $0x800  }
0x10c: {  	[sflag:s14] =	ssyncset.done $0x0  }
0x10d: {  	[sflag:s14] =	ssyncadd.s32 $0xFFFFF800  }
0x10e: {  	[bflag:$0x0] =	sbarrier.arrive $0xFFFF  }
0x10f: {  	s11 =	rddreg [dreg:$0x6]  }
0x110: {  	s8 =	rddreg [dreg:$0xc]  }
0x111: {  	s15 =	rddreg [dreg:$0x8]  }
0x112: {  	s10 =	rddreg [dreg:$0xe];
	s6 =	sadd.s32 s11, s8  }
0x113: {  	[hbm:s6], [sflag:s15] =	dma.local [spmem:s10], $0x2700  }
0x114: {  	_ =	swait.ge [sflag:s14], $0x2700  }
0x115: {  	[sflag:s14] =	ssyncset.done $0x0  }
0x116: {  	s6 =	sadd.s32 @!p0 $0x27000, s8;
	s11 =	rddreg [dreg:$0xf];
	[sflag:s14] =	ssyncadd.s32 $0xFFFFD900  }
0x117: {  	[hbm:s6], [sflag:s15] =	dma.local @!p0 [spmem:s11], $0x100  }
0x118: {  	s6 =	simm.s32 @!p0 $0xD  }
0x119: {  	_ =	swait.ge @!p0 [sflag:s6], $0x100  }
0x11a: {  	s9 =	sadd.s32 $0x1, s9;
	s13 =	rddreg [dreg:$0xd]  }
0x11b: {  	p1 =	sne.s32 s9, s13  }
.Ltmp1:
0x11c: {  	_ = 	snop;
	(pc) =	sbr.rel @p1 .LBB2_1-.Ltmp1, $3  }
0x11d: {  	_ =	sdelay $0x1  }
0x11e: {  	[sflag:s6] =	ssyncset.done @!p0 $0x0  }
0x11f: {  	[sflag:s6] =	ssyncadd.s32 @!p0 $0xFFFFFF00  }
0x120: {  	_ =	sfence.sel $0x180000  }
0x121: {  	[bflag:$0x0] =	sbarrier.arrive $0xFFFF  }
0x122: {  	_ =	strace $0x9000004A  }
0x123: {  	s0 =	stileid.u32;
	[bflag:$0x2] =	sbarrier.arrive $0xFFFF  }
0x124: {  	p0 =	sne.s32 s0, $0x0;
	s0 =	rddreg [dreg:$0x3]  }
0x125: {  	s0 =	sadd.s32 @!p0 $0x100000, s0  }
0x126: {  	[sflag:s0] =	ssyncadd.tile.s32 @!p0 $0x1;
	_ =	shalt  }
.Lfunc_end2:
_tile_overlayer_lowered:
.L_overlay_start_2:
0x127: {  	(tag) =	ssettag $0x2  }
0x128: {  	s0 =	rddreg [dreg:$0x0];
	s2 =	stileid.u32  }
0x129: {  	s1 =	rddreg [dreg:$0x1];
	p0 =	sne.s32 s2, $0x0  }
0x12a: {  	s3 =	rddreg [dreg:$0x2];
	[bflag:$0x3] =	sbarrier.arrive $0xFFFF;
	s2 =	simm.s32 @!p0 $0x1C0D  }
0x12b: {  	[timem:s3], [sflag:s2] =	dma.local @!p0 [hbm:s0], s1  }
0x12c: {  	s0 =	simm.s32 @!p0 $0xD  }
0x12d: {  	_ =	swait.ge @!p0 [sflag:s0], s1  }
0x12e: {  	s1 =	ssub.s32 @!p0 $0x0, s1;
	[sflag:s0] =	ssyncset.done @!p0 $0x0  }
0x12f: {  	[sflag:s0] =	ssyncadd.s32 @!p0 s1  }
0x130: {  	[bflag:$0x3] =	sbarrier.arrive $0xFFFF  }
0x131: {  	_ =	shalt  }

// kernel: kernel.16.cloned.1.call-start
scs
__scs_entry_jumppad:
0x0: {  	(pc) =	sbr.rel $0x88, $3  }
0x1: {  	(tag) =	ssettag $0x0;
	lr =	simm.s32 $0x1  }
0x2: {  	[smem:$0x3F99] =	sst lr;
	_ =	strace $0xD0000000  }
0x3: {  	_ = 	snop  }
0x4: {  	_ = 	snop  }
0x5: {  	_ = 	snop  }
0x6: {  	_ = 	snop  }
0x7: {  	_ = 	snop  }
__scs_overlays_trampoline_lowered:
0x8: {  	[smem:$0x3FA8] =	sst s0  }
0x9: {  	[smem:$0x3FA9] =	sst s1  }
0xa: {  	[smem:$0x3FAA] =	sst s2  }
0xb: {  	[smem:$0x3FAB] =	sst s3  }
0xc: {  	[smem:$0x3FAC] =	sst s4  }
0xd: {  	[smem:$0x3FAD] =	sst s5  }
0xe: {  	[smem:$0x3FAE] =	sst s6  }
0xf: {  	[smem:$0x3FAF] =	sst s7  }
0x10: {  	[smem:$0x3FB0] =	sst s8  }
0x11: {  	[smem:$0x3FB1] =	sst s9;
	s0 =	simm.s32 @!p0 $0x0  }
0x12: {  	s1 =	sld [smem:$0x3F97];
	s0 =	simm.s32 @p0 $0x1  }
0x13: {  	[smem:$0x3FB2] =	sst s0;
	s0 =	simm.s32 @!p1 $0x0  }
0x14: {  	s2 =	sld [smem:$0x3F96];
	s0 =	simm.s32 @p1 $0x1  }
0x15: {  	[smem:$0x3FB3] =	sst s0;
	s0 =	simm.s32 @!p2 $0x0  }
0x16: {  	s3 =	sld [smem:$0x3FDB];
	s0 =	simm.s32 @p2 $0x1  }
0x17: {  	s4 =	simm.s32 $0x1BF5;
	[smem:$0x3FB5] =	sst s0  }
0x18: {  	s0 =	sld [smem:$0x3F98];
	_ =	swait.ge [sflag:s4], $0x0  }
0x19: {  	s7 =	sld [smem:$0x3F99]  }
0x1a: {  	s8 =	sadd.s32 $0xFFFFE003, lr  }
0x1b: {  	s9 =	sadd.s32 $0xFFFFFEF7, lr;
	s5 =	simm.s32 $0xFFFFFFFF;
	p2 =	slt.u32 s8, $0xFFFFF086  }
0x1c: {  	p1 =	slt.u32 s9, $0xF7A;
	s5 =	simm.s32 @!p2 $0x0  }
0x1d: {  	s5 =	simm.s32 @p1 $0x1;
	p0 =	seq.s32 s7, s2  }
0x1e: {  	s7 =	smul.u32 @!p0 $0xF7A, s2;
	p2 =	seq.s32 @!p0 s5, $0x0  }
0x1f: {  	s9 =	smul.u32 $0xF7A, s1;
	s8 =	simm.s32 @!p0 $0x1BF5;
	p2 =	por !p2, p0  }
0x20: {  	[sflag:s8] =	ssyncset.s32 @!p0 $0xFFFFF086;
	s6 =	sadd.s32 @!p0 s3, s7;
	s7 =	simm.s32 @!p0 $0x108  }
0x21: {  	s3 =	sadd.s32 s3, s9;
	s6 =	sadd.s32 @!p0 $0x88, s6;
	s7 =	simm.s32 @p2 $0x1082  }
0x22: {  	[simem:s7], [sflag:s8] =	dma.local @!p0 [hbm:s6], $0xF7A  }
0x23: {  	s9 =	sor.u32 $0xD0000000, s2;
	s6 =	simm.s32 $0x108;
	_ =	swait.ge @!p0 [sflag:s8], $0x0  }
0x24: {  	s3 =	sadd.s32 $0x88, s3;
	s6 =	simm.s32 @!p1 $0x1082;
	[sflag:s4] =	ssyncset.s32 $0xFFFFF086  }
0x25: {  	[simem:s6], [sflag:s4] =	dma.local [hbm:s3], $0xF7A  }
0x26: {  	[smem:$0x3F99] =	sst s1;
	(tag) =	ssettag s2;
	_ =	strace s9  }
0x27: {  	s1 =	sld [smem:$0x3FA9]  }
0x28: {  	s2 =	sld [smem:$0x3FAA]  }
0x29: {  	s4 =	sld [smem:$0x3FAC]  }
0x2a: {  	p0 =	seq.s32 s5, $0x0;
	s5 =	sld [smem:$0x3FAD]  }
0x2b: {  	s6 =	sld [smem:$0x3FAE]  }
0x2c: {  	s7 =	sld [smem:$0x3FAF]  }
0x2d: {  	s3 =	simm.s32 $0x108;
	s8 =	sld [smem:$0x3FB0]  }
0x2e: {  	s3 =	simm.s32 @!p0 $0x1082;
	s9 =	sld [smem:$0x3FB1]  }
0x2f: {  	lr =	sadd.s32 s0, s3;
	s0 =	sld [smem:$0x3FA8]  }
0x30: {  	s3 =	sld [smem:$0x3FAB]  }
0x31: {  	[smem:$0x3FB4] =	sst s10  }
0x32: {  	s10 =	sld [smem:$0x3FB2];
	_ =	sdelay $0x3  }
0x33: {  	p0 =	seq.s32 s10, $0x1;
	s10 =	sld [smem:$0x3FB4];
	_ =	sdelay $0x3  }
0x34: {  	[smem:$0x3FB4] =	sst s10  }
0x35: {  	s10 =	sld [smem:$0x3FB3];
	_ =	sdelay $0x3  }
0x36: {  	p1 =	seq.s32 s10, $0x1;
	s10 =	sld [smem:$0x3FB4];
	_ =	sdelay $0x3  }
0x37: {  	[smem:$0x3FB4] =	sst s10  }
0x38: {  	s10 =	sld [smem:$0x3FB5]  }
0x39: {  	_ = 	snop;
	(pc) =	sbr.ind lr, $3  }
0x3a: {  	_ = 	snop  }
0x3b: {  	_ = 	snop  }
0x3c: {  	p2 =	seq.s32 s10, $0x1;
	s10 =	sld [smem:$0x3FB4]  }
0x3d: {  	_ =	shalt  }
0x3e: {  	_ =	shalt  }
0x3f: {  	_ =	shalt  }
0x40: {  	_ =	shalt  }
0x41: {  	_ =	shalt  }
0x42: {  	_ =	shalt  }
0x43: {  	_ =	shalt  }
0x44: {  	_ =	shalt  }
0x45: {  	_ =	shalt  }
0x46: {  	_ =	shalt  }
0x47: {  	_ =	shalt  }
0x48: {  	_ =	shalt  }
0x49: {  	_ =	shalt  }
0x4a: {  	_ =	shalt  }
0x4b: {  	_ =	shalt  }
0x4c: {  	_ =	shalt  }
0x4d: {  	_ =	shalt  }
0x4e: {  	_ =	shalt  }
0x4f: {  	_ =	shalt  }
0x50: {  	_ =	shalt  }
0x51: {  	_ =	shalt  }
0x52: {  	_ =	shalt  }
0x53: {  	_ =	shalt  }
0x54: {  	_ =	shalt  }
0x55: {  	_ =	shalt  }
0x56: {  	_ =	shalt  }
0x57: {  	_ =	shalt  }
0x58: {  	_ =	shalt  }
0x59: {  	_ =	shalt  }
0x5a: {  	_ =	shalt  }
0x5b: {  	_ =	shalt  }
0x5c: {  	_ =	shalt  }
0x5d: {  	_ =	shalt  }
0x5e: {  	_ =	shalt  }
0x5f: {  	_ =	shalt  }
0x60: {  	_ =	shalt  }
0x61: {  	_ =	shalt  }
0x62: {  	_ =	shalt  }
0x63: {  	_ =	shalt  }
0x64: {  	_ =	shalt  }
0x65: {  	_ =	shalt  }
0x66: {  	_ =	shalt  }
0x67: {  	_ =	shalt  }
0x68: {  	_ =	shalt  }
0x69: {  	_ =	shalt  }
0x6a: {  	_ =	shalt  }
0x6b: {  	_ =	shalt  }
0x6c: {  	_ =	shalt  }
0x6d: {  	_ =	shalt  }
0x6e: {  	_ =	shalt  }
0x6f: {  	_ =	shalt  }
0x70: {  	_ =	shalt  }
0x71: {  	_ =	shalt  }
0x72: {  	_ =	shalt  }
0x73: {  	_ =	shalt  }
0x74: {  	_ =	shalt  }
0x75: {  	_ =	shalt  }
0x76: {  	_ =	shalt  }
0x77: {  	_ =	shalt  }
0x78: {  	_ =	shalt  }
0x79: {  	_ =	shalt  }
0x7a: {  	_ =	shalt  }
0x7b: {  	_ =	shalt  }
0x7c: {  	_ =	shalt  }
0x7d: {  	_ =	shalt  }
0x7e: {  	_ =	shalt  }
0x7f: {  	_ =	shalt  }
0x80: {  	_ =	shalt  }
0x81: {  	_ =	shalt  }
0x82: {  	_ =	shalt  }
0x83: {  	_ =	shalt  }
0x84: {  	_ =	shalt  }
0x85: {  	_ =	shalt  }
0x86: {  	_ =	shalt  }
0x87: {  	_ =	shalt  }
.Lfunc_end0:
.L_simem_size_0:
called_computation.2_lowered:
.L_overlay_start_0:
0x88: {  	s2 =	sld [smem:$0x3FD9]  }
0x89: {  	s3 =	sld [smem:$0x3FFE];
	_ =	sdelay $0x1  }
0x8a: {  	s1 =	srdreg.scid  }
0x8b: {  	s0 =	sand.u32 $0x1, s1  }
0x8c: {  	s17 =	sshll.u32 s0, $0xA;
	s2 =	sadd.s32 s3, s2  }
0x8d: {  	s2 =	sadd.s32 s2, s17  }
0x8e: {  	[smem:$0x3FC0] =	sst s2  }
0x8f: {  	_ = 	snop  }
0x90: {  	s2 =	sld [smem:$0x3FD0];
	(tm) =	ssettm $0x1  }
0x91: {  	s18 =	sld [smem:$0x3FFB];
	_ =	sdelay $0x3  }
0x92: {  	_ =	strace s18  }
0x93: {  	s3 =	sld [smem:$0x3FFC];
	_ =	sdelay $0x3  }
0x94: {  	_ =	strace s3  }
0x95: {  	s3 =	sld [smem:$0x3FFD];
	_ =	sdelay $0x3  }
0x96: {  	_ =	strace s3  }
0x97: {  	_ =	strace $0x8FFFFFFF  }
0x98: {  	s19 =	sld [smem:$0x3FDB];
	_ =	sdelay $0x1  }
0x99: {  	s4 =	simm.s32 $_scs_section_size  }
0x9a: {  	s5 =	simm.s32 $_size__tile_overlayer_lowered;
	s6 =	simm.s32 $_tile_overlayer_lowered  }
0x9b: {  	s22 =	simm.s32 $0x1BFF;
	s21 =	sshll.u32 s6, $0x1;
	s3 =	sadd.s32 s4, s19  }
0x9c: {  	s7 =	simm.s32 $0x0;
	s20 =	sshll.u32 s5, $0x1;
	s5 =	sadd.s32 s21, s3  }
0x9d: {  	[timem:s7], [sflag:s22] =	dma.local [hbm:s5], s20  }
0x9e: {  	_ =	swait.ge [sflag:s22], s20  }
0x9f: {  	s4 =	ssub.s32 $0x0, s20;
	[sflag:s22] =	ssyncset.done $0x0  }
0xa0: {  	[sflag:s22] =	ssyncadd.s32 s4;
	_ =	sdelay $0x1  }
0xa1: {  	s23 =	simm.s32 $0x1B8B  }
0xa2: {  	_ =	swait.ge [sflag:s23], $0x1  }
0xa3: {  	[sflag:s23] =	ssyncset.done $0x0  }
0xa4: {  	s25 =	simm.s32 $0x1B8E;
	s24 =	sld [smem:$0x3FFE];
	[sflag:s23] =	ssyncadd.s32 $0xFFFFFFFF  }
0xa5: {  	s26 =	simm.s32 $execute0_lowered;
	[smem:$0x3FD2] =	sst s25  }
0xa6: {  	s5 =	sshll.u32 s26, $0x1;
	_ =	strace $0x8000004C;
	[dreg:$0x1] =	wrdreg $0xFFFFFFFF  }
0xa7: {  	s28 =	simm.s32 $_size_execute0_lowered;
	s3 =	sadd.s32 s3, s5;
	[dreg:$0x0] =	wrdreg $0x0  }
0xa8: {  	s5 =	sshll.u32 s28, $0x1;
	[dreg:$0x2] =	wrdreg s3  }
0xa9: {  	[dreg:$0x3] =	wrdreg s5  }
0xaa: {  	[dreg:$0x4] =	wrdreg $0xC0  }
0xab: {  	_ =	task [dreg:s7], $0x5FFFF  }
0xac: {  	[dreg:$0x1] =	wrdreg $0xFFFFFFFF  }
0xad: {  	[dreg:$0x0] =	wrdreg $0x60  }
0xae: {  	[dreg:$0x2] =	wrdreg s24  }
0xaf: {  	[dreg:$0x3] =	wrdreg s2  }
0xb0: {  	[dreg:$0x4] =	wrdreg $0xC5000  }
0xb1: {  	[dreg:$0x5] =	wrdreg $0x9  }
0xb2: {  	_ =	task.clear_ibuf [dreg:s7], $0x6FFFF;
	_ =	strace $0x9000004C  }
0xb3: {  	s29 =	simm.s32 $0x9;
	_ =	strace $0x8000004E  }
0xb4: {  	_ =	swait.ge [sflag:s29], $0x1  }
0xb5: {  	[sflag:s29] =	ssyncadd.s32 $0xFFFFFFFF  }
0xb6: {  	_ =	strace $0x9000004E  }
0xb7: {  	_ =	sfence  }
0xb8: {  	s30 =	sld [smem:$0x0];
	_ =	sdelay $0x2  }
0xb9: {  	s31 =	sshll.u32 s1, $0xD;
	s1 =	sshrl.u32 s1, $0x2  }
0xba: {  	s3 =	sand.u32 $0x4000, s31;
	s1 =	sadd.s32 s1, s30  }
0xbb: {  	s0 =	sor.u32 s3, s0;
	s1 =	sshll.u32 s1, $0x11  }
0xbc: {  	s0 =	sor.u32 s1, s0  }
0xbd: {  	s0 =	sadd.s32 $0x8F2B, s0  }
0xbe: {  	[sflag:s0] =	ssyncadd.remote.s32 $0x1  }
0xbf: {  	_ =	sfence.sel $0xFFFF  }
0xc0: {  	[dreg:$0x0] =	wrdreg $0xFFFFFFFF;
	(pc) =	sbr.abs _section_cstart, $3  }
0xc1: {  	[dreg:$0x1] =	wrdreg $0xFFFFFFFF  }
0xc2: {  	_ =	task.clear_ibuf [dreg:s7], $0x2FFFF;
	_ =	strace $0x9FFFFFFF  }
0xc3: {  	(tm) =	ssettm $0x7FFFFFFF  }
tec
execute0_lowered:
.L_overlay_start_1:
0x0: {  	(tag) =	ssettag $0x1  }
0x1: {  	s0 =	rddreg [dreg:$0x0]  }
0x2: {  	s1 =	rddreg [dreg:$0x1]  }
0x3: {  	s2 =	rddreg [dreg:$0x2];
	s3 =	simm.s32 $0x0  }
0x4: {  	s14 =	stileid.u32;
	s4 =	srdreg.scid;
	s28 =	simm.s32 $0x3400  }
0x5: {  	s29 =	simm.s32 $0x3;
	s30 =	simm.s32 $0x6400;
	s31 =	simm.s32 $0x4  }
0x6: {  	[smem:$0x7FF] =	sst s3;
	s9 =	smul.u32 $0x2700, s14;
	s4 =	sand.u32 $0x1, s4  }
0x7: {  	s5 =	sadd.s32 $0x7200, s0;
	s7 =	smul.u32 $0x4E000, s14;
	s8 =	sadd.s32 $0x2200, s0  }
0x8: {  	s16 =	smul.u32 $0x2710, s14;
	s18 =	sshll.u32 s14, $0x6;
	s19 =	sadd.s32 $0x81600, s0  }
0x9: {  	s22 =	smul.u32 $0x4E2, s14;
	_ =	strace $0x8000004D;
	s6 =	ssub.s32 $0x2, s4  }
0xa: {  	[dreg:$0x9] =	wrdreg s19;
	s20 =	smul.u32 $0x27100, s4;
	p0 =	seq.s32 s4, $0x0  }
0xb: {  	s19 =	simm.s32 $0x100;
	s4 =	simm.s32 $0x7;
	[dreg:$0x6] =	wrdreg s9  }
0xc: {  	s9 =	sadd.s32 s9, s0;
	s10 =	sshrl.u32 s6, $0x1;
	s15 =	sshrl.u32 s7, $0x2  }
0xd: {  	s7 =	sshrl.u32 s16, $0x3;
	s25 =	sadd.s32 s22, s8;
	s26 =	sadd.s32 s22, s5  }
0xe: {  	s16 =	simm.s32 $0x200;
	s22 =	simm.s32 $0x380;
	s11 =	ssub.s32 s6, s10  }
0xf: {  	s13 =	sadd.s32 s15, s2;
	s17 =	sadd.s32 $0x5A600, s9;
	s15 =	sor.u32 $0x1C0D, s18  }
0x10: {  	s9 =	sadd.s32 $0x138000, s2;
	s7 =	sadd.s32 $0x4E0, s7;
	[dreg:$0x4] =	wrdreg s25  }
0x11: {  	s1 =	sadd.s32 s1, s20;
	[dreg:$0x5] =	wrdreg s26;
	s18 =	simm.s32 $0x280  }
0x12: {  	s20 =	simm.s32 $0x300;
	s25 =	simm.s32 $0x400;
	[dreg:$0x7] =	wrdreg s17  }
0x13: {  	s26 =	simm.s32 $0x2;
	s21 =	sadd.s32 s5, s7;
	[dreg:$0xc] =	wrdreg s1  }
0x14: {  	s23 =	sadd.s32 s8, s7;
	s1 =	simm.s32 $0xC200;
	[dreg:$0x8] =	wrdreg s15  }
0x15: {  	s24 =	smax.u32 s11, $0x1;
	s10 =	sshrl.u32 s13, $0x3;
	[dreg:$0xa] =	wrdreg s21  }
0x16: {  	s17 =	simm.s32 $0x80;
	s5 =	simm.s32 $0x6;
	[dreg:$0xb] =	wrdreg s23  }
0x17: {  	s7 =	simm.s32 $0x8;
	[dreg:$0xd] =	wrdreg s24;
	s1 =	simm.s32 @!p0 $0x33400  }
0x18: {  	p0 =	sne.s32 s14, $0xF;
	s14 =	simm.s32 $0xD;
	s21 =	simm.s32 $0x180  }
0x19: {  	s23 =	simm.s32 $0x1;
	s24 =	simm.s32 $0x60;
	[dreg:$0xe] =	wrdreg s10  }
0x1a: {  	s12 =	sadd.s32 s1, s0;
	s11 =	sshrl.u32 @!p0 s9, $0x3;
	s0 =	simm.s32 $0x9400  }
0x1b: {  	s1 =	simm.s32 $0x5;
	s9 =	simm.s32 $0x0;
	[dreg:$0xf] =	wrdreg s11  }
.LBB2_1:
0x1c: {  	s6 =	rddreg [dreg:$0x7]  }
0x1d: {  	[spmem:s10], [sflag:s15] =	dma.local [hbm:s6], $0x2700  }
0x1e: {  	_ =	swait.ge [sflag:s14], $0x2700  }
0x1f: {  	[sflag:s14] =	ssyncset.done $0x0  }
0x20: {  	s8 =	simm.s32 @!p0 $0xD;
	s6 =	rddreg [dreg:$0x9];
	[sflag:s14] =	ssyncadd.s32 $0xFFFFD900  }
0x21: {  	[spmem:s11], [sflag:s15] =	dma.local @!p0 [hbm:s6], $0x100  }
0x22: {  	_ =	swait.ge @!p0 [sflag:s8], $0x100  }
0x23: {  	[sflag:s8] =	ssyncset.done @!p0 $0x0  }
0x24: {  	p1 =	por $0x1, $0x1;
	[sflag:s8] =	ssyncadd.s32 @!p0 $0xFFFFFF00  }
0x25: {  	s8 =	simm.s32 @!p1 $0x9;
	[bflag:$0x0] =	sbarrier.arrive $0xFFFF  }
0x26: {  	_ =	swait.ge @!p1 [sflag:s8], $0x3000  }
0x27: {  	s15 =	rddreg [dreg:$0x5];
	[sflag:s8] =	ssyncset.done @!p1 $0x0  }
0x28: {  	s6 =	rddreg [dreg:$0x4];
	[sflag:s8] =	ssyncadd.s32 @!p1 $0xFFFFD000;
	s8 =	sadd.s32 $0x0, s15  }
0x29: {  	[tilespmem:s3], [sflag:$0x1] =	stream.linear.gather [hbm4b:s8+s3], $0x60, $0x38;
	[tilespmem:$0x1FD80] =	vst v63  }
0x2a: {  	s11 =	simm.s32 @!p1 $0xA;
	s10 =	sadd.s32 $0x0, s6  }
0x2b: {  	[tilespmem:s16], [sflag:$0x1] =	stream.linear.gather [hbm4b:s10+s3], $0x60, $0x38;
	[tilespmem:$0x1FD80] =	vst v63  }
0x2c: {  	_ =	swait.ge @!p1 [sflag:s11], $0x3000  }
0x2d: {  	[sflag:s11] =	ssyncset.done @!p1 $0x0  }
0x2e: {  	s13 =	sadd.s32 $0xC, s8;
	[sflag:s11] =	ssyncadd.s32 @!p1 $0xFFFFD000  }
0x2f: {  	[tilespmem:s17], [sflag:$0x2] =	stream.linear.gather [hbm4b:s13+s3], $0x60, $0x38;
	[tilespmem:$0x1FD80] =	vst v63  }
0x30: {  	s15 =	sadd.s32 $0xC, s10;
	s11 =	simm.s32 @!p1 $0xB  }
0x31: {  	[tilespmem:s18], [sflag:$0x2] =	stream.linear.gather [hbm4b:s15+s3], $0x60, $0x38;
	[tilespmem:$0x1FD80] =	vst v63  }
0x32: {  	_ =	swait.ge @!p1 [sflag:s11], $0x3000  }
0x33: {  	[sflag:s11] =	ssyncset.done @!p1 $0x0  }
0x34: {  	s6 =	sadd.s32 $0x18, s8;
	[sflag:s11] =	ssyncadd.s32 @!p1 $0xFFFFD000  }
0x35: {  	[tilespmem:s19], [sflag:$0x3] =	stream.linear.gather [hbm4b:s6+s3], $0x60, $0x38;
	[tilespmem:$0x1FD80] =	vst v63  }
0x36: {  	s13 =	sadd.s32 $0x18, s10;
	s11 =	simm.s32 @!p1 $0xC  }
0x37: {  	[tilespmem:s20], [sflag:$0x3] =	stream.linear.gather [hbm4b:s13+s3], $0x60, $0x38;
	[tilespmem:$0x1FD80] =	vst v63  }
0x38: {  	_ =	swait.ge @!p1 [sflag:s11], $0x3000  }
0x39: {  	[sflag:s11] =	ssyncset.done @!p1 $0x0  }
0x3a: {  	s8 =	sadd.s32 $0x24, s8;
	[sflag:s11] =	ssyncadd.s32 @!p1 $0xFFFFD000  }
0x3b: {  	[tilespmem:s21], [sflag:$0x4] =	stream.linear.gather [hbm4b:s8+s3], $0x60, $0x38;
	[tilespmem:$0x1FD80] =	vst v63  }
0x3c: {  	s15 =	sadd.s32 $0x24, s10  }
0x3d: {  	[tilespmem:s22], [sflag:$0x4] =	stream.linear.gather [hbm4b:s15+s3], $0x60, $0x38;
	[tilespmem:$0x1FD80] =	vst v63  }
0x3e: {  	_ =	swait.ge [sflag:s23], $0x60  }
0x3f: {  	[sflag:s23] =	ssyncset.done $0x0  }
0x40: {  	[sflag:s23] =	ssyncadd.s32 $0xFFFFFFA0  }
0x41: {  	_ =	swait.ge [sflag:s23], $0x60  }
0x42: {  	[sflag:s23] =	ssyncset.done $0x0  }
0x43: {  	[sflag:s23] =	ssyncadd.s32 $0xFFFFFFA0  }
0x44: {  	[tilespmem:s25], [sflag:$0x5] =	stream.indirect.gather [hbm4b:s12+s24], $0x80, s3, s24, $0xb8;
	[tilespmem:$0x1FD80] =	vst v63  }
0x45: {  	_ =	swait.ge [sflag:s26], $0x60  }
0x46: {  	[sflag:s26] =	ssyncset.done $0x0  }
0x47: {  	[sflag:s26] =	ssyncadd.s32 $0xFFFFFFA0  }
0x48: {  	_ =	swait.ge [sflag:s26], $0x60  }
0x49: {  	[sflag:s26] =	ssyncset.done $0x0  }
0x4a: {  	[sflag:s26] =	ssyncadd.s32 $0xFFFFFFA0  }
0x4b: {  	[tilespmem:s28], [sflag:$0x6] =	stream.indirect.gather [hbm4b:s12+s24], $0x80, s17, s24, $0xb8;
	[tilespmem:$0x1FD80] =	vst v63  }
0x4c: {  	_ =	swait.ge [sflag:s29], $0x60  }
0x4d: {  	[sflag:s29] =	ssyncset.done $0x0  }
0x4e: {  	[sflag:s29] =	ssyncadd.s32 $0xFFFFFFA0  }
0x4f: {  	_ =	swait.ge [sflag:s29], $0x60  }
0x50: {  	[sflag:s29] =	ssyncset.done $0x0  }
0x51: {  	[sflag:s29] =	ssyncadd.s32 $0xFFFFFFA0  }
0x52: {  	[tilespmem:s30], [sflag:$0x7] =	stream.indirect.gather [hbm4b:s12+s24], $0x80, s19, s24, $0xb8;
	[tilespmem:$0x1FD80] =	vst v63  }
0x53: {  	_ =	swait.ge [sflag:s31], $0x60  }
0x54: {  	[sflag:s31] =	ssyncset.done $0x0  }
0x55: {  	[sflag:s31] =	ssyncadd.s32 $0xFFFFFFA0  }
0x56: {  	_ =	swait.ge [sflag:s31], $0x60  }
0x57: {  	[sflag:s31] =	ssyncset.done $0x0  }
0x58: {  	[sflag:s31] =	ssyncadd.s32 $0xFFFFFFA0  }
0x59: {  	[tilespmem:s0], [sflag:$0x8] =	stream.indirect.gather [hbm4b:s12+s24], $0x80, s21, s24, $0xb8;
	[tilespmem:$0x1FD80] =	vst v63  }
0x5a: {  	_ =	swait.ge [sflag:s1], $0x3000  }
0x5b: {  	[sflag:s1] =	ssyncset.done $0x0  }
0x5c: {  	[sflag:s1] =	ssyncadd.s32 $0xFFFFD000  }
0x5d: {  	[spmem:s2] =	stream.indirect.scatter.add.f32 [tilespmem:s25], [sflag:$0x9], $0x80, s16, s24, $0xb8;
	[tilespmem:$0x1FD80] =	vst v63  }
0x5e: {  	_ =	swait.ge [sflag:s5], $0x3000  }
0x5f: {  	[sflag:s5] =	ssyncset.done $0x0  }
0x60: {  	[sflag:s5] =	ssyncadd.s32 $0xFFFFD000  }
0x61: {  	[spmem:s2] =	stream.indirect.scatter.add.f32 [tilespmem:s28], [sflag:$0xA], $0x80, s18, s24, $0xb8;
	[tilespmem:$0x1FD80] =	vst v63  }
0x62: {  	_ =	swait.ge [sflag:s4], $0x3000  }
0x63: {  	[sflag:s4] =	ssyncset.done $0x0  }
0x64: {  	[sflag:s4] =	ssyncadd.s32 $0xFFFFD000  }
0x65: {  	[spmem:s2] =	stream.indirect.scatter.add.f32 [tilespmem:s30], [sflag:$0xB], $0x80, s20, s24, $0xb8;
	[tilespmem:$0x1FD80] =	vst v63  }
0x66: {  	p2 =	por $0x0, $0x0;
	_ =	swait.ge [sflag:s7], $0x3000  }
0x67: {  	s11 =	simm.s32 $0x30;
	s8 =	simm.s32 $0x60;
	[sflag:s7] =	ssyncset.done $0x0  }
.LBB2_2:
0x68: {  	s10 =	simm.s32 @!p2 $0x9;
	[sflag:s7] =	ssyncadd.s32 $0xFFFFD000  }
0x69: {  	[spmem:s2] =	stream.indirect.scatter.add.f32 [tilespmem:s0], [sflag:$0xC], $0x80, s22, s24, $0xb8;
	[tilespmem:$0x1FD80] =	vst v63  }
0x6a: {  	_ =	swait.ge @!p2 [sflag:s10], $0x3000  }
0x6b: {  	[sflag:s10] =	ssyncset.done @!p2 $0x0;
	s15 =	rddreg [dreg:$0x5]  }
0x6c: {  	s6 =	rddreg [dreg:$0x4];
	[sflag:s10] =	ssyncadd.s32 @!p2 $0xFFFFD000;
	s15 =	sadd.s32 s11, s15  }
0x6d: {  	[tilespmem:s3], [sflag:$0x1] =	stream.linear.gather [hbm4b:s15+s3], $0x60, $0x38;
	[tilespmem:$0x1FD80] =	vst v63  }
0x6e: {  	s10 =	sadd.s32 s11, s6;
	s6 =	simm.s32 @!p2 $0xA  }
0x6f: {  	[tilespmem:s16], [sflag:$0x1] =	stream.linear.gather [hbm4b:s10+s3], $0x60, $0x38;
	[tilespmem:$0x1FD80] =	vst v63  }
0x70: {  	_ =	swait.ge @!p2 [sflag:s6], $0x3000  }
0x71: {  	s13 =	smov.u32 s8;
	[sflag:s6] =	ssyncset.done @!p2 $0x0  }
0x72: {  	s11 =	smov.u32 s13;
	s13 =	sadd.s32 $0xC, s15;
	[sflag:s6] =	ssyncadd.s32 @!p2 $0xFFFFD000  }
0x73: {  	[tilespmem:s17], [sflag:$0x2] =	stream.linear.gather [hbm4b:s13+s3], $0x60, $0x38;
	[tilespmem:$0x1FD80] =	vst v63  }
0x74: {  	s6 =	sadd.s32 $0xC, s10;
	s13 =	simm.s32 @!p2 $0xB  }
0x75: {  	[tilespmem:s18], [sflag:$0x2] =	stream.linear.gather [hbm4b:s6+s3], $0x60, $0x38;
	[tilespmem:$0x1FD80] =	vst v63  }
0x76: {  	_ =	swait.ge @!p2 [sflag:s13], $0x3000  }
0x77: {  	[sflag:s13] =	ssyncset.done @!p2 $0x0  }
0x78: {  	[sflag:s13] =	ssyncadd.s32 @!p2 $0xFFFFD000;
	s13 =	sadd.s32 $0x18, s15  }
0x79: {  	[tilespmem:s19], [sflag:$0x3] =	stream.linear.gather [hbm4b:s13+s3], $0x60, $0x38;
	[tilespmem:$0x1FD80] =	vst v63  }
0x7a: {  	s6 =	sadd.s32 $0x18, s10;
	s13 =	simm.s32 @!p2 $0xC  }
0x7b: {  	[tilespmem:s20], [sflag:$0x3] =	stream.linear.gather [hbm4b:s6+s3], $0x60, $0x38;
	[tilespmem:$0x1FD80] =	vst v63  }
0x7c: {  	_ =	swait.ge @!p2 [sflag:s13], $0x3000  }
0x7d: {  	[sflag:s13] =	ssyncset.done @!p2 $0x0  }
0x7e: {  	[sflag:s13] =	ssyncadd.s32 @!p2 $0xFFFFD000;
	s13 =	sadd.s32 $0x24, s15  }
0x7f: {  	[tilespmem:s21], [sflag:$0x4] =	stream.linear.gather [hbm4b:s13+s3], $0x60, $0x38;
	[tilespmem:$0x1FD80] =	vst v63  }
0x80: {  	s15 =	sadd.s32 $0x24, s10  }
0x81: {  	[tilespmem:s22], [sflag:$0x4] =	stream.linear.gather [hbm4b:s15+s3], $0x60, $0x38;
	[tilespmem:$0x1FD80] =	vst v63  }
0x82: {  	_ =	swait.ge [sflag:s23], $0x60  }
0x83: {  	[sflag:s23] =	ssyncset.done $0x0  }
0x84: {  	[sflag:s23] =	ssyncadd.s32 $0xFFFFFFA0  }
0x85: {  	_ =	swait.ge [sflag:s23], $0x60  }
0x86: {  	[sflag:s23] =	ssyncset.done $0x0  }
0x87: {  	[sflag:s23] =	ssyncadd.s32 $0xFFFFFFA0  }
0x88: {  	[tilespmem:s25], [sflag:$0x5] =	stream.indirect.gather [hbm4b:s12+s24], $0x80, s3, s24, $0xb8;
	[tilespmem:$0x1FD80] =	vst v63  }
0x89: {  	_ =	swait.ge [sflag:s26], $0x60  }
0x8a: {  	[sflag:s26] =	ssyncset.done $0x0  }
0x8b: {  	[sflag:s26] =	ssyncadd.s32 $0xFFFFFFA0  }
0x8c: {  	_ =	swait.ge [sflag:s26], $0x60  }
0x8d: {  	[sflag:s26] =	ssyncset.done $0x0  }
0x8e: {  	[sflag:s26] =	ssyncadd.s32 $0xFFFFFFA0  }
0x8f: {  	[tilespmem:s28], [sflag:$0x6] =	stream.indirect.gather [hbm4b:s12+s24], $0x80, s17, s24, $0xb8;
	[tilespmem:$0x1FD80] =	vst v63  }
0x90: {  	_ =	swait.ge [sflag:s29], $0x60  }
0x91: {  	[sflag:s29] =	ssyncset.done $0x0  }
0x92: {  	[sflag:s29] =	ssyncadd.s32 $0xFFFFFFA0  }
0x93: {  	_ =	swait.ge [sflag:s29], $0x60  }
0x94: {  	[sflag:s29] =	ssyncset.done $0x0  }
0x95: {  	[sflag:s29] =	ssyncadd.s32 $0xFFFFFFA0  }
0x96: {  	[tilespmem:s30], [sflag:$0x7] =	stream.indirect.gather [hbm4b:s12+s24], $0x80, s19, s24, $0xb8;
	[tilespmem:$0x1FD80] =	vst v63  }
0x97: {  	_ =	swait.ge [sflag:s31], $0x60  }
0x98: {  	[sflag:s31] =	ssyncset.done $0x0  }
0x99: {  	[sflag:s31] =	ssyncadd.s32 $0xFFFFFFA0  }
0x9a: {  	_ =	swait.ge [sflag:s31], $0x60  }
0x9b: {  	[sflag:s31] =	ssyncset.done $0x0  }
0x9c: {  	[sflag:s31] =	ssyncadd.s32 $0xFFFFFFA0  }
0x9d: {  	[tilespmem:s0], [sflag:$0x8] =	stream.indirect.gather [hbm4b:s12+s24], $0x80, s21, s24, $0xb8;
	[tilespmem:$0x1FD80] =	vst v63  }
0x9e: {  	_ =	swait.ge [sflag:s1], $0x3000  }
0x9f: {  	[sflag:s1] =	ssyncset.done $0x0  }
0xa0: {  	[sflag:s1] =	ssyncadd.s32 $0xFFFFD000  }
0xa1: {  	[spmem:s2] =	stream.indirect.scatter.add.f32 [tilespmem:s25], [sflag:$0x9], $0x80, s16, s24, $0xb8;
	[tilespmem:$0x1FD80] =	vst v63  }
0xa2: {  	_ =	swait.ge [sflag:s5], $0x3000  }
0xa3: {  	[sflag:s5] =	ssyncset.done $0x0  }
0xa4: {  	s8 =	sadd.s32 $0x30, s8;
	[sflag:s5] =	ssyncadd.s32 $0xFFFFD000  }
0xa5: {  	[spmem:s2] =	stream.indirect.scatter.add.f32 [tilespmem:s28], [sflag:$0xA], $0x80, s18, s24, $0xb8;
	[tilespmem:$0x1FD80] =	vst v63  }
0xa6: {  	p1 =	sne.s32 s8, $0x4E0;
	_ =	swait.ge [sflag:s4], $0x3000  }
.Ltmp0:
0xa7: {  	[sflag:s4] =	ssyncset.done $0x0;
	(pc) =	sbr.rel @p1 .LBB2_2-.Ltmp0, $4  }
0xa8: {  	[sflag:s4] =	ssyncadd.s32 $0xFFFFD000  }
0xa9: {  	[spmem:s2] =	stream.indirect.scatter.add.f32 [tilespmem:s30], [sflag:$0xB], $0x80, s20, s24, $0xb8;
	[tilespmem:$0x1FD80] =	vst v63  }
0xaa: {  	_ =	swait.ge [sflag:s7], $0x3000  }
0xab: {  	p2 =	seq.s32 s11, $0x0;
	[sflag:s7] =	ssyncset.done $0x0  }
0xac: {  	s6 =	simm.s32 @!p2 $0x9;
	[sflag:s7] =	ssyncadd.s32 $0xFFFFD000  }
0xad: {  	[spmem:s2] =	stream.indirect.scatter.add.f32 [tilespmem:s0], [sflag:$0xC], $0x80, s22, s24, $0xb8;
	[tilespmem:$0x1FD80] =	vst v63  }
0xae: {  	_ =	swait.ge @!p2 [sflag:s6], $0x3000  }
0xaf: {  	s8 =	rddreg [dreg:$0x5];
	[sflag:s6] =	ssyncset.done @!p2 $0x0  }
0xb0: {  	s10 =	rddreg [dreg:$0x4];
	[sflag:s6] =	ssyncadd.s32 @!p2 $0xFFFFD000;
	s6 =	sadd.s32 s11, s8  }
0xb1: {  	[tilespmem:s3], [sflag:$0x1] =	stream.linear.gather [hbm4b:s6+s3], $0x60, $0x38;
	[tilespmem:$0x1FD80] =	vst v63  }
0xb2: {  	s8 =	sadd.s32 s11, s10;
	s10 =	simm.s32 @!p2 $0xA  }
0xb3: {  	[tilespmem:s16], [sflag:$0x1] =	stream.linear.gather [hbm4b:s8+s3], $0x60, $0x38;
	[tilespmem:$0x1FD80] =	vst v63  }
0xb4: {  	_ =	swait.ge @!p2 [sflag:s10], $0x3000  }
0xb5: {  	[sflag:s10] =	ssyncset.done @!p2 $0x0  }
0xb6: {  	s15 =	sadd.s32 $0xC, s6;
	[sflag:s10] =	ssyncadd.s32 @!p2 $0xFFFFD000  }
0xb7: {  	[tilespmem:s17], [sflag:$0x2] =	stream.linear.gather [hbm4b:s15+s3], $0x60, $0x38;
	[tilespmem:$0x1FD80] =	vst v63  }
0xb8: {  	s11 =	sadd.s32 $0xC, s8;
	s10 =	simm.s32 @!p2 $0xB  }
0xb9: {  	[tilespmem:s18], [sflag:$0x2] =	stream.linear.gather [hbm4b:s11+s3], $0x60, $0x38;
	[tilespmem:$0x1FD80] =	vst v63  }
0xba: {  	_ =	swait.ge @!p2 [sflag:s10], $0x3000  }
0xbb: {  	[sflag:s10] =	ssyncset.done @!p2 $0x0  }
0xbc: {  	s13 =	sadd.s32 $0x18, s6;
	[sflag:s10] =	ssyncadd.s32 @!p2 $0xFFFFD000  }
0xbd: {  	[tilespmem:s19], [sflag:$0x3] =	stream.linear.gather [hbm4b:s13+s3], $0x60, $0x38;
	[tilespmem:$0x1FD80] =	vst v63  }
0xbe: {  	s15 =	sadd.s32 $0x18, s8;
	s10 =	simm.s32 @!p2 $0xC  }
0xbf: {  	[tilespmem:s20], [sflag:$0x3] =	stream.linear.gather [hbm4b:s15+s3], $0x60, $0x38;
	[tilespmem:$0x1FD80] =	vst v63  }
0xc0: {  	_ =	swait.ge @!p2 [sflag:s10], $0x3000  }
0xc1: {  	[sflag:s10] =	ssyncset.done @!p2 $0x0  }
0xc2: {  	s6 =	sadd.s32 $0x24, s6;
	[sflag:s10] =	ssyncadd.s32 @!p2 $0xFFFFD000  }
0xc3: {  	[tilespmem:s21], [sflag:$0x4] =	stream.linear.gather [hbm4b:s6+s3], $0x60, $0x38;
	[tilespmem:$0x1FD80] =	vst v63  }
0xc4: {  	s8 =	sadd.s32 $0x24, s8  }
0xc5: {  	[tilespmem:s22], [sflag:$0x4] =	stream.linear.gather [hbm4b:s8+s3], $0x60, $0x38;
	[tilespmem:$0x1FD80] =	vst v63  }
0xc6: {  	_ =	swait.ge [sflag:s23], $0x60  }
0xc7: {  	[sflag:s23] =	ssyncset.done $0x0  }
0xc8: {  	[sflag:s23] =	ssyncadd.s32 $0xFFFFFFA0  }
0xc9: {  	_ =	swait.ge [sflag:s23], $0x60  }
0xca: {  	[sflag:s23] =	ssyncset.done $0x0  }
0xcb: {  	[sflag:s23] =	ssyncadd.s32 $0xFFFFFFA0  }
0xcc: {  	[tilespmem:s25], [sflag:$0x5] =	stream.indirect.gather [hbm4b:s12+s24], $0x80, s3, s24, $0xb8;
	[tilespmem:$0x1FD80] =	vst v63  }
0xcd: {  	_ =	swait.ge [sflag:s26], $0x60  }
0xce: {  	[sflag:s26] =	ssyncset.done $0x0  }
0xcf: {  	[sflag:s26] =	ssyncadd.s32 $0xFFFFFFA0  }
0xd0: {  	_ =	swait.ge [sflag:s26], $0x60  }
0xd1: {  	[sflag:s26] =	ssyncset.done $0x0  }
0xd2: {  	[sflag:s26] =	ssyncadd.s32 $0xFFFFFFA0  }
0xd3: {  	[tilespmem:s28], [sflag:$0x6] =	stream.indirect.gather [hbm4b:s12+s24], $0x80, s17, s24, $0xb8;
	[tilespmem:$0x1FD80] =	vst v63  }
0xd4: {  	_ =	swait.ge [sflag:s29], $0x60  }
0xd5: {  	[sflag:s29] =	ssyncset.done $0x0  }
0xd6: {  	[sflag:s29] =	ssyncadd.s32 $0xFFFFFFA0  }
0xd7: {  	_ =	swait.ge [sflag:s29], $0x60  }
0xd8: {  	[sflag:s29] =	ssyncset.done $0x0  }
0xd9: {  	[sflag:s29] =	ssyncadd.s32 $0xFFFFFFA0  }
0xda: {  	[tilespmem:s30], [sflag:$0x7] =	stream.indirect.gather [hbm4b:s12+s24], $0x80, s19, s24, $0xb8;
	[tilespmem:$0x1FD80] =	vst v63  }
0xdb: {  	_ =	swait.ge [sflag:s31], $0x60  }
0xdc: {  	[sflag:s31] =	ssyncset.done $0x0  }
0xdd: {  	[sflag:s31] =	ssyncadd.s32 $0xFFFFFFA0  }
0xde: {  	_ =	swait.ge [sflag:s31], $0x60  }
0xdf: {  	[sflag:s31] =	ssyncset.done $0x0  }
0xe0: {  	[sflag:s31] =	ssyncadd.s32 $0xFFFFFFA0  }
0xe1: {  	[tilespmem:s0], [sflag:$0x8] =	stream.indirect.gather [hbm4b:s12+s24], $0x80, s21, s24, $0xb8;
	[tilespmem:$0x1FD80] =	vst v63  }
0xe2: {  	_ =	swait.ge [sflag:s1], $0x3000  }
0xe3: {  	[sflag:s1] =	ssyncset.done $0x0  }
0xe4: {  	[sflag:s1] =	ssyncadd.s32 $0xFFFFD000  }
0xe5: {  	[spmem:s2] =	stream.indirect.scatter.add.f32 [tilespmem:s25], [sflag:$0x9], $0x80, s16, s24, $0xb8;
	[tilespmem:$0x1FD80] =	vst v63  }
0xe6: {  	_ =	swait.ge [sflag:s5], $0x3000  }
0xe7: {  	[sflag:s5] =	ssyncset.done $0x0  }
0xe8: {  	[sflag:s5] =	ssyncadd.s32 $0xFFFFD000  }
0xe9: {  	[spmem:s2] =	stream.indirect.scatter.add.f32 [tilespmem:s28], [sflag:$0xA], $0x80, s18, s24, $0xb8;
	[tilespmem:$0x1FD80] =	vst v63  }
0xea: {  	_ =	swait.ge [sflag:s4], $0x3000  }
0xeb: {  	[sflag:s4] =	ssyncset.done $0x0  }
0xec: {  	[sflag:s4] =	ssyncadd.s32 $0xFFFFD000  }
0xed: {  	[spmem:s2] =	stream.indirect.scatter.add.f32 [tilespmem:s30], [sflag:$0xB], $0x80, s20, s24, $0xb8;
	[tilespmem:$0x1FD80] =	vst v63  }
0xee: {  	_ =	swait.ge [sflag:s7], $0x3000  }
0xef: {  	[sflag:s7] =	ssyncset.done $0x0  }
0xf0: {  	s10 =	simm.s32 $0x9;
	[sflag:s7] =	ssyncadd.s32 $0xFFFFD000  }
0xf1: {  	[spmem:s2] =	stream.indirect.scatter.add.f32 [tilespmem:s0], [sflag:$0xC], $0x80, s22, s24, $0xb8;
	[tilespmem:$0x1FD80] =	vst v63  }
0xf2: {  	_ =	swait.ge [sflag:s10], $0x3000  }
0xf3: {  	[sflag:s10] =	ssyncset.done $0x0  }
0xf4: {  	s11 =	simm.s32 $0xA;
	[sflag:s10] =	ssyncadd.s32 $0xFFFFD000  }
0xf5: {  	_ =	swait.ge [sflag:s11], $0x3000  }
0xf6: {  	[sflag:s11] =	ssyncset.done $0x0  }
0xf7: {  	s13 =	simm.s32 $0xB;
	[sflag:s11] =	ssyncadd.s32 $0xFFFFD000  }
0xf8: {  	_ =	swait.ge [sflag:s13], $0x3000  }
0xf9: {  	[sflag:s13] =	ssyncset.done $0x0  }
0xfa: {  	s15 =	simm.s32 $0xC;
	[sflag:s13] =	ssyncadd.s32 $0xFFFFD000  }
0xfb: {  	_ =	swait.ge [sflag:s15], $0x3000  }
0xfc: {  	[sflag:s15] =	ssyncset.done $0x0  }
0xfd: {  	s10 =	simm.s32 $0xC400;
	s8 =	rddreg [dreg:$0xa];
	[sflag:s15] =	ssyncadd.s32 $0xFFFFD000  }
0xfe: {  	[tilespmem:s10], [sflag:$0xD] =	stream.linear.gather [hbm4b:s8+s3], $0x10, $0x38;
	[tilespmem:$0x1FD80] =	vst v63  }
0xff: {  	_ =	swait.ge [sflag:s14], $0x10  }
0x100: {  	[sflag:s14] =	ssyncset.done $0x0  }
0x101: {  	s13 =	simm.s32 $0xC480;
	s11 =	rddreg [dreg:$0xb];
	[sflag:s14] =	ssyncadd.s32 $0xFFFFFFF0  }
0x102: {  	[tilespmem:s13], [sflag:$0xD] =	stream.linear.gather [hbm4b:s11+s3], $0x10, $0x38;
	[tilespmem:$0x1FD80] =	vst v63  }
0x103: {  	_ =	swait.ge [sflag:s14], $0x10  }
0x104: {  	[sflag:s14] =	ssyncset.done $0x0  }
0x105: {  	s15 =	simm.s32 $0x10;
	[sflag:s14] =	ssyncadd.s32 $0xFFFFFFF0  }
0x106: {  	[tilespmem:s25], [sflag:$0x5] =	stream.indirect.gather [hbm4b:s12+s15], $0x80, s10, s15, $0xb8;
	[tilespmem:$0x1FD80] =	vst v63  }
0x107: {  	_ =	swait.ge [sflag:s1], $0x800  }
0x108: {  	[sflag:s1] =	ssyncset.done $0x0  }
0x109: {  	[sflag:s1] =	ssyncadd.s32 $0xFFFFF800  }
0x10a: {  	[spmem:s2] =	stream.indirect.scatter.add.f32 [tilespmem:s25], [sflag:$0xD], $0x80, s13, s15, $0xb8;
	[tilespmem:$0x1FD80] =	vst v63  }
0x10b: {  	_ =	swait.ge [sflag:s14], $0x800  }
0x10c: {  	[sflag:s14] =	ssyncset.done $0x0  }
0x10d: {  	[sflag:s14] =	ssyncadd.s32 $0xFFFFF800  }
0x10e: {  	[bflag:$0x0] =	sbarrier.arrive $0xFFFF  }
0x10f: {  	s11 =	rddreg [dreg:$0x6]  }
0x110: {  	s8 =	rddreg [dreg:$0xc]  }
0x111: {  	s15 =	rddreg [dreg:$0x8]  }
0x112: {  	s10 =	rddreg [dreg:$0xe];
	s6 =	sadd.s32 s11, s8  }
0x113: {  	[hbm:s6], [sflag:s15] =	dma.local [spmem:s10], $0x2700  }
0x114: {  	_ =	swait.ge [sflag:s14], $0x2700  }
0x115: {  	[sflag:s14] =	ssyncset.done $0x0  }
0x116: {  	s6 =	sadd.s32 @!p0 $0x27000, s8;
	s11 =	rddreg [dreg:$0xf];
	[sflag:s14] =	ssyncadd.s32 $0xFFFFD900  }
0x117: {  	[hbm:s6], [sflag:s15] =	dma.local @!p0 [spmem:s11], $0x100  }
0x118: {  	s6 =	simm.s32 @!p0 $0xD  }
0x119: {  	_ =	swait.ge @!p0 [sflag:s6], $0x100  }
0x11a: {  	s9 =	sadd.s32 $0x1, s9;
	s13 =	rddreg [dreg:$0xd]  }
0x11b: {  	p1 =	sne.s32 s9, s13  }
.Ltmp1:
0x11c: {  	_ = 	snop;
	(pc) =	sbr.rel @p1 .LBB2_1-.Ltmp1, $3  }
0x11d: {  	_ =	sdelay $0x1  }
0x11e: {  	[sflag:s6] =	ssyncset.done @!p0 $0x0  }
0x11f: {  	[sflag:s6] =	ssyncadd.s32 @!p0 $0xFFFFFF00  }
0x120: {  	_ =	sfence.sel $0x180000  }
0x121: {  	[bflag:$0x0] =	sbarrier.arrive $0xFFFF  }
0x122: {  	_ =	strace $0x9000004D  }
0x123: {  	s0 =	stileid.u32;
	[bflag:$0x2] =	sbarrier.arrive $0xFFFF  }
0x124: {  	p0 =	sne.s32 s0, $0x0;
	s0 =	rddreg [dreg:$0x3]  }
0x125: {  	s0 =	sadd.s32 @!p0 $0x100000, s0  }
0x126: {  	[sflag:s0] =	ssyncadd.tile.s32 @!p0 $0x1;
	_ =	shalt  }
.Lfunc_end2:
_tile_overlayer_lowered:
.L_overlay_start_2:
0x127: {  	(tag) =	ssettag $0x2  }
0x128: {  	s0 =	rddreg [dreg:$0x0];
	s2 =	stileid.u32  }
0x129: {  	s1 =	rddreg [dreg:$0x1];
	p0 =	sne.s32 s2, $0x0  }
0x12a: {  	s3 =	rddreg [dreg:$0x2];
	[bflag:$0x3] =	sbarrier.arrive $0xFFFF;
	s2 =	simm.s32 @!p0 $0x1C0D  }
0x12b: {  	[timem:s3], [sflag:s2] =	dma.local @!p0 [hbm:s0], s1  }
0x12c: {  	s0 =	simm.s32 @!p0 $0xD  }
0x12d: {  	_ =	swait.ge @!p0 [sflag:s0], s1  }
0x12e: {  	s1 =	ssub.s32 @!p0 $0x0, s1;
	[sflag:s0] =	ssyncset.done @!p0 $0x0  }
0x12f: {  	[sflag:s0] =	ssyncadd.s32 @!p0 s1  }
0x130: {  	[bflag:$0x3] =	sbarrier.arrive $0xFFFF  }
0x131: {  	_ =	shalt  }

</sc_bundles>
